<compile_context>
chip_gen: v7x
topology: tpu7x:2x2x1
jax: 0.10.2.dev20260603
libtpu: 0.0.44.dev20260713+nightly
codegen_flags: <defaults>
</compile_context>

<pallas_src>
import functools

import numpy as np
import jax
import jax.numpy as jnp
from jax import lax
from jax.experimental import pallas as pl
from jax.experimental.pallas import tpu as pltpu
from jax.experimental.pallas import tpu_sc as plsc

K = 2048
B, C, H, W = 4, 19, 512, 512
N = H * W
PAIRS = B * C
HB = 64
NC, NS, L = 2, 16, 16
NW = NC * NS
CHUNKROWS = 64
NPSC = PAIRS // NC
HPSC = 2 * NPSC
ROWS_HP = H // 2


def _bins_body(logits_ref, labels_ref, out_ref):
    x = logits_ref[0]
    m = jnp.max(x, axis=0, keepdims=True)
    ex = jnp.exp(x - m)
    s = jnp.sum(ex, axis=0, keepdims=True)
    u = jnp.minimum((ex * (K / s)).astype(jnp.int32), K - 1)
    lbl = labels_ref[0]
    cidx = lax.broadcasted_iota(jnp.int32, (C, HB, W), 0)
    fg = lbl[None, :, :] == cidx
    out_ref[0] = jnp.where(fg, K + u, (K - 1) - u)


_bins_call = pl.pallas_call(
    _bins_body,
    grid=(B, H // HB),
    in_specs=[
        pl.BlockSpec((1, C, HB, W), lambda b, h: (b, 0, h, 0)),
        pl.BlockSpec((1, HB, W), lambda b, h: (b, h, 0)),
    ],
    out_specs=pl.BlockSpec((1, C, HB, W), lambda b, h: (b, 0, h, 0)),
    out_shape=jax.ShapeDtypeStruct((B, C, H, W), jnp.int32),
)


@functools.partial(
    pl.kernel,
    mesh=plsc.VectorSubcoreMesh(core_axis_name="c", subcore_axis_name="s"),
    out_type=jax.ShapeDtypeStruct((PAIRS, L), jnp.float32),
    scratch_types=[
        pltpu.VMEM((CHUNKROWS, W), jnp.int32),
        pltpu.VMEM((CHUNKROWS, W), jnp.int32),
        pltpu.VMEM((2 * K,), jnp.float32),
        pltpu.VMEM((2 * K,), jnp.float32),
        pltpu.VMEM((2 * K,), jnp.float32),
        pltpu.VMEM((L,), jnp.float32),
        pltpu.VMEM_SHARED((HPSC + 4, 2 * K), jnp.float32),
        pltpu.SemaphoreType.DMA,
        pltpu.SemaphoreType.DMA,
    ],
    compiler_params=pltpu.CompilerParams(needs_layout_passes=False),
)
def _sc_hist_loss(idx_hbm, out_hbm, buf0, buf1, hist, hbA, hbB,
                  rowbuf, shared, sem0, sem1):
    c = lax.axis_index("c")
    t = lax.axis_index("s")
    ones = jnp.ones((L,), jnp.float32)
    zeros = jnp.zeros((L,), jnp.float32)
    bufs = ((buf0, sem0), (buf1, sem1))

    @plsc.parallel_loop(0, 2 * K, step=L, unroll=8)
    def _(i):
        hist[pl.ds(i, L)] = zeros

    cnt = jnp.where(t < 12, 5, 4)
    base = 5 * t - jnp.maximum(t - 12, 0)
    nq = 4 * cnt

    for qi in range(2):
        row0 = (base & 1) * ROWS_HP + qi * CHUNKROWS
        pltpu.async_copy(
            idx_hbm.at[c * NPSC + lax.shift_right_logical(base, 1),
                       pl.ds(row0, CHUNKROWS)],
            bufs[qi][0], bufs[qi][1])

    def qbody(q, _):
        for bi, (bb, ss) in enumerate(bufs):
            qq = q * 2 + bi
            pltpu.make_async_copy(
                idx_hbm.at[0, pl.ds(0, CHUNKROWS)], bb, ss).wait()

            @plsc.parallel_loop(0, CHUNKROWS, step=1, unroll=2)
            def _(r):
                for jj in range(W // L):
                    plsc.addupdate_scatter(
                        hist, [bb[r, pl.ds(jj * L, L)]], ones)

            nxt = qq + 2

            @pl.when(nxt < nq)
            def _():
                hp = base + lax.shift_right_logical(nxt, 2)
                row = (hp & 1) * ROWS_HP + (nxt & 3) * CHUNKROWS
                pltpu.async_copy(
                    idx_hbm.at[c * NPSC + lax.shift_right_logical(hp, 1),
                               pl.ds(row, CHUNKROWS)], bb, ss)

            @pl.when((qq & 3) == 3)
            def _():
                hp = base + lax.shift_right_logical(qq, 2)
                pltpu.sync_copy(hist, shared.at[hp])

                @plsc.parallel_loop(0, 2 * K, step=L, unroll=8)
                def _(i):
                    hist[pl.ds(i, L)] = zeros
        return 0

    lax.fori_loop(0, 2 * cnt, qbody, 0)
    plsc.subcore_barrier()

    for k in range(3):
        lp = t + NS * k

        @pl.when(lp < NPSC)
        def _():
            pltpu.sync_copy(shared.at[2 * lp], hbA)
            pltpu.sync_copy(shared.at[2 * lp + 1], hbB)

            def gbody(i, acc):
                return (acc + hbA[pl.ds(K + i * L, L)]
                        + hbB[pl.ds(K + i * L, L)])
            G = jnp.sum(lax.fori_loop(0, K // L, gbody, zeros))

            def jbody(i, carry):
                cn, cp, accj = carry
                bg = hbA[pl.ds(i * L, L)] + hbB[pl.ds(i * L, L)]
                fgv = (hbA[pl.ds(K + i * L, L)]
                       + hbB[pl.ds(K + i * L, L)])
                n = bg + fgv
                cumn = plsc.cumsum(n) + cn
                cump = plsc.cumsum(fgv) + cp
                inter = G - cump
                union = jnp.maximum(G + cumn - cump, 1.0)
                jac = 1.0 - inter / union
                return (cn + jnp.sum(n), cp + jnp.sum(fgv), accj + jac)

            init = (jnp.float32(0.0), jnp.float32(0.0), zeros)
            cn, cp, accj = lax.fori_loop(0, K // L, jbody, init)
            pres = (G > 0.0).astype(jnp.float32)
            loss = pres * (jnp.sum(accj) - 0.5) * (1.0 / K)
            lane = lax.broadcasted_iota(jnp.int32, (L,), 0)
            rowbuf[...] = jnp.where(
                lane == 0, loss,
                jnp.where(lane == 1, pres,
                          jnp.where(lane == 2, G,
                                    jnp.where(lane == 3, cn,
                                              jnp.where(lane == 4, cp, 0.0)))))
            pltpu.sync_copy(rowbuf, out_hbm.at[c * NPSC + lp])


def kernel(logits, labels):
    bins = _bins_call(logits, labels)
    res = _sc_hist_loss(bins.reshape(PAIRS, H, W))
    loss = res[:, 0].reshape(B, C)
    pres = res[:, 1].reshape(B, C)
    per_b = jnp.sum(loss, axis=1) / jnp.sum(pres, axis=1)
    return jnp.mean(per_b)

# --- scband reference (transcript-rebuilt; emitter-appended) ---
"""Pipeline reference for scband-lovasz-softmax-8194797600920 (READ-ONLY COPY).

The authoritative reference and input builder live on the scoring server;
editing this copy changes nothing except your own understanding.
"""

import jax, jax.numpy as jnp
import numpy as np


def lovasz_grad(gt_sorted):
    gts = jnp.sum(gt_sorted)
    intersection = gts - jnp.cumsum(gt_sorted, axis=0)
    union = gts + jnp.cumsum(1.0 - gt_sorted, axis=0)
    jaccard = 1.0 - intersection / union
    jaccard = jnp.concatenate([jaccard[:1], jaccard[1:] - jaccard[:-1]], axis=0)
    return jaccard


def lovasz_softmax_flat(prb, lbl):
    C = prb.shape[0]
    prb = jnp.transpose(prb, (1, 2, 0)).reshape(-1, C)
    lbl = lbl.reshape(-1)
    total_loss = 0.0
    cnt = 0.0
    for c in range(C):
        fg = (lbl == c).astype(jnp.float32)
        present = (jnp.sum(fg) > 0).astype(jnp.float32)
        errors = jnp.abs(fg - prb[:, c])
        perm = jnp.argsort(-errors)
        errors_sorted = errors[perm]
        fg_sorted = fg[perm]
        loss_c = jnp.dot(errors_sorted, lovasz_grad(fg_sorted))
        total_loss = total_loss + present * loss_c
        cnt = cnt + present
    return total_loss / cnt


def setup_inputs(seed: int = 0):
    key = jax.random.key(seed)
    k1, k2 = jax.random.split(key)
    logits = jax.random.normal(k1, (4, 19, 512, 512), dtype=jnp.float32)
    labels = jax.random.randint(k2, (4, 512, 512), 0, 19, dtype=jnp.int32)
    return {"logits": logits, "labels": labels}


def reference(logits, labels):
    probas = jax.nn.softmax(logits, axis=1)
    B = logits.shape[0]
    total_loss = 0.0
    for b in range(B):
        total_loss = total_loss + lovasz_softmax_flat(probas[b], labels[b])
    return total_loss / B

if __name__ == "__main__":
    import jax
    _d = setup_inputs()
    print(jax.jit(kernel)(*tuple(_d.values())))

</pallas_src>

<mosaic_0001>
#map = affine_map<(d0, d1) -> (0, 0, 0)>
#map1 = affine_map<(d0, d1) -> (0, 0)>
module attributes {stable_mosaic.version = 14 : i64} {
  func.func @_sc_hist_loss(%arg0: i32, %arg1: i32, %arg2: memref<76x512x512xi32, #tpu.memory_space<hbm>>, %arg3: memref<76x16xf32, #tpu.memory_space<hbm>>, %arg4: memref<64x512xi32, #tpu.memory_space<vmem>>, %arg5: memref<64x512xi32, #tpu.memory_space<vmem>>, %arg6: memref<4096xf32, #tpu.memory_space<vmem>>, %arg7: memref<4096xf32, #tpu.memory_space<vmem>>, %arg8: memref<4096xf32, #tpu.memory_space<vmem>>, %arg9: memref<16xf32, #tpu.memory_space<vmem>>, %arg10: memref<80x4096xf32, #tpu.memory_space<vmem_shared>>, %arg11: memref<!tpu.dma_semaphore, #tpu.memory_space<semaphore_mem>>, %arg12: memref<!tpu.dma_semaphore, #tpu.memory_space<semaphore_mem>>) attributes {dimension_semantics = [#tpu.dimension_semantics<core_parallel>, #tpu.dimension_semantics<subcore_parallel>], iteration_bounds = array<i64: 2, 16>, scalar_prefetch = 0 : i64, scratch_operands = 9 : i64, tpu.core_type = #tpu.core_type<sc_vector_subcore>, window_params = [{transform_indices = #map}, {transform_indices = #map1}]} {
    %broadcast_in_dim3A = arith.constant 1.000000e+00 : f32
    %broadcast_in_dim3A_0 = vector.broadcast %broadcast_in_dim3A : f32 to vector<16xf32>
    %broadcast_in_dim3A_1 = arith.constant 0.000000e+00 : f32
    %broadcast_in_dim3A_2 = vector.broadcast %broadcast_in_dim3A_1 : f32 to vector<16xf32>
    %parallel_loop3A = arith.constant 0 : i32
    %parallel_loop3A_3 = arith.constant 4096 : i32
    %parallel_loop3A_4 = arith.constant 16 : i32
    scf.for %parallel_loop3A_75 = %parallel_loop3A to %parallel_loop3A_3 step %parallel_loop3A_4  : i32 {
      %parallel_loop3A_76 = arith.index_cast %parallel_loop3A_75 : i32 to index
      %parallel_loop3A_77 = tpu.vector_load %arg6[%parallel_loop3A_76] {strides = array<i32>} : memref<4096xf32, #tpu.memory_space<vmem>>, vector<16xf32>,
      tpu.vector_store %arg6[%parallel_loop3A_76], %broadcast_in_dim3A_2 {strides = array<i32>} : memref<4096xf32, #tpu.memory_space<vmem>>, vector<16xf32>,
    } {sc.loop_unroll_factor = 8 : i64, sc.parallel_access}
    %lt3A = arith.constant 12 : i32
    %lt3A_5 = arith.cmpi slt, %arg1, %lt3A : i32
    %jit3A = arith.constant 5 : i32
    %jit3A_6 = arith.constant 4 : i32
    %select_n3A = arith.select %lt3A_5, %jit3A, %jit3A_6 : i32
    %mul3A = arith.constant 5 : i32
    %mul3A_7 = arith.muli %mul3A, %arg1 : i32
    %sub3A = arith.constant 12 : i32
    %sub3A_8 = arith.subi %arg1, %sub3A : i32
    %max3A = arith.constant 0 : i32
    %max3A_9 = arith.maxsi %sub3A_8, %max3A : i32
    %sub3A_10 = arith.subi %mul3A_7, %max3A_9 : i32
    %mul3A_11 = arith.constant 4 : i32
    %mul3A_12 = arith.muli %mul3A_11, %select_n3A : i32
    %and3A = arith.constant 1 : i32
    %and3A_13 = arith.andi %sub3A_10, %and3A : i32
    %mul3A_14 = arith.constant 256 : i32
    %mul3A_15 = arith.muli %and3A_13, %mul3A_14 : i32
    %add3A = arith.constant 0 : i32
    %add3A_16 = arith.addi %mul3A_15, %add3A : i32
    %mul3A_17 = arith.constant 38 : i32
    %mul3A_18 = arith.muli %arg0, %mul3A_17 : i32
    %shift_right_logical3A = arith.constant 1 : i32
    %shift_right_logical3A_19 = arith.shrui %sub3A_10, %shift_right_logical3A : i32
    %add3A_20 = arith.addi %mul3A_18, %shift_right_logical3A_19 : i32
    %dma_start3A = arith.constant 0 : i32
    %dma_start3A_21 = tpu.memref_slice %arg2[%add3A_20, %add3A_16, %dma_start3A] : memref<76x512x512xi32, #tpu.memory_space<hbm>> -> memref<1x64x512xi32, #tpu.memory_space<hbm>>
    %dma_start3A_22 = tpu.memref_squeeze %dma_start3A_21 : memref<1x64x512xi32, #tpu.memory_space<hbm>> -> memref<64x512xi32, #tpu.memory_space<hbm>>
    %dma_start3A_23 = arith.constant 0 : i32
    %dma_start3A_24 = tpu.memref_slice %arg2[%add3A_20, %add3A_16, %dma_start3A_23] : memref<76x512x512xi32, #tpu.memory_space<hbm>> -> memref<1x64x512xi32, #tpu.memory_space<hbm>>
    %dma_start3A_25 = tpu.memref_squeeze %dma_start3A_24 : memref<1x64x512xi32, #tpu.memory_space<hbm>> -> memref<64x512xi32, #tpu.memory_space<hbm>>
    tpu.enqueue_dma source(%dma_start3A_25 : memref<64x512xi32, #tpu.memory_space<hbm>>) target(%arg4 : memref<64x512xi32, #tpu.memory_space<vmem>>) target_semaphore(%arg11 : memref<!tpu.dma_semaphore, #tpu.memory_space<semaphore_mem>>)
    %and3A_26 = arith.constant 1 : i32
    %and3A_27 = arith.andi %sub3A_10, %and3A_26 : i32
    %mul3A_28 = arith.constant 256 : i32
    %mul3A_29 = arith.muli %and3A_27, %mul3A_28 : i32
    %add3A_30 = arith.constant 64 : i32
    %add3A_31 = arith.addi %mul3A_29, %add3A_30 : i32
    %mul3A_32 = arith.constant 38 : i32
    %mul3A_33 = arith.muli %arg0, %mul3A_32 : i32
    %shift_right_logical3A_34 = arith.constant 1 : i32
    %shift_right_logical3A_35 = arith.shrui %sub3A_10, %shift_right_logical3A_34 : i32
    %add3A_36 = arith.addi %mul3A_33, %shift_right_logical3A_35 : i32
    %dma_start3A_37 = arith.constant 0 : i32
    %dma_start3A_38 = tpu.memref_slice %arg2[%add3A_36, %add3A_31, %dma_start3A_37] : memref<76x512x512xi32, #tpu.memory_space<hbm>> -> memref<1x64x512xi32, #tpu.memory_space<hbm>>
    %dma_start3A_39 = tpu.memref_squeeze %dma_start3A_38 : memref<1x64x512xi32, #tpu.memory_space<hbm>> -> memref<64x512xi32, #tpu.memory_space<hbm>>
    %dma_start3A_40 = arith.constant 0 : i32
    %dma_start3A_41 = tpu.memref_slice %arg2[%add3A_36, %add3A_31, %dma_start3A_40] : memref<76x512x512xi32, #tpu.memory_space<hbm>> -> memref<1x64x512xi32, #tpu.memory_space<hbm>>
    %dma_start3A_42 = tpu.memref_squeeze %dma_start3A_41 : memref<1x64x512xi32, #tpu.memory_space<hbm>> -> memref<64x512xi32, #tpu.memory_space<hbm>>
    tpu.enqueue_dma source(%dma_start3A_42 : memref<64x512xi32, #tpu.memory_space<hbm>>) target(%arg5 : memref<64x512xi32, #tpu.memory_space<vmem>>) target_semaphore(%arg12 : memref<!tpu.dma_semaphore, #tpu.memory_space<semaphore_mem>>)
    %mul3A_43 = arith.constant 2 : i32
    %mul3A_44 = arith.muli %mul3A_43, %select_n3A : i32
    %while3A = arith.constant 0 : i32
    %while3A_45 = arith.constant 0 : i32
    %while3A_46 = arith.subi %mul3A_44, %while3A : i32
    %while3A_47 = arith.addi %while3A, %while3A_46 : i32
    %while3A_48 = arith.constant 1 : i32
    %while3A_49 = arith.divsi %while3A_46, %while3A_48 : i32
    %while3A_50 = arith.muli %while3A_49, %while3A_48 : i32
    %while3A_51 = arith.addi %while3A, %while3A_50 : i32
    %while3A_52 = arith.constant 1 : i32
    %while3A_53 = scf.for %while3A_75 = %while3A to %while3A_51 step %while3A_52 iter_args(%while3A_76 = %while3A_45) -> (i32)  : i32 {
      %mul3A_77 = arith.constant 2 : i32
      %mul3A_78 = arith.muli %while3A_75, %mul3A_77 : i32
      %add3A_79 = arith.constant 0 : i32
      %add3A_80 = arith.addi %mul3A_78, %add3A_79 : i32
      %dma_wait3A = arith.constant 0 : i32
      %dma_wait3A_81 = arith.constant 0 : i32
      %dma_wait3A_82 = arith.constant 0 : i32
      %dma_wait3A_83 = tpu.memref_slice %arg2[%dma_wait3A, %dma_wait3A_81, %dma_wait3A_82] : memref<76x512x512xi32, #tpu.memory_space<hbm>> -> memref<1x64x512xi32, #tpu.memory_space<hbm>>
      %dma_wait3A_84 = tpu.memref_squeeze %dma_wait3A_83 : memref<1x64x512xi32, #tpu.memory_space<hbm>> -> memref<64x512xi32, #tpu.memory_space<hbm>>
      %dma_wait3A_85 = arith.constant 0 : i32
      %dma_wait3A_86 = arith.constant 0 : i32
      %dma_wait3A_87 = tpu.memref_slice %arg2[%dma_wait3A, %dma_wait3A_85, %dma_wait3A_86] : memref<76x512x512xi32, #tpu.memory_space<hbm>> -> memref<1x64x512xi32, #tpu.memory_space<hbm>>
      %dma_wait3A_88 = tpu.memref_squeeze %dma_wait3A_87 : memref<1x64x512xi32, #tpu.memory_space<hbm>> -> memref<64x512xi32, #tpu.memory_space<hbm>>
      tpu.wait_dma2 semaphore(%arg11 : memref<!tpu.dma_semaphore, #tpu.memory_space<semaphore_mem>>) src(%dma_wait3A_88 : memref<64x512xi32, #tpu.memory_space<hbm>>) dst(%arg4 : memref<64x512xi32, #tpu.memory_space<vmem>>)
      %parallel_loop3A_89 = arith.constant 0 : i32
      %parallel_loop3A_90 = arith.constant 64 : i32
      %parallel_loop3A_91 = arith.constant 1 : i32
      scf.for %parallel_loop3A_134 = %parallel_loop3A_89 to %parallel_loop3A_90 step %parallel_loop3A_91  : i32 {
        %parallel_loop3A_135 = arith.index_cast %parallel_loop3A_134 : i32 to index
        %parallel_loop3A_136 = arith.constant 0 : index
        %parallel_loop3A_137 = tpu.vector_load %arg4[%parallel_loop3A_135, %parallel_loop3A_136] {strides = array<i32>} : memref<64x512xi32, #tpu.memory_space<vmem>>, vector<16xi32>,
        tpu.vector_store_idx %arg6[%parallel_loop3A_137], %broadcast_in_dim3A_0 {add = true} : memref<4096xf32, #tpu.memory_space<vmem>>[vector<16xi32>], vector<16xf32>,
        %parallel_loop3A_138 = arith.index_cast %parallel_loop3A_134 : i32 to index
        %parallel_loop3A_139 = arith.constant 16 : index
        %parallel_loop3A_140 = tpu.vector_load %arg4[%parallel_loop3A_138, %parallel_loop3A_139] {strides = array<i32>} : memref<64x512xi32, #tpu.memory_space<vmem>>, vector<16xi32>,
        tpu.vector_store_idx %arg6[%parallel_loop3A_140], %broadcast_in_dim3A_0 {add = true} : memref<4096xf32, #tpu.memory_space<vmem>>[vector<16xi32>], vector<16xf32>,
        %parallel_loop3A_141 = arith.index_cast %parallel_loop3A_134 : i32 to index
        %parallel_loop3A_142 = arith.constant 32 : index
        %parallel_loop3A_143 = tpu.vector_load %arg4[%parallel_loop3A_141, %parallel_loop3A_142] {strides = array<i32>} : memref<64x512xi32, #tpu.memory_space<vmem>>, vector<16xi32>,
        tpu.vector_store_idx %arg6[%parallel_loop3A_143], %broadcast_in_dim3A_0 {add = true} : memref<4096xf32, #tpu.memory_space<vmem>>[vector<16xi32>], vector<16xf32>,
        %parallel_loop3A_144 = arith.index_cast %parallel_loop3A_134 : i32 to index
        %parallel_loop3A_145 = arith.constant 48 : index
        %parallel_loop3A_146 = tpu.vector_load %arg4[%parallel_loop3A_144, %parallel_loop3A_145] {strides = array<i32>} : memref<64x512xi32, #tpu.memory_space<vmem>>, vector<16xi32>,
        tpu.vector_store_idx %arg6[%parallel_loop3A_146], %broadcast_in_dim3A_0 {add = true} : memref<4096xf32, #tpu.memory_space<vmem>>[vector<16xi32>], vector<16xf32>,
        %parallel_loop3A_147 = arith.index_cast %parallel_loop3A_134 : i32 to index
        %parallel_loop3A_148 = arith.constant 64 : index
        %parallel_loop3A_149 = tpu.vector_load %arg4[%parallel_loop3A_147, %parallel_loop3A_148] {strides = array<i32>} : memref<64x512xi32, #tpu.memory_space<vmem>>, vector<16xi32>,
        tpu.vector_store_idx %arg6[%parallel_loop3A_149], %broadcast_in_dim3A_0 {add = true} : memref<4096xf32, #tpu.memory_space<vmem>>[vector<16xi32>], vector<16xf32>,
        %parallel_loop3A_150 = arith.index_cast %parallel_loop3A_134 : i32 to index
        %parallel_loop3A_151 = arith.constant 80 : index
        %parallel_loop3A_152 = tpu.vector_load %arg4[%parallel_loop3A_150, %parallel_loop3A_151] {strides = array<i32>} : memref<64x512xi32, #tpu.memory_space<vmem>>, vector<16xi32>,
        tpu.vector_store_idx %arg6[%parallel_loop3A_152], %broadcast_in_dim3A_0 {add = true} : memref<4096xf32, #tpu.memory_space<vmem>>[vector<16xi32>], vector<16xf32>,
        %parallel_loop3A_153 = arith.index_cast %parallel_loop3A_134 : i32 to index
        %parallel_loop3A_154 = arith.constant 96 : index
        %parallel_loop3A_155 = tpu.vector_load %arg4[%parallel_loop3A_153, %parallel_loop3A_154] {strides = array<i32>} : memref<64x512xi32, #tpu.memory_space<vmem>>, vector<16xi32>,
        tpu.vector_store_idx %arg6[%parallel_loop3A_155], %broadcast_in_dim3A_0 {add = true} : memref<4096xf32, #tpu.memory_space<vmem>>[vector<16xi32>], vector<16xf32>,
        %parallel_loop3A_156 = arith.index_cast %parallel_loop3A_134 : i32 to index
        %parallel_loop3A_157 = arith.constant 112 : index
        %parallel_loop3A_158 = tpu.vector_load %arg4[%parallel_loop3A_156, %parallel_loop3A_157] {strides = array<i32>} : memref<64x512xi32, #tpu.memory_space<vmem>>, vector<16xi32>,
        tpu.vector_store_idx %arg6[%parallel_loop3A_158], %broadcast_in_dim3A_0 {add = true} : memref<4096xf32, #tpu.memory_space<vmem>>[vector<16xi32>], vector<16xf32>,
        %parallel_loop3A_159 = arith.index_cast %parallel_loop3A_134 : i32 to index
        %parallel_loop3A_160 = arith.constant 128 : index
        %parallel_loop3A_161 = tpu.vector_load %arg4[%parallel_loop3A_159, %parallel_loop3A_160] {strides = array<i32>} : memref<64x512xi32, #tpu.memory_space<vmem>>, vector<16xi32>,
        tpu.vector_store_idx %arg6[%parallel_loop3A_161], %broadcast_in_dim3A_0 {add = true} : memref<4096xf32, #tpu.memory_space<vmem>>[vector<16xi32>], vector<16xf32>,
        %parallel_loop3A_162 = arith.index_cast %parallel_loop3A_134 : i32 to index
        %parallel_loop3A_163 = arith.constant 144 : index
        %parallel_loop3A_164 = tpu.vector_load %arg4[%parallel_loop3A_162, %parallel_loop3A_163] {strides = array<i32>} : memref<64x512xi32, #tpu.memory_space<vmem>>, vector<16xi32>,
        tpu.vector_store_idx %arg6[%parallel_loop3A_164], %broadcast_in_dim3A_0 {add = true} : memref<4096xf32, #tpu.memory_space<vmem>>[vector<16xi32>], vector<16xf32>,
        %parallel_loop3A_165 = arith.index_cast %parallel_loop3A_134 : i32 to index
        %parallel_loop3A_166 = arith.constant 160 : index
        %parallel_loop3A_167 = tpu.vector_load %arg4[%parallel_loop3A_165, %parallel_loop3A_166] {strides = array<i32>} : memref<64x512xi32, #tpu.memory_space<vmem>>, vector<16xi32>,
        tpu.vector_store_idx %arg6[%parallel_loop3A_167], %broadcast_in_dim3A_0 {add = true} : memref<4096xf32, #tpu.memory_space<vmem>>[vector<16xi32>], vector<16xf32>,
        %parallel_loop3A_168 = arith.index_cast %parallel_loop3A_134 : i32 to index
        %parallel_loop3A_169 = arith.constant 176 : index
        %parallel_loop3A_170 = tpu.vector_load %arg4[%parallel_loop3A_168, %parallel_loop3A_169] {strides = array<i32>} : memref<64x512xi32, #tpu.memory_space<vmem>>, vector<16xi32>,
        tpu.vector_store_idx %arg6[%parallel_loop3A_170], %broadcast_in_dim3A_0 {add = true} : memref<4096xf32, #tpu.memory_space<vmem>>[vector<16xi32>], vector<16xf32>,
        %parallel_loop3A_171 = arith.index_cast %parallel_loop3A_134 : i32 to index
        %parallel_loop3A_172 = arith.constant 192 : index
        %parallel_loop3A_173 = tpu.vector_load %arg4[%parallel_loop3A_171, %parallel_loop3A_172] {strides = array<i32>} : memref<64x512xi32, #tpu.memory_space<vmem>>, vector<16xi32>,
        tpu.vector_store_idx %arg6[%parallel_loop3A_173], %broadcast_in_dim3A_0 {add = true} : memref<4096xf32, #tpu.memory_space<vmem>>[vector<16xi32>], vector<16xf32>,
        %parallel_loop3A_174 = arith.index_cast %parallel_loop3A_134 : i32 to index
        %parallel_loop3A_175 = arith.constant 208 : index
        %parallel_loop3A_176 = tpu.vector_load %arg4[%parallel_loop3A_174, %parallel_loop3A_175] {strides = array<i32>} : memref<64x512xi32, #tpu.memory_space<vmem>>, vector<16xi32>,
        tpu.vector_store_idx %arg6[%parallel_loop3A_176], %broadcast_in_dim3A_0 {add = true} : memref<4096xf32, #tpu.memory_space<vmem>>[vector<16xi32>], vector<16xf32>,
        %parallel_loop3A_177 = arith.index_cast %parallel_loop3A_134 : i32 to index
        %parallel_loop3A_178 = arith.constant 224 : index
        %parallel_loop3A_179 = tpu.vector_load %arg4[%parallel_loop3A_177, %parallel_loop3A_178] {strides = array<i32>} : memref<64x512xi32, #tpu.memory_space<vmem>>, vector<16xi32>,
        tpu.vector_store_idx %arg6[%parallel_loop3A_179], %broadcast_in_dim3A_0 {add = true} : memref<4096xf32, #tpu.memory_space<vmem>>[vector<16xi32>], vector<16xf32>,
        %parallel_loop3A_180 = arith.index_cast %parallel_loop3A_134 : i32 to index
        %parallel_loop3A_181 = arith.constant 240 : index
        %parallel_loop3A_182 = tpu.vector_load %arg4[%parallel_loop3A_180, %parallel_loop3A_181] {strides = array<i32>} : memref<64x512xi32, #tpu.memory_space<vmem>>, vector<16xi32>,
        tpu.vector_store_idx %arg6[%parallel_loop3A_182], %broadcast_in_dim3A_0 {add = true} : memref<4096xf32, #tpu.memory_space<vmem>>[vector<16xi32>], vector<16xf32>,
        %parallel_loop3A_183 = arith.index_cast %parallel_loop3A_134 : i32 to index
        %parallel_loop3A_184 = arith.constant 256 : index
        %parallel_loop3A_185 = tpu.vector_load %arg4[%parallel_loop3A_183, %parallel_loop3A_184] {strides = array<i32>} : memref<64x512xi32, #tpu.memory_space<vmem>>, vector<16xi32>,
        tpu.vector_store_idx %arg6[%parallel_loop3A_185], %broadcast_in_dim3A_0 {add = true} : memref<4096xf32, #tpu.memory_space<vmem>>[vector<16xi32>], vector<16xf32>,
        %parallel_loop3A_186 = arith.index_cast %parallel_loop3A_134 : i32 to index
        %parallel_loop3A_187 = arith.constant 272 : index
        %parallel_loop3A_188 = tpu.vector_load %arg4[%parallel_loop3A_186, %parallel_loop3A_187] {strides = array<i32>} : memref<64x512xi32, #tpu.memory_space<vmem>>, vector<16xi32>,
        tpu.vector_store_idx %arg6[%parallel_loop3A_188], %broadcast_in_dim3A_0 {add = true} : memref<4096xf32, #tpu.memory_space<vmem>>[vector<16xi32>], vector<16xf32>,
        %parallel_loop3A_189 = arith.index_cast %parallel_loop3A_134 : i32 to index
        %parallel_loop3A_190 = arith.constant 288 : index
        %parallel_loop3A_191 = tpu.vector_load %arg4[%parallel_loop3A_189, %parallel_loop3A_190] {strides = array<i32>} : memref<64x512xi32, #tpu.memory_space<vmem>>, vector<16xi32>,
        tpu.vector_store_idx %arg6[%parallel_loop3A_191], %broadcast_in_dim3A_0 {add = true} : memref<4096xf32, #tpu.memory_space<vmem>>[vector<16xi32>], vector<16xf32>,
        %parallel_loop3A_192 = arith.index_cast %parallel_loop3A_134 : i32 to index
        %parallel_loop3A_193 = arith.constant 304 : index
        %parallel_loop3A_194 = tpu.vector_load %arg4[%parallel_loop3A_192, %parallel_loop3A_193] {strides = array<i32>} : memref<64x512xi32, #tpu.memory_space<vmem>>, vector<16xi32>,
        tpu.vector_store_idx %arg6[%parallel_loop3A_194], %broadcast_in_dim3A_0 {add = true} : memref<4096xf32, #tpu.memory_space<vmem>>[vector<16xi32>], vector<16xf32>,
        %parallel_loop3A_195 = arith.index_cast %parallel_loop3A_134 : i32 to index
        %parallel_loop3A_196 = arith.constant 320 : index
        %parallel_loop3A_197 = tpu.vector_load %arg4[%parallel_loop3A_195, %parallel_loop3A_196] {strides = array<i32>} : memref<64x512xi32, #tpu.memory_space<vmem>>, vector<16xi32>,
        tpu.vector_store_idx %arg6[%parallel_loop3A_197], %broadcast_in_dim3A_0 {add = true} : memref<4096xf32, #tpu.memory_space<vmem>>[vector<16xi32>], vector<16xf32>,
        %parallel_loop3A_198 = arith.index_cast %parallel_loop3A_134 : i32 to index
        %parallel_loop3A_199 = arith.constant 336 : index
        %parallel_loop3A_200 = tpu.vector_load %arg4[%parallel_loop3A_198, %parallel_loop3A_199] {strides = array<i32>} : memref<64x512xi32, #tpu.memory_space<vmem>>, vector<16xi32>,
        tpu.vector_store_idx %arg6[%parallel_loop3A_200], %broadcast_in_dim3A_0 {add = true} : memref<4096xf32, #tpu.memory_space<vmem>>[vector<16xi32>], vector<16xf32>,
        %parallel_loop3A_201 = arith.index_cast %parallel_loop3A_134 : i32 to index
        %parallel_loop3A_202 = arith.constant 352 : index
        %parallel_loop3A_203 = tpu.vector_load %arg4[%parallel_loop3A_201, %parallel_loop3A_202] {strides = array<i32>} : memref<64x512xi32, #tpu.memory_space<vmem>>, vector<16xi32>,
        tpu.vector_store_idx %arg6[%parallel_loop3A_203], %broadcast_in_dim3A_0 {add = true} : memref<4096xf32, #tpu.memory_space<vmem>>[vector<16xi32>], vector<16xf32>,
        %parallel_loop3A_204 = arith.index_cast %parallel_loop3A_134 : i32 to index
        %parallel_loop3A_205 = arith.constant 368 : index
        %parallel_loop3A_206 = tpu.vector_load %arg4[%parallel_loop3A_204, %parallel_loop3A_205] {strides = array<i32>} : memref<64x512xi32, #tpu.memory_space<vmem>>, vector<16xi32>,
        tpu.vector_store_idx %arg6[%parallel_loop3A_206], %broadcast_in_dim3A_0 {add = true} : memref<4096xf32, #tpu.memory_space<vmem>>[vector<16xi32>], vector<16xf32>,
        %parallel_loop3A_207 = arith.index_cast %parallel_loop3A_134 : i32 to index
        %parallel_loop3A_208 = arith.constant 384 : index
        %parallel_loop3A_209 = tpu.vector_load %arg4[%parallel_loop3A_207, %parallel_loop3A_208] {strides = array<i32>} : memref<64x512xi32, #tpu.memory_space<vmem>>, vector<16xi32>,
        tpu.vector_store_idx %arg6[%parallel_loop3A_209], %broadcast_in_dim3A_0 {add = true} : memref<4096xf32, #tpu.memory_space<vmem>>[vector<16xi32>], vector<16xf32>,
        %parallel_loop3A_210 = arith.index_cast %parallel_loop3A_134 : i32 to index
        %parallel_loop3A_211 = arith.constant 400 : index
        %parallel_loop3A_212 = tpu.vector_load %arg4[%parallel_loop3A_210, %parallel_loop3A_211] {strides = array<i32>} : memref<64x512xi32, #tpu.memory_space<vmem>>, vector<16xi32>,
        tpu.vector_store_idx %arg6[%parallel_loop3A_212], %broadcast_in_dim3A_0 {add = true} : memref<4096xf32, #tpu.memory_space<vmem>>[vector<16xi32>], vector<16xf32>,
        %parallel_loop3A_213 = arith.index_cast %parallel_loop3A_134 : i32 to index
        %parallel_loop3A_214 = arith.constant 416 : index
        %parallel_loop3A_215 = tpu.vector_load %arg4[%parallel_loop3A_213, %parallel_loop3A_214] {strides = array<i32>} : memref<64x512xi32, #tpu.memory_space<vmem>>, vector<16xi32>,
        tpu.vector_store_idx %arg6[%parallel_loop3A_215], %broadcast_in_dim3A_0 {add = true} : memref<4096xf32, #tpu.memory_space<vmem>>[vector<16xi32>], vector<16xf32>,
        %parallel_loop3A_216 = arith.index_cast %parallel_loop3A_134 : i32 to index
        %parallel_loop3A_217 = arith.constant 432 : index
        %parallel_loop3A_218 = tpu.vector_load %arg4[%parallel_loop3A_216, %parallel_loop3A_217] {strides = array<i32>} : memref<64x512xi32, #tpu.memory_space<vmem>>, vector<16xi32>,
        tpu.vector_store_idx %arg6[%parallel_loop3A_218], %broadcast_in_dim3A_0 {add = true} : memref<4096xf32, #tpu.memory_space<vmem>>[vector<16xi32>], vector<16xf32>,
        %parallel_loop3A_219 = arith.index_cast %parallel_loop3A_134 : i32 to index
        %parallel_loop3A_220 = arith.constant 448 : index
        %parallel_loop3A_221 = tpu.vector_load %arg4[%parallel_loop3A_219, %parallel_loop3A_220] {strides = array<i32>} : memref<64x512xi32, #tpu.memory_space<vmem>>, vector<16xi32>,
        tpu.vector_store_idx %arg6[%parallel_loop3A_221], %broadcast_in_dim3A_0 {add = true} : memref<4096xf32, #tpu.memory_space<vmem>>[vector<16xi32>], vector<16xf32>,
        %parallel_loop3A_222 = arith.index_cast %parallel_loop3A_134 : i32 to index
        %parallel_loop3A_223 = arith.constant 464 : index
        %parallel_loop3A_224 = tpu.vector_load %arg4[%parallel_loop3A_222, %parallel_loop3A_223] {strides = array<i32>} : memref<64x512xi32, #tpu.memory_space<vmem>>, vector<16xi32>,
        tpu.vector_store_idx %arg6[%parallel_loop3A_224], %broadcast_in_dim3A_0 {add = true} : memref<4096xf32, #tpu.memory_space<vmem>>[vector<16xi32>], vector<16xf32>,
        %parallel_loop3A_225 = arith.index_cast %parallel_loop3A_134 : i32 to index
        %parallel_loop3A_226 = arith.constant 480 : index
        %parallel_loop3A_227 = tpu.vector_load %arg4[%parallel_loop3A_225, %parallel_loop3A_226] {strides = array<i32>} : memref<64x512xi32, #tpu.memory_space<vmem>>, vector<16xi32>,
        tpu.vector_store_idx %arg6[%parallel_loop3A_227], %broadcast_in_dim3A_0 {add = true} : memref<4096xf32, #tpu.memory_space<vmem>>[vector<16xi32>], vector<16xf32>,
        %parallel_loop3A_228 = arith.index_cast %parallel_loop3A_134 : i32 to index
        %parallel_loop3A_229 = arith.constant 496 : index
        %parallel_loop3A_230 = tpu.vector_load %arg4[%parallel_loop3A_228, %parallel_loop3A_229] {strides = array<i32>} : memref<64x512xi32, #tpu.memory_space<vmem>>, vector<16xi32>,
        tpu.vector_store_idx %arg6[%parallel_loop3A_230], %broadcast_in_dim3A_0 {add = true} : memref<4096xf32, #tpu.memory_space<vmem>>[vector<16xi32>], vector<16xf32>,
      } {sc.loop_unroll_factor = 2 : i64, sc.parallel_access}
      %add3A_92 = arith.constant 2 : i32
      %add3A_93 = arith.addi %add3A_80, %add3A_92 : i32
      %lt3A_94 = arith.cmpi slt, %add3A_93, %mul3A_12 : i32
      %convert_element_type3A_95 = arith.extui %lt3A_94 : i1 to i32
      %cond3A_96 = arith.constant 0 : i32
      %cond3A_97 = arith.cmpi ne, %convert_element_type3A_95, %cond3A_96 : i32
      scf.if %cond3A_97 {
        %shift_right_logical3A_134 = arith.constant 2 : i32
        %shift_right_logical3A_135 = arith.shrui %add3A_93, %shift_right_logical3A_134 : i32
        %add3A_136 = arith.addi %sub3A_10, %shift_right_logical3A_135 : i32
        %and3A_137 = arith.constant 1 : i32
        %and3A_138 = arith.andi %add3A_136, %and3A_137 : i32
        %mul3A_139 = arith.constant 256 : i32
        %mul3A_140 = arith.muli %and3A_138, %mul3A_139 : i32
        %and3A_141 = arith.constant 3 : i32
        %and3A_142 = arith.andi %add3A_93, %and3A_141 : i32
        %mul3A_143 = arith.constant 64 : i32
        %mul3A_144 = arith.muli %and3A_142, %mul3A_143 : i32
        %add3A_145 = arith.addi %mul3A_140, %mul3A_144 : i32
        %mul3A_146 = arith.constant 38 : i32
        %mul3A_147 = arith.muli %arg0, %mul3A_146 : i32
        %shift_right_logical3A_148 = arith.constant 1 : i32
        %shift_right_logical3A_149 = arith.shrui %add3A_136, %shift_right_logical3A_148 : i32
        %add3A_150 = arith.addi %mul3A_147, %shift_right_logical3A_149 : i32
        %dma_start3A_151 = arith.constant 0 : i32
        %dma_start3A_152 = tpu.memref_slice %arg2[%add3A_150, %add3A_145, %dma_start3A_151] : memref<76x512x512xi32, #tpu.memory_space<hbm>> -> memref<1x64x512xi32, #tpu.memory_space<hbm>>
        %dma_start3A_153 = tpu.memref_squeeze %dma_start3A_152 : memref<1x64x512xi32, #tpu.memory_space<hbm>> -> memref<64x512xi32, #tpu.memory_space<hbm>>
        %dma_start3A_154 = arith.constant 0 : i32
        %dma_start3A_155 = tpu.memref_slice %arg2[%add3A_150, %add3A_145, %dma_start3A_154] : memref<76x512x512xi32, #tpu.memory_space<hbm>> -> memref<1x64x512xi32, #tpu.memory_space<hbm>>
        %dma_start3A_156 = tpu.memref_squeeze %dma_start3A_155 : memref<1x64x512xi32, #tpu.memory_space<hbm>> -> memref<64x512xi32, #tpu.memory_space<hbm>>
        tpu.enqueue_dma source(%dma_start3A_156 : memref<64x512xi32, #tpu.memory_space<hbm>>) target(%arg4 : memref<64x512xi32, #tpu.memory_space<vmem>>) target_semaphore(%arg11 : memref<!tpu.dma_semaphore, #tpu.memory_space<semaphore_mem>>)
      } else {
      }
      %and3A_98 = arith.constant 3 : i32
      %and3A_99 = arith.andi %add3A_80, %and3A_98 : i32
      %eq3A = arith.constant 3 : i32
      %eq3A_100 = arith.cmpi eq, %and3A_99, %eq3A : i32
      %convert_element_type3A_101 = arith.extui %eq3A_100 : i1 to i32
      %cond3A_102 = arith.constant 0 : i32
      %cond3A_103 = arith.cmpi ne, %convert_element_type3A_101, %cond3A_102 : i32
      scf.if %cond3A_103 {
        %shift_right_logical3A_134 = arith.constant 2 : i32
        %shift_right_logical3A_135 = arith.shrui %add3A_80, %shift_right_logical3A_134 : i32
        %add3A_136 = arith.addi %sub3A_10, %shift_right_logical3A_135 : i32
        "tpu.region"() ({
          %run_scoped3A = tpu.sem_alloc : memref<!tpu.dma_semaphore, #tpu.memory_space<semaphore_mem>>
          %dma_start3A_140 = arith.constant 0 : i32
          %dma_start3A_141 = tpu.memref_slice %arg10[%add3A_136, %dma_start3A_140] : memref<80x4096xf32, #tpu.memory_space<vmem_shared>> -> memref<1x4096xf32, #tpu.memory_space<vmem_shared>>
          %dma_start3A_142 = tpu.memref_squeeze %dma_start3A_141 : memref<1x4096xf32, #tpu.memory_space<vmem_shared>> -> memref<4096xf32, #tpu.memory_space<vmem_shared>>
          %dma_start3A_143 = arith.constant 0 : i32
          %dma_start3A_144 = tpu.memref_slice %arg10[%add3A_136, %dma_start3A_143] : memref<80x4096xf32, #tpu.memory_space<vmem_shared>> -> memref<1x4096xf32, #tpu.memory_space<vmem_shared>>
          %dma_start3A_145 = tpu.memref_squeeze %dma_start3A_144 : memref<1x4096xf32, #tpu.memory_space<vmem_shared>> -> memref<4096xf32, #tpu.memory_space<vmem_shared>>
          tpu.enqueue_dma source(%arg6 : memref<4096xf32, #tpu.memory_space<vmem>>) target(%dma_start3A_145 : memref<4096xf32, #tpu.memory_space<vmem_shared>>) target_semaphore(%run_scoped3A : memref<!tpu.dma_semaphore, #tpu.memory_space<semaphore_mem>>)
          %dma_wait3A_146 = arith.constant 0 : i32
          %dma_wait3A_147 = tpu.memref_slice %arg10[%add3A_136, %dma_wait3A_146] : memref<80x4096xf32, #tpu.memory_space<vmem_shared>> -> memref<1x4096xf32, #tpu.memory_space<vmem_shared>>
          %dma_wait3A_148 = tpu.memref_squeeze %dma_wait3A_147 : memref<1x4096xf32, #tpu.memory_space<vmem_shared>> -> memref<4096xf32, #tpu.memory_space<vmem_shared>>
          %dma_wait3A_149 = arith.constant 0 : i32
          %dma_wait3A_150 = tpu.memref_slice %arg10[%add3A_136, %dma_wait3A_149] : memref<80x4096xf32, #tpu.memory_space<vmem_shared>> -> memref<1x4096xf32, #tpu.memory_space<vmem_shared>>
          %dma_wait3A_151 = tpu.memref_squeeze %dma_wait3A_150 : memref<1x4096xf32, #tpu.memory_space<vmem_shared>> -> memref<4096xf32, #tpu.memory_space<vmem_shared>>
          tpu.wait_dma2 semaphore(%run_scoped3A : memref<!tpu.dma_semaphore, #tpu.memory_space<semaphore_mem>>) src(%arg6 : memref<4096xf32, #tpu.memory_space<vmem>>) dst(%dma_wait3A_151 : memref<4096xf32, #tpu.memory_space<vmem_shared>>)
          tpu.yield
        }) : () -> ()
        %parallel_loop3A_137 = arith.constant 0 : i32
        %parallel_loop3A_138 = arith.constant 4096 : i32
        %parallel_loop3A_139 = arith.constant 16 : i32
        scf.for %parallel_loop3A_140 = %parallel_loop3A_137 to %parallel_loop3A_138 step %parallel_loop3A_139  : i32 {
          %parallel_loop3A_141 = arith.index_cast %parallel_loop3A_140 : i32 to index
          %parallel_loop3A_142 = tpu.vector_load %arg6[%parallel_loop3A_141] {strides = array<i32>} : memref<4096xf32, #tpu.memory_space<vmem>>, vector<16xf32>,
          tpu.vector_store %arg6[%parallel_loop3A_141], %broadcast_in_dim3A_2 {strides = array<i32>} : memref<4096xf32, #tpu.memory_space<vmem>>, vector<16xf32>,
        } {sc.loop_unroll_factor = 8 : i64, sc.parallel_access}
      } else {
      }
      %mul3A_104 = arith.constant 2 : i32
      %mul3A_105 = arith.muli %while3A_75, %mul3A_104 : i32
      %add3A_106 = arith.constant 1 : i32
      %add3A_107 = arith.addi %mul3A_105, %add3A_106 : i32
      %dma_wait3A_108 = arith.constant 0 : i32
      %dma_wait3A_109 = arith.constant 0 : i32
      %dma_wait3A_110 = arith.constant 0 : i32
      %dma_wait3A_111 = tpu.memref_slice %arg2[%dma_wait3A_108, %dma_wait3A_109, %dma_wait3A_110] : memref<76x512x512xi32, #tpu.memory_space<hbm>> -> memref<1x64x512xi32, #tpu.memory_space<hbm>>
      %dma_wait3A_112 = tpu.memref_squeeze %dma_wait3A_111 : memref<1x64x512xi32, #tpu.memory_space<hbm>> -> memref<64x512xi32, #tpu.memory_space<hbm>>
      %dma_wait3A_113 = arith.constant 0 : i32
      %dma_wait3A_114 = arith.constant 0 : i32
      %dma_wait3A_115 = tpu.memref_slice %arg2[%dma_wait3A_108, %dma_wait3A_113, %dma_wait3A_114] : memref<76x512x512xi32, #tpu.memory_space<hbm>> -> memref<1x64x512xi32, #tpu.memory_space<hbm>>
      %dma_wait3A_116 = tpu.memref_squeeze %dma_wait3A_115 : memref<1x64x512xi32, #tpu.memory_space<hbm>> -> memref<64x512xi32, #tpu.memory_space<hbm>>
      tpu.wait_dma2 semaphore(%arg12 : memref<!tpu.dma_semaphore, #tpu.memory_space<semaphore_mem>>) src(%dma_wait3A_116 : memref<64x512xi32, #tpu.memory_space<hbm>>) dst(%arg5 : memref<64x512xi32, #tpu.memory_space<vmem>>)
      %parallel_loop3A_117 = arith.constant 0 : i32
      %parallel_loop3A_118 = arith.constant 64 : i32
      %parallel_loop3A_119 = arith.constant 1 : i32
      scf.for %parallel_loop3A_134 = %parallel_loop3A_117 to %parallel_loop3A_118 step %parallel_loop3A_119  : i32 {
        %parallel_loop3A_135 = arith.index_cast %parallel_loop3A_134 : i32 to index
        %parallel_loop3A_136 = arith.constant 0 : index
        %parallel_loop3A_137 = tpu.vector_load %arg5[%parallel_loop3A_135, %parallel_loop3A_136] {strides = array<i32>} : memref<64x512xi32, #tpu.memory_space<vmem>>, vector<16xi32>,
        tpu.vector_store_idx %arg6[%parallel_loop3A_137], %broadcast_in_dim3A_0 {add = true} : memref<4096xf32, #tpu.memory_space<vmem>>[vector<16xi32>], vector<16xf32>,
        %parallel_loop3A_138 = arith.index_cast %parallel_loop3A_134 : i32 to index
        %parallel_loop3A_139 = arith.constant 16 : index
        %parallel_loop3A_140 = tpu.vector_load %arg5[%parallel_loop3A_138, %parallel_loop3A_139] {strides = array<i32>} : memref<64x512xi32, #tpu.memory_space<vmem>>, vector<16xi32>,
        tpu.vector_store_idx %arg6[%parallel_loop3A_140], %broadcast_in_dim3A_0 {add = true} : memref<4096xf32, #tpu.memory_space<vmem>>[vector<16xi32>], vector<16xf32>,
        %parallel_loop3A_141 = arith.index_cast %parallel_loop3A_134 : i32 to index
        %parallel_loop3A_142 = arith.constant 32 : index
        %parallel_loop3A_143 = tpu.vector_load %arg5[%parallel_loop3A_141, %parallel_loop3A_142] {strides = array<i32>} : memref<64x512xi32, #tpu.memory_space<vmem>>, vector<16xi32>,
        tpu.vector_store_idx %arg6[%parallel_loop3A_143], %broadcast_in_dim3A_0 {add = true} : memref<4096xf32, #tpu.memory_space<vmem>>[vector<16xi32>], vector<16xf32>,
        %parallel_loop3A_144 = arith.index_cast %parallel_loop3A_134 : i32 to index
        %parallel_loop3A_145 = arith.constant 48 : index
        %parallel_loop3A_146 = tpu.vector_load %arg5[%parallel_loop3A_144, %parallel_loop3A_145] {strides = array<i32>} : memref<64x512xi32, #tpu.memory_space<vmem>>, vector<16xi32>,
        tpu.vector_store_idx %arg6[%parallel_loop3A_146], %broadcast_in_dim3A_0 {add = true} : memref<4096xf32, #tpu.memory_space<vmem>>[vector<16xi32>], vector<16xf32>,
        %parallel_loop3A_147 = arith.index_cast %parallel_loop3A_134 : i32 to index
        %parallel_loop3A_148 = arith.constant 64 : index
        %parallel_loop3A_149 = tpu.vector_load %arg5[%parallel_loop3A_147, %parallel_loop3A_148] {strides = array<i32>} : memref<64x512xi32, #tpu.memory_space<vmem>>, vector<16xi32>,
        tpu.vector_store_idx %arg6[%parallel_loop3A_149], %broadcast_in_dim3A_0 {add = true} : memref<4096xf32, #tpu.memory_space<vmem>>[vector<16xi32>], vector<16xf32>,
        %parallel_loop3A_150 = arith.index_cast %parallel_loop3A_134 : i32 to index
        %parallel_loop3A_151 = arith.constant 80 : index
        %parallel_loop3A_152 = tpu.vector_load %arg5[%parallel_loop3A_150, %parallel_loop3A_151] {strides = array<i32>} : memref<64x512xi32, #tpu.memory_space<vmem>>, vector<16xi32>,
        tpu.vector_store_idx %arg6[%parallel_loop3A_152], %broadcast_in_dim3A_0 {add = true} : memref<4096xf32, #tpu.memory_space<vmem>>[vector<16xi32>], vector<16xf32>,
        %parallel_loop3A_153 = arith.index_cast %parallel_loop3A_134 : i32 to index
        %parallel_loop3A_154 = arith.constant 96 : index
        %parallel_loop3A_155 = tpu.vector_load %arg5[%parallel_loop3A_153, %parallel_loop3A_154] {strides = array<i32>} : memref<64x512xi32, #tpu.memory_space<vmem>>, vector<16xi32>,
        tpu.vector_store_idx %arg6[%parallel_loop3A_155], %broadcast_in_dim3A_0 {add = true} : memref<4096xf32, #tpu.memory_space<vmem>>[vector<16xi32>], vector<16xf32>,
        %parallel_loop3A_156 = arith.index_cast %parallel_loop3A_134 : i32 to index
        %parallel_loop3A_157 = arith.constant 112 : index
        %parallel_loop3A_158 = tpu.vector_load %arg5[%parallel_loop3A_156, %parallel_loop3A_157] {strides = array<i32>} : memref<64x512xi32, #tpu.memory_space<vmem>>, vector<16xi32>,
        tpu.vector_store_idx %arg6[%parallel_loop3A_158], %broadcast_in_dim3A_0 {add = true} : memref<4096xf32, #tpu.memory_space<vmem>>[vector<16xi32>], vector<16xf32>,
        %parallel_loop3A_159 = arith.index_cast %parallel_loop3A_134 : i32 to index
        %parallel_loop3A_160 = arith.constant 128 : index
        %parallel_loop3A_161 = tpu.vector_load %arg5[%parallel_loop3A_159, %parallel_loop3A_160] {strides = array<i32>} : memref<64x512xi32, #tpu.memory_space<vmem>>, vector<16xi32>,
        tpu.vector_store_idx %arg6[%parallel_loop3A_161], %broadcast_in_dim3A_0 {add = true} : memref<4096xf32, #tpu.memory_space<vmem>>[vector<16xi32>], vector<16xf32>,
        %parallel_loop3A_162 = arith.index_cast %parallel_loop3A_134 : i32 to index
        %parallel_loop3A_163 = arith.constant 144 : index
        %parallel_loop3A_164 = tpu.vector_load %arg5[%parallel_loop3A_162, %parallel_loop3A_163] {strides = array<i32>} : memref<64x512xi32, #tpu.memory_space<vmem>>, vector<16xi32>,
        tpu.vector_store_idx %arg6[%parallel_loop3A_164], %broadcast_in_dim3A_0 {add = true} : memref<4096xf32, #tpu.memory_space<vmem>>[vector<16xi32>], vector<16xf32>,
        %parallel_loop3A_165 = arith.index_cast %parallel_loop3A_134 : i32 to index
        %parallel_loop3A_166 = arith.constant 160 : index
        %parallel_loop3A_167 = tpu.vector_load %arg5[%parallel_loop3A_165, %parallel_loop3A_166] {strides = array<i32>} : memref<64x512xi32, #tpu.memory_space<vmem>>, vector<16xi32>,
        tpu.vector_store_idx %arg6[%parallel_loop3A_167], %broadcast_in_dim3A_0 {add = true} : memref<4096xf32, #tpu.memory_space<vmem>>[vector<16xi32>], vector<16xf32>,
        %parallel_loop3A_168 = arith.index_cast %parallel_loop3A_134 : i32 to index
        %parallel_loop3A_169 = arith.constant 176 : index
        %parallel_loop3A_170 = tpu.vector_load %arg5[%parallel_loop3A_168, %parallel_loop3A_169] {strides = array<i32>} : memref<64x512xi32, #tpu.memory_space<vmem>>, vector<16xi32>,
        tpu.vector_store_idx %arg6[%parallel_loop3A_170], %broadcast_in_dim3A_0 {add = true} : memref<4096xf32, #tpu.memory_space<vmem>>[vector<16xi32>], vector<16xf32>,
        %parallel_loop3A_171 = arith.index_cast %parallel_loop3A_134 : i32 to index
        %parallel_loop3A_172 = arith.constant 192 : index
        %parallel_loop3A_173 = tpu.vector_load %arg5[%parallel_loop3A_171, %parallel_loop3A_172] {strides = array<i32>} : memref<64x512xi32, #tpu.memory_space<vmem>>, vector<16xi32>,
        tpu.vector_store_idx %arg6[%parallel_loop3A_173], %broadcast_in_dim3A_0 {add = true} : memref<4096xf32, #tpu.memory_space<vmem>>[vector<16xi32>], vector<16xf32>,
        %parallel_loop3A_174 = arith.index_cast %parallel_loop3A_134 : i32 to index
        %parallel_loop3A_175 = arith.constant 208 : index
        %parallel_loop3A_176 = tpu.vector_load %arg5[%parallel_loop3A_174, %parallel_loop3A_175] {strides = array<i32>} : memref<64x512xi32, #tpu.memory_space<vmem>>, vector<16xi32>,
        tpu.vector_store_idx %arg6[%parallel_loop3A_176], %broadcast_in_dim3A_0 {add = true} : memref<4096xf32, #tpu.memory_space<vmem>>[vector<16xi32>], vector<16xf32>,
        %parallel_loop3A_177 = arith.index_cast %parallel_loop3A_134 : i32 to index
        %parallel_loop3A_178 = arith.constant 224 : index
        %parallel_loop3A_179 = tpu.vector_load %arg5[%parallel_loop3A_177, %parallel_loop3A_178] {strides = array<i32>} : memref<64x512xi32, #tpu.memory_space<vmem>>, vector<16xi32>,
        tpu.vector_store_idx %arg6[%parallel_loop3A_179], %broadcast_in_dim3A_0 {add = true} : memref<4096xf32, #tpu.memory_space<vmem>>[vector<16xi32>], vector<16xf32>,
        %parallel_loop3A_180 = arith.index_cast %parallel_loop3A_134 : i32 to index
        %parallel_loop3A_181 = arith.constant 240 : index
        %parallel_loop3A_182 = tpu.vector_load %arg5[%parallel_loop3A_180, %parallel_loop3A_181] {strides = array<i32>} : memref<64x512xi32, #tpu.memory_space<vmem>>, vector<16xi32>,
        tpu.vector_store_idx %arg6[%parallel_loop3A_182], %broadcast_in_dim3A_0 {add = true} : memref<4096xf32, #tpu.memory_space<vmem>>[vector<16xi32>], vector<16xf32>,
        %parallel_loop3A_183 = arith.index_cast %parallel_loop3A_134 : i32 to index
        %parallel_loop3A_184 = arith.constant 256 : index
        %parallel_loop3A_185 = tpu.vector_load %arg5[%parallel_loop3A_183, %parallel_loop3A_184] {strides = array<i32>} : memref<64x512xi32, #tpu.memory_space<vmem>>, vector<16xi32>,
        tpu.vector_store_idx %arg6[%parallel_loop3A_185], %broadcast_in_dim3A_0 {add = true} : memref<4096xf32, #tpu.memory_space<vmem>>[vector<16xi32>], vector<16xf32>,
        %parallel_loop3A_186 = arith.index_cast %parallel_loop3A_134 : i32 to index
        %parallel_loop3A_187 = arith.constant 272 : index
        %parallel_loop3A_188 = tpu.vector_load %arg5[%parallel_loop3A_186, %parallel_loop3A_187] {strides = array<i32>} : memref<64x512xi32, #tpu.memory_space<vmem>>, vector<16xi32>,
        tpu.vector_store_idx %arg6[%parallel_loop3A_188], %broadcast_in_dim3A_0 {add = true} : memref<4096xf32, #tpu.memory_space<vmem>>[vector<16xi32>], vector<16xf32>,
        %parallel_loop3A_189 = arith.index_cast %parallel_loop3A_134 : i32 to index
        %parallel_loop3A_190 = arith.constant 288 : index
        %parallel_loop3A_191 = tpu.vector_load %arg5[%parallel_loop3A_189, %parallel_loop3A_190] {strides = array<i32>} : memref<64x512xi32, #tpu.memory_space<vmem>>, vector<16xi32>,
        tpu.vector_store_idx %arg6[%parallel_loop3A_191], %broadcast_in_dim3A_0 {add = true} : memref<4096xf32, #tpu.memory_space<vmem>>[vector<16xi32>], vector<16xf32>,
        %parallel_loop3A_192 = arith.index_cast %parallel_loop3A_134 : i32 to index
        %parallel_loop3A_193 = arith.constant 304 : index
        %parallel_loop3A_194 = tpu.vector_load %arg5[%parallel_loop3A_192, %parallel_loop3A_193] {strides = array<i32>} : memref<64x512xi32, #tpu.memory_space<vmem>>, vector<16xi32>,
        tpu.vector_store_idx %arg6[%parallel_loop3A_194], %broadcast_in_dim3A_0 {add = true} : memref<4096xf32, #tpu.memory_space<vmem>>[vector<16xi32>], vector<16xf32>,
        %parallel_loop3A_195 = arith.index_cast %parallel_loop3A_134 : i32 to index
        %parallel_loop3A_196 = arith.constant 320 : index
        %parallel_loop3A_197 = tpu.vector_load %arg5[%parallel_loop3A_195, %parallel_loop3A_196] {strides = array<i32>} : memref<64x512xi32, #tpu.memory_space<vmem>>, vector<16xi32>,
        tpu.vector_store_idx %arg6[%parallel_loop3A_197], %broadcast_in_dim3A_0 {add = true} : memref<4096xf32, #tpu.memory_space<vmem>>[vector<16xi32>], vector<16xf32>,
        %parallel_loop3A_198 = arith.index_cast %parallel_loop3A_134 : i32 to index
        %parallel_loop3A_199 = arith.constant 336 : index
        %parallel_loop3A_200 = tpu.vector_load %arg5[%parallel_loop3A_198, %parallel_loop3A_199] {strides = array<i32>} : memref<64x512xi32, #tpu.memory_space<vmem>>, vector<16xi32>,
        tpu.vector_store_idx %arg6[%parallel_loop3A_200], %broadcast_in_dim3A_0 {add = true} : memref<4096xf32, #tpu.memory_space<vmem>>[vector<16xi32>], vector<16xf32>,
        %parallel_loop3A_201 = arith.index_cast %parallel_loop3A_134 : i32 to index
        %parallel_loop3A_202 = arith.constant 352 : index
        %parallel_loop3A_203 = tpu.vector_load %arg5[%parallel_loop3A_201, %parallel_loop3A_202] {strides = array<i32>} : memref<64x512xi32, #tpu.memory_space<vmem>>, vector<16xi32>,
        tpu.vector_store_idx %arg6[%parallel_loop3A_203], %broadcast_in_dim3A_0 {add = true} : memref<4096xf32, #tpu.memory_space<vmem>>[vector<16xi32>], vector<16xf32>,
        %parallel_loop3A_204 = arith.index_cast %parallel_loop3A_134 : i32 to index
        %parallel_loop3A_205 = arith.constant 368 : index
        %parallel_loop3A_206 = tpu.vector_load %arg5[%parallel_loop3A_204, %parallel_loop3A_205] {strides = array<i32>} : memref<64x512xi32, #tpu.memory_space<vmem>>, vector<16xi32>,
        tpu.vector_store_idx %arg6[%parallel_loop3A_206], %broadcast_in_dim3A_0 {add = true} : memref<4096xf32, #tpu.memory_space<vmem>>[vector<16xi32>], vector<16xf32>,
        %parallel_loop3A_207 = arith.index_cast %parallel_loop3A_134 : i32 to index
        %parallel_loop3A_208 = arith.constant 384 : index
        %parallel_loop3A_209 = tpu.vector_load %arg5[%parallel_loop3A_207, %parallel_loop3A_208] {strides = array<i32>} : memref<64x512xi32, #tpu.memory_space<vmem>>, vector<16xi32>,
        tpu.vector_store_idx %arg6[%parallel_loop3A_209], %broadcast_in_dim3A_0 {add = true} : memref<4096xf32, #tpu.memory_space<vmem>>[vector<16xi32>], vector<16xf32>,
        %parallel_loop3A_210 = arith.index_cast %parallel_loop3A_134 : i32 to index
        %parallel_loop3A_211 = arith.constant 400 : index
        %parallel_loop3A_212 = tpu.vector_load %arg5[%parallel_loop3A_210, %parallel_loop3A_211] {strides = array<i32>} : memref<64x512xi32, #tpu.memory_space<vmem>>, vector<16xi32>,
        tpu.vector_store_idx %arg6[%parallel_loop3A_212], %broadcast_in_dim3A_0 {add = true} : memref<4096xf32, #tpu.memory_space<vmem>>[vector<16xi32>], vector<16xf32>,
        %parallel_loop3A_213 = arith.index_cast %parallel_loop3A_134 : i32 to index
        %parallel_loop3A_214 = arith.constant 416 : index
        %parallel_loop3A_215 = tpu.vector_load %arg5[%parallel_loop3A_213, %parallel_loop3A_214] {strides = array<i32>} : memref<64x512xi32, #tpu.memory_space<vmem>>, vector<16xi32>,
        tpu.vector_store_idx %arg6[%parallel_loop3A_215], %broadcast_in_dim3A_0 {add = true} : memref<4096xf32, #tpu.memory_space<vmem>>[vector<16xi32>], vector<16xf32>,
        %parallel_loop3A_216 = arith.index_cast %parallel_loop3A_134 : i32 to index
        %parallel_loop3A_217 = arith.constant 432 : index
        %parallel_loop3A_218 = tpu.vector_load %arg5[%parallel_loop3A_216, %parallel_loop3A_217] {strides = array<i32>} : memref<64x512xi32, #tpu.memory_space<vmem>>, vector<16xi32>,
        tpu.vector_store_idx %arg6[%parallel_loop3A_218], %broadcast_in_dim3A_0 {add = true} : memref<4096xf32, #tpu.memory_space<vmem>>[vector<16xi32>], vector<16xf32>,
        %parallel_loop3A_219 = arith.index_cast %parallel_loop3A_134 : i32 to index
        %parallel_loop3A_220 = arith.constant 448 : index
        %parallel_loop3A_221 = tpu.vector_load %arg5[%parallel_loop3A_219, %parallel_loop3A_220] {strides = array<i32>} : memref<64x512xi32, #tpu.memory_space<vmem>>, vector<16xi32>,
        tpu.vector_store_idx %arg6[%parallel_loop3A_221], %broadcast_in_dim3A_0 {add = true} : memref<4096xf32, #tpu.memory_space<vmem>>[vector<16xi32>], vector<16xf32>,
        %parallel_loop3A_222 = arith.index_cast %parallel_loop3A_134 : i32 to index
        %parallel_loop3A_223 = arith.constant 464 : index
        %parallel_loop3A_224 = tpu.vector_load %arg5[%parallel_loop3A_222, %parallel_loop3A_223] {strides = array<i32>} : memref<64x512xi32, #tpu.memory_space<vmem>>, vector<16xi32>,
        tpu.vector_store_idx %arg6[%parallel_loop3A_224], %broadcast_in_dim3A_0 {add = true} : memref<4096xf32, #tpu.memory_space<vmem>>[vector<16xi32>], vector<16xf32>,
        %parallel_loop3A_225 = arith.index_cast %parallel_loop3A_134 : i32 to index
        %parallel_loop3A_226 = arith.constant 480 : index
        %parallel_loop3A_227 = tpu.vector_load %arg5[%parallel_loop3A_225, %parallel_loop3A_226] {strides = array<i32>} : memref<64x512xi32, #tpu.memory_space<vmem>>, vector<16xi32>,
        tpu.vector_store_idx %arg6[%parallel_loop3A_227], %broadcast_in_dim3A_0 {add = true} : memref<4096xf32, #tpu.memory_space<vmem>>[vector<16xi32>], vector<16xf32>,
        %parallel_loop3A_228 = arith.index_cast %parallel_loop3A_134 : i32 to index
        %parallel_loop3A_229 = arith.constant 496 : index
        %parallel_loop3A_230 = tpu.vector_load %arg5[%parallel_loop3A_228, %parallel_loop3A_229] {strides = array<i32>} : memref<64x512xi32, #tpu.memory_space<vmem>>, vector<16xi32>,
        tpu.vector_store_idx %arg6[%parallel_loop3A_230], %broadcast_in_dim3A_0 {add = true} : memref<4096xf32, #tpu.memory_space<vmem>>[vector<16xi32>], vector<16xf32>,
      } {sc.loop_unroll_factor = 2 : i64, sc.parallel_access}
      %add3A_120 = arith.constant 2 : i32
      %add3A_121 = arith.addi %add3A_107, %add3A_120 : i32
      %lt3A_122 = arith.cmpi slt, %add3A_121, %mul3A_12 : i32
      %convert_element_type3A_123 = arith.extui %lt3A_122 : i1 to i32
      %cond3A_124 = arith.constant 0 : i32
      %cond3A_125 = arith.cmpi ne, %convert_element_type3A_123, %cond3A_124 : i32
      scf.if %cond3A_125 {
        %shift_right_logical3A_134 = arith.constant 2 : i32
        %shift_right_logical3A_135 = arith.shrui %add3A_121, %shift_right_logical3A_134 : i32
        %add3A_136 = arith.addi %sub3A_10, %shift_right_logical3A_135 : i32
        %and3A_137 = arith.constant 1 : i32
        %and3A_138 = arith.andi %add3A_136, %and3A_137 : i32
        %mul3A_139 = arith.constant 256 : i32
        %mul3A_140 = arith.muli %and3A_138, %mul3A_139 : i32
        %and3A_141 = arith.constant 3 : i32
        %and3A_142 = arith.andi %add3A_121, %and3A_141 : i32
        %mul3A_143 = arith.constant 64 : i32
        %mul3A_144 = arith.muli %and3A_142, %mul3A_143 : i32
        %add3A_145 = arith.addi %mul3A_140, %mul3A_144 : i32
        %mul3A_146 = arith.constant 38 : i32
        %mul3A_147 = arith.muli %arg0, %mul3A_146 : i32
        %shift_right_logical3A_148 = arith.constant 1 : i32
        %shift_right_logical3A_149 = arith.shrui %add3A_136, %shift_right_logical3A_148 : i32
        %add3A_150 = arith.addi %mul3A_147, %shift_right_logical3A_149 : i32
        %dma_start3A_151 = arith.constant 0 : i32
        %dma_start3A_152 = tpu.memref_slice %arg2[%add3A_150, %add3A_145, %dma_start3A_151] : memref<76x512x512xi32, #tpu.memory_space<hbm>> -> memref<1x64x512xi32, #tpu.memory_space<hbm>>
        %dma_start3A_153 = tpu.memref_squeeze %dma_start3A_152 : memref<1x64x512xi32, #tpu.memory_space<hbm>> -> memref<64x512xi32, #tpu.memory_space<hbm>>
        %dma_start3A_154 = arith.constant 0 : i32
        %dma_start3A_155 = tpu.memref_slice %arg2[%add3A_150, %add3A_145, %dma_start3A_154] : memref<76x512x512xi32, #tpu.memory_space<hbm>> -> memref<1x64x512xi32, #tpu.memory_space<hbm>>
        %dma_start3A_156 = tpu.memref_squeeze %dma_start3A_155 : memref<1x64x512xi32, #tpu.memory_space<hbm>> -> memref<64x512xi32, #tpu.memory_space<hbm>>
        tpu.enqueue_dma source(%dma_start3A_156 : memref<64x512xi32, #tpu.memory_space<hbm>>) target(%arg5 : memref<64x512xi32, #tpu.memory_space<vmem>>) target_semaphore(%arg12 : memref<!tpu.dma_semaphore, #tpu.memory_space<semaphore_mem>>)
      } else {
      }
      %and3A_126 = arith.constant 3 : i32
      %and3A_127 = arith.andi %add3A_107, %and3A_126 : i32
      %eq3A_128 = arith.constant 3 : i32
      %eq3A_129 = arith.cmpi eq, %and3A_127, %eq3A_128 : i32
      %convert_element_type3A_130 = arith.extui %eq3A_129 : i1 to i32
      %cond3A_131 = arith.constant 0 : i32
      %cond3A_132 = arith.cmpi ne, %convert_element_type3A_130, %cond3A_131 : i32
      scf.if %cond3A_132 {
        %shift_right_logical3A_134 = arith.constant 2 : i32
        %shift_right_logical3A_135 = arith.shrui %add3A_107, %shift_right_logical3A_134 : i32
        %add3A_136 = arith.addi %sub3A_10, %shift_right_logical3A_135 : i32
        "tpu.region"() ({
          %run_scoped3A = tpu.sem_alloc : memref<!tpu.dma_semaphore, #tpu.memory_space<semaphore_mem>>
          %dma_start3A_140 = arith.constant 0 : i32
          %dma_start3A_141 = tpu.memref_slice %arg10[%add3A_136, %dma_start3A_140] : memref<80x4096xf32, #tpu.memory_space<vmem_shared>> -> memref<1x4096xf32, #tpu.memory_space<vmem_shared>>
          %dma_start3A_142 = tpu.memref_squeeze %dma_start3A_141 : memref<1x4096xf32, #tpu.memory_space<vmem_shared>> -> memref<4096xf32, #tpu.memory_space<vmem_shared>>
          %dma_start3A_143 = arith.constant 0 : i32
          %dma_start3A_144 = tpu.memref_slice %arg10[%add3A_136, %dma_start3A_143] : memref<80x4096xf32, #tpu.memory_space<vmem_shared>> -> memref<1x4096xf32, #tpu.memory_space<vmem_shared>>
          %dma_start3A_145 = tpu.memref_squeeze %dma_start3A_144 : memref<1x4096xf32, #tpu.memory_space<vmem_shared>> -> memref<4096xf32, #tpu.memory_space<vmem_shared>>
          tpu.enqueue_dma source(%arg6 : memref<4096xf32, #tpu.memory_space<vmem>>) target(%dma_start3A_145 : memref<4096xf32, #tpu.memory_space<vmem_shared>>) target_semaphore(%run_scoped3A : memref<!tpu.dma_semaphore, #tpu.memory_space<semaphore_mem>>)
          %dma_wait3A_146 = arith.constant 0 : i32
          %dma_wait3A_147 = tpu.memref_slice %arg10[%add3A_136, %dma_wait3A_146] : memref<80x4096xf32, #tpu.memory_space<vmem_shared>> -> memref<1x4096xf32, #tpu.memory_space<vmem_shared>>
          %dma_wait3A_148 = tpu.memref_squeeze %dma_wait3A_147 : memref<1x4096xf32, #tpu.memory_space<vmem_shared>> -> memref<4096xf32, #tpu.memory_space<vmem_shared>>
          %dma_wait3A_149 = arith.constant 0 : i32
          %dma_wait3A_150 = tpu.memref_slice %arg10[%add3A_136, %dma_wait3A_149] : memref<80x4096xf32, #tpu.memory_space<vmem_shared>> -> memref<1x4096xf32, #tpu.memory_space<vmem_shared>>
          %dma_wait3A_151 = tpu.memref_squeeze %dma_wait3A_150 : memref<1x4096xf32, #tpu.memory_space<vmem_shared>> -> memref<4096xf32, #tpu.memory_space<vmem_shared>>
          tpu.wait_dma2 semaphore(%run_scoped3A : memref<!tpu.dma_semaphore, #tpu.memory_space<semaphore_mem>>) src(%arg6 : memref<4096xf32, #tpu.memory_space<vmem>>) dst(%dma_wait3A_151 : memref<4096xf32, #tpu.memory_space<vmem_shared>>)
          tpu.yield
        }) : () -> ()
        %parallel_loop3A_137 = arith.constant 0 : i32
        %parallel_loop3A_138 = arith.constant 4096 : i32
        %parallel_loop3A_139 = arith.constant 16 : i32
        scf.for %parallel_loop3A_140 = %parallel_loop3A_137 to %parallel_loop3A_138 step %parallel_loop3A_139  : i32 {
          %parallel_loop3A_141 = arith.index_cast %parallel_loop3A_140 : i32 to index
          %parallel_loop3A_142 = tpu.vector_load %arg6[%parallel_loop3A_141] {strides = array<i32>} : memref<4096xf32, #tpu.memory_space<vmem>>, vector<16xf32>,
          tpu.vector_store %arg6[%parallel_loop3A_141], %broadcast_in_dim3A_2 {strides = array<i32>} : memref<4096xf32, #tpu.memory_space<vmem>>, vector<16xf32>,
        } {sc.loop_unroll_factor = 8 : i64, sc.parallel_access}
      } else {
      }
      %while3A_133 = arith.constant 0 : i32
      scf.yield %while3A_133 : i32
    }
    %while3A_54 = arith.constant 1 : i32
    %while3A_55 = scf.for %while3A_75 = %while3A_51 to %while3A_47 step %while3A_54 iter_args(%while3A_76 = %while3A_53) -> (i32)  : i32 {
      %mul3A_77 = arith.constant 2 : i32
      %mul3A_78 = arith.muli %while3A_75, %mul3A_77 : i32
      %add3A_79 = arith.constant 0 : i32
      %add3A_80 = arith.addi %mul3A_78, %add3A_79 : i32
      %dma_wait3A = arith.constant 0 : i32
      %dma_wait3A_81 = arith.constant 0 : i32
      %dma_wait3A_82 = arith.constant 0 : i32
      %dma_wait3A_83 = tpu.memref_slice %arg2[%dma_wait3A, %dma_wait3A_81, %dma_wait3A_82] : memref<76x512x512xi32, #tpu.memory_space<hbm>> -> memref<1x64x512xi32, #tpu.memory_space<hbm>>
      %dma_wait3A_84 = tpu.memref_squeeze %dma_wait3A_83 : memref<1x64x512xi32, #tpu.memory_space<hbm>> -> memref<64x512xi32, #tpu.memory_space<hbm>>
      %dma_wait3A_85 = arith.constant 0 : i32
      %dma_wait3A_86 = arith.constant 0 : i32
      %dma_wait3A_87 = tpu.memref_slice %arg2[%dma_wait3A, %dma_wait3A_85, %dma_wait3A_86] : memref<76x512x512xi32, #tpu.memory_space<hbm>> -> memref<1x64x512xi32, #tpu.memory_space<hbm>>
      %dma_wait3A_88 = tpu.memref_squeeze %dma_wait3A_87 : memref<1x64x512xi32, #tpu.memory_space<hbm>> -> memref<64x512xi32, #tpu.memory_space<hbm>>
      tpu.wait_dma2 semaphore(%arg11 : memref<!tpu.dma_semaphore, #tpu.memory_space<semaphore_mem>>) src(%dma_wait3A_88 : memref<64x512xi32, #tpu.memory_space<hbm>>) dst(%arg4 : memref<64x512xi32, #tpu.memory_space<vmem>>)
      %parallel_loop3A_89 = arith.constant 0 : i32
      %parallel_loop3A_90 = arith.constant 64 : i32
      %parallel_loop3A_91 = arith.constant 1 : i32
      scf.for %parallel_loop3A_134 = %parallel_loop3A_89 to %parallel_loop3A_90 step %parallel_loop3A_91  : i32 {
        %parallel_loop3A_135 = arith.index_cast %parallel_loop3A_134 : i32 to index
        %parallel_loop3A_136 = arith.constant 0 : index
        %parallel_loop3A_137 = tpu.vector_load %arg4[%parallel_loop3A_135, %parallel_loop3A_136] {strides = array<i32>} : memref<64x512xi32, #tpu.memory_space<vmem>>, vector<16xi32>,
        tpu.vector_store_idx %arg6[%parallel_loop3A_137], %broadcast_in_dim3A_0 {add = true} : memref<4096xf32, #tpu.memory_space<vmem>>[vector<16xi32>], vector<16xf32>,
        %parallel_loop3A_138 = arith.index_cast %parallel_loop3A_134 : i32 to index
        %parallel_loop3A_139 = arith.constant 16 : index
        %parallel_loop3A_140 = tpu.vector_load %arg4[%parallel_loop3A_138, %parallel_loop3A_139] {strides = array<i32>} : memref<64x512xi32, #tpu.memory_space<vmem>>, vector<16xi32>,
        tpu.vector_store_idx %arg6[%parallel_loop3A_140], %broadcast_in_dim3A_0 {add = true} : memref<4096xf32, #tpu.memory_space<vmem>>[vector<16xi32>], vector<16xf32>,
        %parallel_loop3A_141 = arith.index_cast %parallel_loop3A_134 : i32 to index
        %parallel_loop3A_142 = arith.constant 32 : index
        %parallel_loop3A_143 = tpu.vector_load %arg4[%parallel_loop3A_141, %parallel_loop3A_142] {strides = array<i32>} : memref<64x512xi32, #tpu.memory_space<vmem>>, vector<16xi32>,
        tpu.vector_store_idx %arg6[%parallel_loop3A_143], %broadcast_in_dim3A_0 {add = true} : memref<4096xf32, #tpu.memory_space<vmem>>[vector<16xi32>], vector<16xf32>,
        %parallel_loop3A_144 = arith.index_cast %parallel_loop3A_134 : i32 to index
        %parallel_loop3A_145 = arith.constant 48 : index
        %parallel_loop3A_146 = tpu.vector_load %arg4[%parallel_loop3A_144, %parallel_loop3A_145] {strides = array<i32>} : memref<64x512xi32, #tpu.memory_space<vmem>>, vector<16xi32>,
        tpu.vector_store_idx %arg6[%parallel_loop3A_146], %broadcast_in_dim3A_0 {add = true} : memref<4096xf32, #tpu.memory_space<vmem>>[vector<16xi32>], vector<16xf32>,
        %parallel_loop3A_147 = arith.index_cast %parallel_loop3A_134 : i32 to index
        %parallel_loop3A_148 = arith.constant 64 : index
        %parallel_loop3A_149 = tpu.vector_load %arg4[%parallel_loop3A_147, %parallel_loop3A_148] {strides = array<i32>} : memref<64x512xi32, #tpu.memory_space<vmem>>, vector<16xi32>,
        tpu.vector_store_idx %arg6[%parallel_loop3A_149], %broadcast_in_dim3A_0 {add = true} : memref<4096xf32, #tpu.memory_space<vmem>>[vector<16xi32>], vector<16xf32>,
        %parallel_loop3A_150 = arith.index_cast %parallel_loop3A_134 : i32 to index
        %parallel_loop3A_151 = arith.constant 80 : index
        %parallel_loop3A_152 = tpu.vector_load %arg4[%parallel_loop3A_150, %parallel_loop3A_151] {strides = array<i32>} : memref<64x512xi32, #tpu.memory_space<vmem>>, vector<16xi32>,
        tpu.vector_store_idx %arg6[%parallel_loop3A_152], %broadcast_in_dim3A_0 {add = true} : memref<4096xf32, #tpu.memory_space<vmem>>[vector<16xi32>], vector<16xf32>,
        %parallel_loop3A_153 = arith.index_cast %parallel_loop3A_134 : i32 to index
        %parallel_loop3A_154 = arith.constant 96 : index
        %parallel_loop3A_155 = tpu.vector_load %arg4[%parallel_loop3A_153, %parallel_loop3A_154] {strides = array<i32>} : memref<64x512xi32, #tpu.memory_space<vmem>>, vector<16xi32>,
        tpu.vector_store_idx %arg6[%parallel_loop3A_155], %broadcast_in_dim3A_0 {add = true} : memref<4096xf32, #tpu.memory_space<vmem>>[vector<16xi32>], vector<16xf32>,
        %parallel_loop3A_156 = arith.index_cast %parallel_loop3A_134 : i32 to index
        %parallel_loop3A_157 = arith.constant 112 : index
        %parallel_loop3A_158 = tpu.vector_load %arg4[%parallel_loop3A_156, %parallel_loop3A_157] {strides = array<i32>} : memref<64x512xi32, #tpu.memory_space<vmem>>, vector<16xi32>,
        tpu.vector_store_idx %arg6[%parallel_loop3A_158], %broadcast_in_dim3A_0 {add = true} : memref<4096xf32, #tpu.memory_space<vmem>>[vector<16xi32>], vector<16xf32>,
        %parallel_loop3A_159 = arith.index_cast %parallel_loop3A_134 : i32 to index
        %parallel_loop3A_160 = arith.constant 128 : index
        %parallel_loop3A_161 = tpu.vector_load %arg4[%parallel_loop3A_159, %parallel_loop3A_160] {strides = array<i32>} : memref<64x512xi32, #tpu.memory_space<vmem>>, vector<16xi32>,
        tpu.vector_store_idx %arg6[%parallel_loop3A_161], %broadcast_in_dim3A_0 {add = true} : memref<4096xf32, #tpu.memory_space<vmem>>[vector<16xi32>], vector<16xf32>,
        %parallel_loop3A_162 = arith.index_cast %parallel_loop3A_134 : i32 to index
        %parallel_loop3A_163 = arith.constant 144 : index
        %parallel_loop3A_164 = tpu.vector_load %arg4[%parallel_loop3A_162, %parallel_loop3A_163] {strides = array<i32>} : memref<64x512xi32, #tpu.memory_space<vmem>>, vector<16xi32>,
        tpu.vector_store_idx %arg6[%parallel_loop3A_164], %broadcast_in_dim3A_0 {add = true} : memref<4096xf32, #tpu.memory_space<vmem>>[vector<16xi32>], vector<16xf32>,
        %parallel_loop3A_165 = arith.index_cast %parallel_loop3A_134 : i32 to index
        %parallel_loop3A_166 = arith.constant 160 : index
        %parallel_loop3A_167 = tpu.vector_load %arg4[%parallel_loop3A_165, %parallel_loop3A_166] {strides = array<i32>} : memref<64x512xi32, #tpu.memory_space<vmem>>, vector<16xi32>,
        tpu.vector_store_idx %arg6[%parallel_loop3A_167], %broadcast_in_dim3A_0 {add = true} : memref<4096xf32, #tpu.memory_space<vmem>>[vector<16xi32>], vector<16xf32>,
        %parallel_loop3A_168 = arith.index_cast %parallel_loop3A_134 : i32 to index
        %parallel_loop3A_169 = arith.constant 176 : index
        %parallel_loop3A_170 = tpu.vector_load %arg4[%parallel_loop3A_168, %parallel_loop3A_169] {strides = array<i32>} : memref<64x512xi32, #tpu.memory_space<vmem>>, vector<16xi32>,
        tpu.vector_store_idx %arg6[%parallel_loop3A_170], %broadcast_in_dim3A_0 {add = true} : memref<4096xf32, #tpu.memory_space<vmem>>[vector<16xi32>], vector<16xf32>,
        %parallel_loop3A_171 = arith.index_cast %parallel_loop3A_134 : i32 to index
        %parallel_loop3A_172 = arith.constant 192 : index
        %parallel_loop3A_173 = tpu.vector_load %arg4[%parallel_loop3A_171, %parallel_loop3A_172] {strides = array<i32>} : memref<64x512xi32, #tpu.memory_space<vmem>>, vector<16xi32>,
        tpu.vector_store_idx %arg6[%parallel_loop3A_173], %broadcast_in_dim3A_0 {add = true} : memref<4096xf32, #tpu.memory_space<vmem>>[vector<16xi32>], vector<16xf32>,
        %parallel_loop3A_174 = arith.index_cast %parallel_loop3A_134 : i32 to index
        %parallel_loop3A_175 = arith.constant 208 : index
        %parallel_loop3A_176 = tpu.vector_load %arg4[%parallel_loop3A_174, %parallel_loop3A_175] {strides = array<i32>} : memref<64x512xi32, #tpu.memory_space<vmem>>, vector<16xi32>,
        tpu.vector_store_idx %arg6[%parallel_loop3A_176], %broadcast_in_dim3A_0 {add = true} : memref<4096xf32, #tpu.memory_space<vmem>>[vector<16xi32>], vector<16xf32>,
        %parallel_loop3A_177 = arith.index_cast %parallel_loop3A_134 : i32 to index
        %parallel_loop3A_178 = arith.constant 224 : index
        %parallel_loop3A_179 = tpu.vector_load %arg4[%parallel_loop3A_177, %parallel_loop3A_178] {strides = array<i32>} : memref<64x512xi32, #tpu.memory_space<vmem>>, vector<16xi32>,
        tpu.vector_store_idx %arg6[%parallel_loop3A_179], %broadcast_in_dim3A_0 {add = true} : memref<4096xf32, #tpu.memory_space<vmem>>[vector<16xi32>], vector<16xf32>,
        %parallel_loop3A_180 = arith.index_cast %parallel_loop3A_134 : i32 to index
        %parallel_loop3A_181 = arith.constant 240 : index
        %parallel_loop3A_182 = tpu.vector_load %arg4[%parallel_loop3A_180, %parallel_loop3A_181] {strides = array<i32>} : memref<64x512xi32, #tpu.memory_space<vmem>>, vector<16xi32>,
        tpu.vector_store_idx %arg6[%parallel_loop3A_182], %broadcast_in_dim3A_0 {add = true} : memref<4096xf32, #tpu.memory_space<vmem>>[vector<16xi32>], vector<16xf32>,
        %parallel_loop3A_183 = arith.index_cast %parallel_loop3A_134 : i32 to index
        %parallel_loop3A_184 = arith.constant 256 : index
        %parallel_loop3A_185 = tpu.vector_load %arg4[%parallel_loop3A_183, %parallel_loop3A_184] {strides = array<i32>} : memref<64x512xi32, #tpu.memory_space<vmem>>, vector<16xi32>,
        tpu.vector_store_idx %arg6[%parallel_loop3A_185], %broadcast_in_dim3A_0 {add = true} : memref<4096xf32, #tpu.memory_space<vmem>>[vector<16xi32>], vector<16xf32>,
        %parallel_loop3A_186 = arith.index_cast %parallel_loop3A_134 : i32 to index
        %parallel_loop3A_187 = arith.constant 272 : index
        %parallel_loop3A_188 = tpu.vector_load %arg4[%parallel_loop3A_186, %parallel_loop3A_187] {strides = array<i32>} : memref<64x512xi32, #tpu.memory_space<vmem>>, vector<16xi32>,
        tpu.vector_store_idx %arg6[%parallel_loop3A_188], %broadcast_in_dim3A_0 {add = true} : memref<4096xf32, #tpu.memory_space<vmem>>[vector<16xi32>], vector<16xf32>,
        %parallel_loop3A_189 = arith.index_cast %parallel_loop3A_134 : i32 to index
        %parallel_loop3A_190 = arith.constant 288 : index
        %parallel_loop3A_191 = tpu.vector_load %arg4[%parallel_loop3A_189, %parallel_loop3A_190] {strides = array<i32>} : memref<64x512xi32, #tpu.memory_space<vmem>>, vector<16xi32>,
        tpu.vector_store_idx %arg6[%parallel_loop3A_191], %broadcast_in_dim3A_0 {add = true} : memref<4096xf32, #tpu.memory_space<vmem>>[vector<16xi32>], vector<16xf32>,
        %parallel_loop3A_192 = arith.index_cast %parallel_loop3A_134 : i32 to index
        %parallel_loop3A_193 = arith.constant 304 : index
        %parallel_loop3A_194 = tpu.vector_load %arg4[%parallel_loop3A_192, %parallel_loop3A_193] {strides = array<i32>} : memref<64x512xi32, #tpu.memory_space<vmem>>, vector<16xi32>,
        tpu.vector_store_idx %arg6[%parallel_loop3A_194], %broadcast_in_dim3A_0 {add = true} : memref<4096xf32, #tpu.memory_space<vmem>>[vector<16xi32>], vector<16xf32>,
        %parallel_loop3A_195 = arith.index_cast %parallel_loop3A_134 : i32 to index
        %parallel_loop3A_196 = arith.constant 320 : index
        %parallel_loop3A_197 = tpu.vector_load %arg4[%parallel_loop3A_195, %parallel_loop3A_196] {strides = array<i32>} : memref<64x512xi32, #tpu.memory_space<vmem>>, vector<16xi32>,
        tpu.vector_store_idx %arg6[%parallel_loop3A_197], %broadcast_in_dim3A_0 {add = true} : memref<4096xf32, #tpu.memory_space<vmem>>[vector<16xi32>], vector<16xf32>,
        %parallel_loop3A_198 = arith.index_cast %parallel_loop3A_134 : i32 to index
        %parallel_loop3A_199 = arith.constant 336 : index
        %parallel_loop3A_200 = tpu.vector_load %arg4[%parallel_loop3A_198, %parallel_loop3A_199] {strides = array<i32>} : memref<64x512xi32, #tpu.memory_space<vmem>>, vector<16xi32>,
        tpu.vector_store_idx %arg6[%parallel_loop3A_200], %broadcast_in_dim3A_0 {add = true} : memref<4096xf32, #tpu.memory_space<vmem>>[vector<16xi32>], vector<16xf32>,
        %parallel_loop3A_201 = arith.index_cast %parallel_loop3A_134 : i32 to index
        %parallel_loop3A_202 = arith.constant 352 : index
        %parallel_loop3A_203 = tpu.vector_load %arg4[%parallel_loop3A_201, %parallel_loop3A_202] {strides = array<i32>} : memref<64x512xi32, #tpu.memory_space<vmem>>, vector<16xi32>,
        tpu.vector_store_idx %arg6[%parallel_loop3A_203], %broadcast_in_dim3A_0 {add = true} : memref<4096xf32, #tpu.memory_space<vmem>>[vector<16xi32>], vector<16xf32>,
        %parallel_loop3A_204 = arith.index_cast %parallel_loop3A_134 : i32 to index
        %parallel_loop3A_205 = arith.constant 368 : index
        %parallel_loop3A_206 = tpu.vector_load %arg4[%parallel_loop3A_204, %parallel_loop3A_205] {strides = array<i32>} : memref<64x512xi32, #tpu.memory_space<vmem>>, vector<16xi32>,
        tpu.vector_store_idx %arg6[%parallel_loop3A_206], %broadcast_in_dim3A_0 {add = true} : memref<4096xf32, #tpu.memory_space<vmem>>[vector<16xi32>], vector<16xf32>,
        %parallel_loop3A_207 = arith.index_cast %parallel_loop3A_134 : i32 to index
        %parallel_loop3A_208 = arith.constant 384 : index
        %parallel_loop3A_209 = tpu.vector_load %arg4[%parallel_loop3A_207, %parallel_loop3A_208] {strides = array<i32>} : memref<64x512xi32, #tpu.memory_space<vmem>>, vector<16xi32>,
        tpu.vector_store_idx %arg6[%parallel_loop3A_209], %broadcast_in_dim3A_0 {add = true} : memref<4096xf32, #tpu.memory_space<vmem>>[vector<16xi32>], vector<16xf32>,
        %parallel_loop3A_210 = arith.index_cast %parallel_loop3A_134 : i32 to index
        %parallel_loop3A_211 = arith.constant 400 : index
        %parallel_loop3A_212 = tpu.vector_load %arg4[%parallel_loop3A_210, %parallel_loop3A_211] {strides = array<i32>} : memref<64x512xi32, #tpu.memory_space<vmem>>, vector<16xi32>,
        tpu.vector_store_idx %arg6[%parallel_loop3A_212], %broadcast_in_dim3A_0 {add = true} : memref<4096xf32, #tpu.memory_space<vmem>>[vector<16xi32>], vector<16xf32>,
        %parallel_loop3A_213 = arith.index_cast %parallel_loop3A_134 : i32 to index
        %parallel_loop3A_214 = arith.constant 416 : index
        %parallel_loop3A_215 = tpu.vector_load %arg4[%parallel_loop3A_213, %parallel_loop3A_214] {strides = array<i32>} : memref<64x512xi32, #tpu.memory_space<vmem>>, vector<16xi32>,
        tpu.vector_store_idx %arg6[%parallel_loop3A_215], %broadcast_in_dim3A_0 {add = true} : memref<4096xf32, #tpu.memory_space<vmem>>[vector<16xi32>], vector<16xf32>,
        %parallel_loop3A_216 = arith.index_cast %parallel_loop3A_134 : i32 to index
        %parallel_loop3A_217 = arith.constant 432 : index
        %parallel_loop3A_218 = tpu.vector_load %arg4[%parallel_loop3A_216, %parallel_loop3A_217] {strides = array<i32>} : memref<64x512xi32, #tpu.memory_space<vmem>>, vector<16xi32>,
        tpu.vector_store_idx %arg6[%parallel_loop3A_218], %broadcast_in_dim3A_0 {add = true} : memref<4096xf32, #tpu.memory_space<vmem>>[vector<16xi32>], vector<16xf32>,
        %parallel_loop3A_219 = arith.index_cast %parallel_loop3A_134 : i32 to index
        %parallel_loop3A_220 = arith.constant 448 : index
        %parallel_loop3A_221 = tpu.vector_load %arg4[%parallel_loop3A_219, %parallel_loop3A_220] {strides = array<i32>} : memref<64x512xi32, #tpu.memory_space<vmem>>, vector<16xi32>,
        tpu.vector_store_idx %arg6[%parallel_loop3A_221], %broadcast_in_dim3A_0 {add = true} : memref<4096xf32, #tpu.memory_space<vmem>>[vector<16xi32>], vector<16xf32>,
        %parallel_loop3A_222 = arith.index_cast %parallel_loop3A_134 : i32 to index
        %parallel_loop3A_223 = arith.constant 464 : index
        %parallel_loop3A_224 = tpu.vector_load %arg4[%parallel_loop3A_222, %parallel_loop3A_223] {strides = array<i32>} : memref<64x512xi32, #tpu.memory_space<vmem>>, vector<16xi32>,
        tpu.vector_store_idx %arg6[%parallel_loop3A_224], %broadcast_in_dim3A_0 {add = true} : memref<4096xf32, #tpu.memory_space<vmem>>[vector<16xi32>], vector<16xf32>,
        %parallel_loop3A_225 = arith.index_cast %parallel_loop3A_134 : i32 to index
        %parallel_loop3A_226 = arith.constant 480 : index
        %parallel_loop3A_227 = tpu.vector_load %arg4[%parallel_loop3A_225, %parallel_loop3A_226] {strides = array<i32>} : memref<64x512xi32, #tpu.memory_space<vmem>>, vector<16xi32>,
        tpu.vector_store_idx %arg6[%parallel_loop3A_227], %broadcast_in_dim3A_0 {add = true} : memref<4096xf32, #tpu.memory_space<vmem>>[vector<16xi32>], vector<16xf32>,
        %parallel_loop3A_228 = arith.index_cast %parallel_loop3A_134 : i32 to index
        %parallel_loop3A_229 = arith.constant 496 : index
        %parallel_loop3A_230 = tpu.vector_load %arg4[%parallel_loop3A_228, %parallel_loop3A_229] {strides = array<i32>} : memref<64x512xi32, #tpu.memory_space<vmem>>, vector<16xi32>,
        tpu.vector_store_idx %arg6[%parallel_loop3A_230], %broadcast_in_dim3A_0 {add = true} : memref<4096xf32, #tpu.memory_space<vmem>>[vector<16xi32>], vector<16xf32>,
      } {sc.loop_unroll_factor = 2 : i64, sc.parallel_access}
      %add3A_92 = arith.constant 2 : i32
      %add3A_93 = arith.addi %add3A_80, %add3A_92 : i32
      %lt3A_94 = arith.cmpi slt, %add3A_93, %mul3A_12 : i32
      %convert_element_type3A_95 = arith.extui %lt3A_94 : i1 to i32
      %cond3A_96 = arith.constant 0 : i32
      %cond3A_97 = arith.cmpi ne, %convert_element_type3A_95, %cond3A_96 : i32
      scf.if %cond3A_97 {
        %shift_right_logical3A_134 = arith.constant 2 : i32
        %shift_right_logical3A_135 = arith.shrui %add3A_93, %shift_right_logical3A_134 : i32
        %add3A_136 = arith.addi %sub3A_10, %shift_right_logical3A_135 : i32
        %and3A_137 = arith.constant 1 : i32
        %and3A_138 = arith.andi %add3A_136, %and3A_137 : i32
        %mul3A_139 = arith.constant 256 : i32
        %mul3A_140 = arith.muli %and3A_138, %mul3A_139 : i32
        %and3A_141 = arith.constant 3 : i32
        %and3A_142 = arith.andi %add3A_93, %and3A_141 : i32
        %mul3A_143 = arith.constant 64 : i32
        %mul3A_144 = arith.muli %and3A_142, %mul3A_143 : i32
        %add3A_145 = arith.addi %mul3A_140, %mul3A_144 : i32
        %mul3A_146 = arith.constant 38 : i32
        %mul3A_147 = arith.muli %arg0, %mul3A_146 : i32
        %shift_right_logical3A_148 = arith.constant 1 : i32
        %shift_right_logical3A_149 = arith.shrui %add3A_136, %shift_right_logical3A_148 : i32
        %add3A_150 = arith.addi %mul3A_147, %shift_right_logical3A_149 : i32
        %dma_start3A_151 = arith.constant 0 : i32
        %dma_start3A_152 = tpu.memref_slice %arg2[%add3A_150, %add3A_145, %dma_start3A_151] : memref<76x512x512xi32, #tpu.memory_space<hbm>> -> memref<1x64x512xi32, #tpu.memory_space<hbm>>
        %dma_start3A_153 = tpu.memref_squeeze %dma_start3A_152 : memref<1x64x512xi32, #tpu.memory_space<hbm>> -> memref<64x512xi32, #tpu.memory_space<hbm>>
        %dma_start3A_154 = arith.constant 0 : i32
        %dma_start3A_155 = tpu.memref_slice %arg2[%add3A_150, %add3A_145, %dma_start3A_154] : memref<76x512x512xi32, #tpu.memory_space<hbm>> -> memref<1x64x512xi32, #tpu.memory_space<hbm>>
        %dma_start3A_156 = tpu.memref_squeeze %dma_start3A_155 : memref<1x64x512xi32, #tpu.memory_space<hbm>> -> memref<64x512xi32, #tpu.memory_space<hbm>>
        tpu.enqueue_dma source(%dma_start3A_156 : memref<64x512xi32, #tpu.memory_space<hbm>>) target(%arg4 : memref<64x512xi32, #tpu.memory_space<vmem>>) target_semaphore(%arg11 : memref<!tpu.dma_semaphore, #tpu.memory_space<semaphore_mem>>)
      } else {
      }
      %and3A_98 = arith.constant 3 : i32
      %and3A_99 = arith.andi %add3A_80, %and3A_98 : i32
      %eq3A = arith.constant 3 : i32
      %eq3A_100 = arith.cmpi eq, %and3A_99, %eq3A : i32
      %convert_element_type3A_101 = arith.extui %eq3A_100 : i1 to i32
      %cond3A_102 = arith.constant 0 : i32
      %cond3A_103 = arith.cmpi ne, %convert_element_type3A_101, %cond3A_102 : i32
      scf.if %cond3A_103 {
        %shift_right_logical3A_134 = arith.constant 2 : i32
        %shift_right_logical3A_135 = arith.shrui %add3A_80, %shift_right_logical3A_134 : i32
        %add3A_136 = arith.addi %sub3A_10, %shift_right_logical3A_135 : i32
        "tpu.region"() ({
          %run_scoped3A = tpu.sem_alloc : memref<!tpu.dma_semaphore, #tpu.memory_space<semaphore_mem>>
          %dma_start3A_140 = arith.constant 0 : i32
          %dma_start3A_141 = tpu.memref_slice %arg10[%add3A_136, %dma_start3A_140] : memref<80x4096xf32, #tpu.memory_space<vmem_shared>> -> memref<1x4096xf32, #tpu.memory_space<vmem_shared>>
          %dma_start3A_142 = tpu.memref_squeeze %dma_start3A_141 : memref<1x4096xf32, #tpu.memory_space<vmem_shared>> -> memref<4096xf32, #tpu.memory_space<vmem_shared>>
          %dma_start3A_143 = arith.constant 0 : i32
          %dma_start3A_144 = tpu.memref_slice %arg10[%add3A_136, %dma_start3A_143] : memref<80x4096xf32, #tpu.memory_space<vmem_shared>> -> memref<1x4096xf32, #tpu.memory_space<vmem_shared>>
          %dma_start3A_145 = tpu.memref_squeeze %dma_start3A_144 : memref<1x4096xf32, #tpu.memory_space<vmem_shared>> -> memref<4096xf32, #tpu.memory_space<vmem_shared>>
          tpu.enqueue_dma source(%arg6 : memref<4096xf32, #tpu.memory_space<vmem>>) target(%dma_start3A_145 : memref<4096xf32, #tpu.memory_space<vmem_shared>>) target_semaphore(%run_scoped3A : memref<!tpu.dma_semaphore, #tpu.memory_space<semaphore_mem>>)
          %dma_wait3A_146 = arith.constant 0 : i32
          %dma_wait3A_147 = tpu.memref_slice %arg10[%add3A_136, %dma_wait3A_146] : memref<80x4096xf32, #tpu.memory_space<vmem_shared>> -> memref<1x4096xf32, #tpu.memory_space<vmem_shared>>
          %dma_wait3A_148 = tpu.memref_squeeze %dma_wait3A_147 : memref<1x4096xf32, #tpu.memory_space<vmem_shared>> -> memref<4096xf32, #tpu.memory_space<vmem_shared>>
          %dma_wait3A_149 = arith.constant 0 : i32
          %dma_wait3A_150 = tpu.memref_slice %arg10[%add3A_136, %dma_wait3A_149] : memref<80x4096xf32, #tpu.memory_space<vmem_shared>> -> memref<1x4096xf32, #tpu.memory_space<vmem_shared>>
          %dma_wait3A_151 = tpu.memref_squeeze %dma_wait3A_150 : memref<1x4096xf32, #tpu.memory_space<vmem_shared>> -> memref<4096xf32, #tpu.memory_space<vmem_shared>>
          tpu.wait_dma2 semaphore(%run_scoped3A : memref<!tpu.dma_semaphore, #tpu.memory_space<semaphore_mem>>) src(%arg6 : memref<4096xf32, #tpu.memory_space<vmem>>) dst(%dma_wait3A_151 : memref<4096xf32, #tpu.memory_space<vmem_shared>>)
          tpu.yield
        }) : () -> ()
        %parallel_loop3A_137 = arith.constant 0 : i32
        %parallel_loop3A_138 = arith.constant 4096 : i32
        %parallel_loop3A_139 = arith.constant 16 : i32
        scf.for %parallel_loop3A_140 = %parallel_loop3A_137 to %parallel_loop3A_138 step %parallel_loop3A_139  : i32 {
          %parallel_loop3A_141 = arith.index_cast %parallel_loop3A_140 : i32 to index
          %parallel_loop3A_142 = tpu.vector_load %arg6[%parallel_loop3A_141] {strides = array<i32>} : memref<4096xf32, #tpu.memory_space<vmem>>, vector<16xf32>,
          tpu.vector_store %arg6[%parallel_loop3A_141], %broadcast_in_dim3A_2 {strides = array<i32>} : memref<4096xf32, #tpu.memory_space<vmem>>, vector<16xf32>,
        } {sc.loop_unroll_factor = 8 : i64, sc.parallel_access}
      } else {
      }
      %mul3A_104 = arith.constant 2 : i32
      %mul3A_105 = arith.muli %while3A_75, %mul3A_104 : i32
      %add3A_106 = arith.constant 1 : i32
      %add3A_107 = arith.addi %mul3A_105, %add3A_106 : i32
      %dma_wait3A_108 = arith.constant 0 : i32
      %dma_wait3A_109 = arith.constant 0 : i32
      %dma_wait3A_110 = arith.constant 0 : i32
      %dma_wait3A_111 = tpu.memref_slice %arg2[%dma_wait3A_108, %dma_wait3A_109, %dma_wait3A_110] : memref<76x512x512xi32, #tpu.memory_space<hbm>> -> memref<1x64x512xi32, #tpu.memory_space<hbm>>
      %dma_wait3A_112 = tpu.memref_squeeze %dma_wait3A_111 : memref<1x64x512xi32, #tpu.memory_space<hbm>> -> memref<64x512xi32, #tpu.memory_space<hbm>>
      %dma_wait3A_113 = arith.constant 0 : i32
      %dma_wait3A_114 = arith.constant 0 : i32
      %dma_wait3A_115 = tpu.memref_slice %arg2[%dma_wait3A_108, %dma_wait3A_113, %dma_wait3A_114] : memref<76x512x512xi32, #tpu.memory_space<hbm>> -> memref<1x64x512xi32, #tpu.memory_space<hbm>>
      %dma_wait3A_116 = tpu.memref_squeeze %dma_wait3A_115 : memref<1x64x512xi32, #tpu.memory_space<hbm>> -> memref<64x512xi32, #tpu.memory_space<hbm>>
      tpu.wait_dma2 semaphore(%arg12 : memref<!tpu.dma_semaphore, #tpu.memory_space<semaphore_mem>>) src(%dma_wait3A_116 : memref<64x512xi32, #tpu.memory_space<hbm>>) dst(%arg5 : memref<64x512xi32, #tpu.memory_space<vmem>>)
      %parallel_loop3A_117 = arith.constant 0 : i32
      %parallel_loop3A_118 = arith.constant 64 : i32
      %parallel_loop3A_119 = arith.constant 1 : i32
      scf.for %parallel_loop3A_134 = %parallel_loop3A_117 to %parallel_loop3A_118 step %parallel_loop3A_119  : i32 {
        %parallel_loop3A_135 = arith.index_cast %parallel_loop3A_134 : i32 to index
        %parallel_loop3A_136 = arith.constant 0 : index
        %parallel_loop3A_137 = tpu.vector_load %arg5[%parallel_loop3A_135, %parallel_loop3A_136] {strides = array<i32>} : memref<64x512xi32, #tpu.memory_space<vmem>>, vector<16xi32>,
        tpu.vector_store_idx %arg6[%parallel_loop3A_137], %broadcast_in_dim3A_0 {add = true} : memref<4096xf32, #tpu.memory_space<vmem>>[vector<16xi32>], vector<16xf32>,
        %parallel_loop3A_138 = arith.index_cast %parallel_loop3A_134 : i32 to index
        %parallel_loop3A_139 = arith.constant 16 : index
        %parallel_loop3A_140 = tpu.vector_load %arg5[%parallel_loop3A_138, %parallel_loop3A_139] {strides = array<i32>} : memref<64x512xi32, #tpu.memory_space<vmem>>, vector<16xi32>,
        tpu.vector_store_idx %arg6[%parallel_loop3A_140], %broadcast_in_dim3A_0 {add = true} : memref<4096xf32, #tpu.memory_space<vmem>>[vector<16xi32>], vector<16xf32>,
        %parallel_loop3A_141 = arith.index_cast %parallel_loop3A_134 : i32 to index
        %parallel_loop3A_142 = arith.constant 32 : index
        %parallel_loop3A_143 = tpu.vector_load %arg5[%parallel_loop3A_141, %parallel_loop3A_142] {strides = array<i32>} : memref<64x512xi32, #tpu.memory_space<vmem>>, vector<16xi32>,
        tpu.vector_store_idx %arg6[%parallel_loop3A_143], %broadcast_in_dim3A_0 {add = true} : memref<4096xf32, #tpu.memory_space<vmem>>[vector<16xi32>], vector<16xf32>,
        %parallel_loop3A_144 = arith.index_cast %parallel_loop3A_134 : i32 to index
        %parallel_loop3A_145 = arith.constant 48 : index
        %parallel_loop3A_146 = tpu.vector_load %arg5[%parallel_loop3A_144, %parallel_loop3A_145] {strides = array<i32>} : memref<64x512xi32, #tpu.memory_space<vmem>>, vector<16xi32>,
        tpu.vector_store_idx %arg6[%parallel_loop3A_146], %broadcast_in_dim3A_0 {add = true} : memref<4096xf32, #tpu.memory_space<vmem>>[vector<16xi32>], vector<16xf32>,
        %parallel_loop3A_147 = arith.index_cast %parallel_loop3A_134 : i32 to index
        %parallel_loop3A_148 = arith.constant 64 : index
        %parallel_loop3A_149 = tpu.vector_load %arg5[%parallel_loop3A_147, %parallel_loop3A_148] {strides = array<i32>} : memref<64x512xi32, #tpu.memory_space<vmem>>, vector<16xi32>,
        tpu.vector_store_idx %arg6[%parallel_loop3A_149], %broadcast_in_dim3A_0 {add = true} : memref<4096xf32, #tpu.memory_space<vmem>>[vector<16xi32>], vector<16xf32>,
        %parallel_loop3A_150 = arith.index_cast %parallel_loop3A_134 : i32 to index
        %parallel_loop3A_151 = arith.constant 80 : index
        %parallel_loop3A_152 = tpu.vector_load %arg5[%parallel_loop3A_150, %parallel_loop3A_151] {strides = array<i32>} : memref<64x512xi32, #tpu.memory_space<vmem>>, vector<16xi32>,
        tpu.vector_store_idx %arg6[%parallel_loop3A_152], %broadcast_in_dim3A_0 {add = true} : memref<4096xf32, #tpu.memory_space<vmem>>[vector<16xi32>], vector<16xf32>,
        %parallel_loop3A_153 = arith.index_cast %parallel_loop3A_134 : i32 to index
        %parallel_loop3A_154 = arith.constant 96 : index
        %parallel_loop3A_155 = tpu.vector_load %arg5[%parallel_loop3A_153, %parallel_loop3A_154] {strides = array<i32>} : memref<64x512xi32, #tpu.memory_space<vmem>>, vector<16xi32>,
        tpu.vector_store_idx %arg6[%parallel_loop3A_155], %broadcast_in_dim3A_0 {add = true} : memref<4096xf32, #tpu.memory_space<vmem>>[vector<16xi32>], vector<16xf32>,
        %parallel_loop3A_156 = arith.index_cast %parallel_loop3A_134 : i32 to index
        %parallel_loop3A_157 = arith.constant 112 : index
        %parallel_loop3A_158 = tpu.vector_load %arg5[%parallel_loop3A_156, %parallel_loop3A_157] {strides = array<i32>} : memref<64x512xi32, #tpu.memory_space<vmem>>, vector<16xi32>,
        tpu.vector_store_idx %arg6[%parallel_loop3A_158], %broadcast_in_dim3A_0 {add = true} : memref<4096xf32, #tpu.memory_space<vmem>>[vector<16xi32>], vector<16xf32>,
        %parallel_loop3A_159 = arith.index_cast %parallel_loop3A_134 : i32 to index
        %parallel_loop3A_160 = arith.constant 128 : index
        %parallel_loop3A_161 = tpu.vector_load %arg5[%parallel_loop3A_159, %parallel_loop3A_160] {strides = array<i32>} : memref<64x512xi32, #tpu.memory_space<vmem>>, vector<16xi32>,
        tpu.vector_store_idx %arg6[%parallel_loop3A_161], %broadcast_in_dim3A_0 {add = true} : memref<4096xf32, #tpu.memory_space<vmem>>[vector<16xi32>], vector<16xf32>,
        %parallel_loop3A_162 = arith.index_cast %parallel_loop3A_134 : i32 to index
        %parallel_loop3A_163 = arith.constant 144 : index
        %parallel_loop3A_164 = tpu.vector_load %arg5[%parallel_loop3A_162, %parallel_loop3A_163] {strides = array<i32>} : memref<64x512xi32, #tpu.memory_space<vmem>>, vector<16xi32>,
        tpu.vector_store_idx %arg6[%parallel_loop3A_164], %broadcast_in_dim3A_0 {add = true} : memref<4096xf32, #tpu.memory_space<vmem>>[vector<16xi32>], vector<16xf32>,
        %parallel_loop3A_165 = arith.index_cast %parallel_loop3A_134 : i32 to index
        %parallel_loop3A_166 = arith.constant 160 : index
        %parallel_loop3A_167 = tpu.vector_load %arg5[%parallel_loop3A_165, %parallel_loop3A_166] {strides = array<i32>} : memref<64x512xi32, #tpu.memory_space<vmem>>, vector<16xi32>,
        tpu.vector_store_idx %arg6[%parallel_loop3A_167], %broadcast_in_dim3A_0 {add = true} : memref<4096xf32, #tpu.memory_space<vmem>>[vector<16xi32>], vector<16xf32>,
        %parallel_loop3A_168 = arith.index_cast %parallel_loop3A_134 : i32 to index
        %parallel_loop3A_169 = arith.constant 176 : index
        %parallel_loop3A_170 = tpu.vector_load %arg5[%parallel_loop3A_168, %parallel_loop3A_169] {strides = array<i32>} : memref<64x512xi32, #tpu.memory_space<vmem>>, vector<16xi32>,
        tpu.vector_store_idx %arg6[%parallel_loop3A_170], %broadcast_in_dim3A_0 {add = true} : memref<4096xf32, #tpu.memory_space<vmem>>[vector<16xi32>], vector<16xf32>,
        %parallel_loop3A_171 = arith.index_cast %parallel_loop3A_134 : i32 to index
        %parallel_loop3A_172 = arith.constant 192 : index
        %parallel_loop3A_173 = tpu.vector_load %arg5[%parallel_loop3A_171, %parallel_loop3A_172] {strides = array<i32>} : memref<64x512xi32, #tpu.memory_space<vmem>>, vector<16xi32>,
        tpu.vector_store_idx %arg6[%parallel_loop3A_173], %broadcast_in_dim3A_0 {add = true} : memref<4096xf32, #tpu.memory_space<vmem>>[vector<16xi32>], vector<16xf32>,
        %parallel_loop3A_174 = arith.index_cast %parallel_loop3A_134 : i32 to index
        %parallel_loop3A_175 = arith.constant 208 : index
        %parallel_loop3A_176 = tpu.vector_load %arg5[%parallel_loop3A_174, %parallel_loop3A_175] {strides = array<i32>} : memref<64x512xi32, #tpu.memory_space<vmem>>, vector<16xi32>,
        tpu.vector_store_idx %arg6[%parallel_loop3A_176], %broadcast_in_dim3A_0 {add = true} : memref<4096xf32, #tpu.memory_space<vmem>>[vector<16xi32>], vector<16xf32>,
        %parallel_loop3A_177 = arith.index_cast %parallel_loop3A_134 : i32 to index
        %parallel_loop3A_178 = arith.constant 224 : index
        %parallel_loop3A_179 = tpu.vector_load %arg5[%parallel_loop3A_177, %parallel_loop3A_178] {strides = array<i32>} : memref<64x512xi32, #tpu.memory_space<vmem>>, vector<16xi32>,
        tpu.vector_store_idx %arg6[%parallel_loop3A_179], %broadcast_in_dim3A_0 {add = true} : memref<4096xf32, #tpu.memory_space<vmem>>[vector<16xi32>], vector<16xf32>,
        %parallel_loop3A_180 = arith.index_cast %parallel_loop3A_134 : i32 to index
        %parallel_loop3A_181 = arith.constant 240 : index
        %parallel_loop3A_182 = tpu.vector_load %arg5[%parallel_loop3A_180, %parallel_loop3A_181] {strides = array<i32>} : memref<64x512xi32, #tpu.memory_space<vmem>>, vector<16xi32>,
        tpu.vector_store_idx %arg6[%parallel_loop3A_182], %broadcast_in_dim3A_0 {add = true} : memref<4096xf32, #tpu.memory_space<vmem>>[vector<16xi32>], vector<16xf32>,
        %parallel_loop3A_183 = arith.index_cast %parallel_loop3A_134 : i32 to index
        %parallel_loop3A_184 = arith.constant 256 : index
        %parallel_loop3A_185 = tpu.vector_load %arg5[%parallel_loop3A_183, %parallel_loop3A_184] {strides = array<i32>} : memref<64x512xi32, #tpu.memory_space<vmem>>, vector<16xi32>,
        tpu.vector_store_idx %arg6[%parallel_loop3A_185], %broadcast_in_dim3A_0 {add = true} : memref<4096xf32, #tpu.memory_space<vmem>>[vector<16xi32>], vector<16xf32>,
        %parallel_loop3A_186 = arith.index_cast %parallel_loop3A_134 : i32 to index
        %parallel_loop3A_187 = arith.constant 272 : index
        %parallel_loop3A_188 = tpu.vector_load %arg5[%parallel_loop3A_186, %parallel_loop3A_187] {strides = array<i32>} : memref<64x512xi32, #tpu.memory_space<vmem>>, vector<16xi32>,
        tpu.vector_store_idx %arg6[%parallel_loop3A_188], %broadcast_in_dim3A_0 {add = true} : memref<4096xf32, #tpu.memory_space<vmem>>[vector<16xi32>], vector<16xf32>,
        %parallel_loop3A_189 = arith.index_cast %parallel_loop3A_134 : i32 to index
        %parallel_loop3A_190 = arith.constant 288 : index
        %parallel_loop3A_191 = tpu.vector_load %arg5[%parallel_loop3A_189, %parallel_loop3A_190] {strides = array<i32>} : memref<64x512xi32, #tpu.memory_space<vmem>>, vector<16xi32>,
        tpu.vector_store_idx %arg6[%parallel_loop3A_191], %broadcast_in_dim3A_0 {add = true} : memref<4096xf32, #tpu.memory_space<vmem>>[vector<16xi32>], vector<16xf32>,
        %parallel_loop3A_192 = arith.index_cast %parallel_loop3A_134 : i32 to index
        %parallel_loop3A_193 = arith.constant 304 : index
        %parallel_loop3A_194 = tpu.vector_load %arg5[%parallel_loop3A_192, %parallel_loop3A_193] {strides = array<i32>} : memref<64x512xi32, #tpu.memory_space<vmem>>, vector<16xi32>,
        tpu.vector_store_idx %arg6[%parallel_loop3A_194], %broadcast_in_dim3A_0 {add = true} : memref<4096xf32, #tpu.memory_space<vmem>>[vector<16xi32>], vector<16xf32>,
        %parallel_loop3A_195 = arith.index_cast %parallel_loop3A_134 : i32 to index
        %parallel_loop3A_196 = arith.constant 320 : index
        %parallel_loop3A_197 = tpu.vector_load %arg5[%parallel_loop3A_195, %parallel_loop3A_196] {strides = array<i32>} : memref<64x512xi32, #tpu.memory_space<vmem>>, vector<16xi32>,
        tpu.vector_store_idx %arg6[%parallel_loop3A_197], %broadcast_in_dim3A_0 {add = true} : memref<4096xf32, #tpu.memory_space<vmem>>[vector<16xi32>], vector<16xf32>,
        %parallel_loop3A_198 = arith.index_cast %parallel_loop3A_134 : i32 to index
        %parallel_loop3A_199 = arith.constant 336 : index
        %parallel_loop3A_200 = tpu.vector_load %arg5[%parallel_loop3A_198, %parallel_loop3A_199] {strides = array<i32>} : memref<64x512xi32, #tpu.memory_space<vmem>>, vector<16xi32>,
        tpu.vector_store_idx %arg6[%parallel_loop3A_200], %broadcast_in_dim3A_0 {add = true} : memref<4096xf32, #tpu.memory_space<vmem>>[vector<16xi32>], vector<16xf32>,
        %parallel_loop3A_201 = arith.index_cast %parallel_loop3A_134 : i32 to index
        %parallel_loop3A_202 = arith.constant 352 : index
        %parallel_loop3A_203 = tpu.vector_load %arg5[%parallel_loop3A_201, %parallel_loop3A_202] {strides = array<i32>} : memref<64x512xi32, #tpu.memory_space<vmem>>, vector<16xi32>,
        tpu.vector_store_idx %arg6[%parallel_loop3A_203], %broadcast_in_dim3A_0 {add = true} : memref<4096xf32, #tpu.memory_space<vmem>>[vector<16xi32>], vector<16xf32>,
        %parallel_loop3A_204 = arith.index_cast %parallel_loop3A_134 : i32 to index
        %parallel_loop3A_205 = arith.constant 368 : index
        %parallel_loop3A_206 = tpu.vector_load %arg5[%parallel_loop3A_204, %parallel_loop3A_205] {strides = array<i32>} : memref<64x512xi32, #tpu.memory_space<vmem>>, vector<16xi32>,
        tpu.vector_store_idx %arg6[%parallel_loop3A_206], %broadcast_in_dim3A_0 {add = true} : memref<4096xf32, #tpu.memory_space<vmem>>[vector<16xi32>], vector<16xf32>,
        %parallel_loop3A_207 = arith.index_cast %parallel_loop3A_134 : i32 to index
        %parallel_loop3A_208 = arith.constant 384 : index
        %parallel_loop3A_209 = tpu.vector_load %arg5[%parallel_loop3A_207, %parallel_loop3A_208] {strides = array<i32>} : memref<64x512xi32, #tpu.memory_space<vmem>>, vector<16xi32>,
        tpu.vector_store_idx %arg6[%parallel_loop3A_209], %broadcast_in_dim3A_0 {add = true} : memref<4096xf32, #tpu.memory_space<vmem>>[vector<16xi32>], vector<16xf32>,
        %parallel_loop3A_210 = arith.index_cast %parallel_loop3A_134 : i32 to index
        %parallel_loop3A_211 = arith.constant 400 : index
        %parallel_loop3A_212 = tpu.vector_load %arg5[%parallel_loop3A_210, %parallel_loop3A_211] {strides = array<i32>} : memref<64x512xi32, #tpu.memory_space<vmem>>, vector<16xi32>,
        tpu.vector_store_idx %arg6[%parallel_loop3A_212], %broadcast_in_dim3A_0 {add = true} : memref<4096xf32, #tpu.memory_space<vmem>>[vector<16xi32>], vector<16xf32>,
        %parallel_loop3A_213 = arith.index_cast %parallel_loop3A_134 : i32 to index
        %parallel_loop3A_214 = arith.constant 416 : index
        %parallel_loop3A_215 = tpu.vector_load %arg5[%parallel_loop3A_213, %parallel_loop3A_214] {strides = array<i32>} : memref<64x512xi32, #tpu.memory_space<vmem>>, vector<16xi32>,
        tpu.vector_store_idx %arg6[%parallel_loop3A_215], %broadcast_in_dim3A_0 {add = true} : memref<4096xf32, #tpu.memory_space<vmem>>[vector<16xi32>], vector<16xf32>,
        %parallel_loop3A_216 = arith.index_cast %parallel_loop3A_134 : i32 to index
        %parallel_loop3A_217 = arith.constant 432 : index
        %parallel_loop3A_218 = tpu.vector_load %arg5[%parallel_loop3A_216, %parallel_loop3A_217] {strides = array<i32>} : memref<64x512xi32, #tpu.memory_space<vmem>>, vector<16xi32>,
        tpu.vector_store_idx %arg6[%parallel_loop3A_218], %broadcast_in_dim3A_0 {add = true} : memref<4096xf32, #tpu.memory_space<vmem>>[vector<16xi32>], vector<16xf32>,
        %parallel_loop3A_219 = arith.index_cast %parallel_loop3A_134 : i32 to index
        %parallel_loop3A_220 = arith.constant 448 : index
        %parallel_loop3A_221 = tpu.vector_load %arg5[%parallel_loop3A_219, %parallel_loop3A_220] {strides = array<i32>} : memref<64x512xi32, #tpu.memory_space<vmem>>, vector<16xi32>,
        tpu.vector_store_idx %arg6[%parallel_loop3A_221], %broadcast_in_dim3A_0 {add = true} : memref<4096xf32, #tpu.memory_space<vmem>>[vector<16xi32>], vector<16xf32>,
        %parallel_loop3A_222 = arith.index_cast %parallel_loop3A_134 : i32 to index
        %parallel_loop3A_223 = arith.constant 464 : index
        %parallel_loop3A_224 = tpu.vector_load %arg5[%parallel_loop3A_222, %parallel_loop3A_223] {strides = array<i32>} : memref<64x512xi32, #tpu.memory_space<vmem>>, vector<16xi32>,
        tpu.vector_store_idx %arg6[%parallel_loop3A_224], %broadcast_in_dim3A_0 {add = true} : memref<4096xf32, #tpu.memory_space<vmem>>[vector<16xi32>], vector<16xf32>,
        %parallel_loop3A_225 = arith.index_cast %parallel_loop3A_134 : i32 to index
        %parallel_loop3A_226 = arith.constant 480 : index
        %parallel_loop3A_227 = tpu.vector_load %arg5[%parallel_loop3A_225, %parallel_loop3A_226] {strides = array<i32>} : memref<64x512xi32, #tpu.memory_space<vmem>>, vector<16xi32>,
        tpu.vector_store_idx %arg6[%parallel_loop3A_227], %broadcast_in_dim3A_0 {add = true} : memref<4096xf32, #tpu.memory_space<vmem>>[vector<16xi32>], vector<16xf32>,
        %parallel_loop3A_228 = arith.index_cast %parallel_loop3A_134 : i32 to index
        %parallel_loop3A_229 = arith.constant 496 : index
        %parallel_loop3A_230 = tpu.vector_load %arg5[%parallel_loop3A_228, %parallel_loop3A_229] {strides = array<i32>} : memref<64x512xi32, #tpu.memory_space<vmem>>, vector<16xi32>,
        tpu.vector_store_idx %arg6[%parallel_loop3A_230], %broadcast_in_dim3A_0 {add = true} : memref<4096xf32, #tpu.memory_space<vmem>>[vector<16xi32>], vector<16xf32>,
      } {sc.loop_unroll_factor = 2 : i64, sc.parallel_access}
      %add3A_120 = arith.constant 2 : i32
      %add3A_121 = arith.addi %add3A_107, %add3A_120 : i32
      %lt3A_122 = arith.cmpi slt, %add3A_121, %mul3A_12 : i32
      %convert_element_type3A_123 = arith.extui %lt3A_122 : i1 to i32
      %cond3A_124 = arith.constant 0 : i32
      %cond3A_125 = arith.cmpi ne, %convert_element_type3A_123, %cond3A_124 : i32
      scf.if %cond3A_125 {
        %shift_right_logical3A_134 = arith.constant 2 : i32
        %shift_right_logical3A_135 = arith.shrui %add3A_121, %shift_right_logical3A_134 : i32
        %add3A_136 = arith.addi %sub3A_10, %shift_right_logical3A_135 : i32
        %and3A_137 = arith.constant 1 : i32
        %and3A_138 = arith.andi %add3A_136, %and3A_137 : i32
        %mul3A_139 = arith.constant 256 : i32
        %mul3A_140 = arith.muli %and3A_138, %mul3A_139 : i32
        %and3A_141 = arith.constant 3 : i32
        %and3A_142 = arith.andi %add3A_121, %and3A_141 : i32
        %mul3A_143 = arith.constant 64 : i32
        %mul3A_144 = arith.muli %and3A_142, %mul3A_143 : i32
        %add3A_145 = arith.addi %mul3A_140, %mul3A_144 : i32
        %mul3A_146 = arith.constant 38 : i32
        %mul3A_147 = arith.muli %arg0, %mul3A_146 : i32
        %shift_right_logical3A_148 = arith.constant 1 : i32
        %shift_right_logical3A_149 = arith.shrui %add3A_136, %shift_right_logical3A_148 : i32
        %add3A_150 = arith.addi %mul3A_147, %shift_right_logical3A_149 : i32
        %dma_start3A_151 = arith.constant 0 : i32
        %dma_start3A_152 = tpu.memref_slice %arg2[%add3A_150, %add3A_145, %dma_start3A_151] : memref<76x512x512xi32, #tpu.memory_space<hbm>> -> memref<1x64x512xi32, #tpu.memory_space<hbm>>
        %dma_start3A_153 = tpu.memref_squeeze %dma_start3A_152 : memref<1x64x512xi32, #tpu.memory_space<hbm>> -> memref<64x512xi32, #tpu.memory_space<hbm>>
        %dma_start3A_154 = arith.constant 0 : i32
        %dma_start3A_155 = tpu.memref_slice %arg2[%add3A_150, %add3A_145, %dma_start3A_154] : memref<76x512x512xi32, #tpu.memory_space<hbm>> -> memref<1x64x512xi32, #tpu.memory_space<hbm>>
        %dma_start3A_156 = tpu.memref_squeeze %dma_start3A_155 : memref<1x64x512xi32, #tpu.memory_space<hbm>> -> memref<64x512xi32, #tpu.memory_space<hbm>>
        tpu.enqueue_dma source(%dma_start3A_156 : memref<64x512xi32, #tpu.memory_space<hbm>>) target(%arg5 : memref<64x512xi32, #tpu.memory_space<vmem>>) target_semaphore(%arg12 : memref<!tpu.dma_semaphore, #tpu.memory_space<semaphore_mem>>)
      } else {
      }
      %and3A_126 = arith.constant 3 : i32
      %and3A_127 = arith.andi %add3A_107, %and3A_126 : i32
      %eq3A_128 = arith.constant 3 : i32
      %eq3A_129 = arith.cmpi eq, %and3A_127, %eq3A_128 : i32
      %convert_element_type3A_130 = arith.extui %eq3A_129 : i1 to i32
      %cond3A_131 = arith.constant 0 : i32
      %cond3A_132 = arith.cmpi ne, %convert_element_type3A_130, %cond3A_131 : i32
      scf.if %cond3A_132 {
        %shift_right_logical3A_134 = arith.constant 2 : i32
        %shift_right_logical3A_135 = arith.shrui %add3A_107, %shift_right_logical3A_134 : i32
        %add3A_136 = arith.addi %sub3A_10, %shift_right_logical3A_135 : i32
        "tpu.region"() ({
          %run_scoped3A = tpu.sem_alloc : memref<!tpu.dma_semaphore, #tpu.memory_space<semaphore_mem>>
          %dma_start3A_140 = arith.constant 0 : i32
          %dma_start3A_141 = tpu.memref_slice %arg10[%add3A_136, %dma_start3A_140] : memref<80x4096xf32, #tpu.memory_space<vmem_shared>> -> memref<1x4096xf32, #tpu.memory_space<vmem_shared>>
          %dma_start3A_142 = tpu.memref_squeeze %dma_start3A_141 : memref<1x4096xf32, #tpu.memory_space<vmem_shared>> -> memref<4096xf32, #tpu.memory_space<vmem_shared>>
          %dma_start3A_143 = arith.constant 0 : i32
          %dma_start3A_144 = tpu.memref_slice %arg10[%add3A_136, %dma_start3A_143] : memref<80x4096xf32, #tpu.memory_space<vmem_shared>> -> memref<1x4096xf32, #tpu.memory_space<vmem_shared>>
          %dma_start3A_145 = tpu.memref_squeeze %dma_start3A_144 : memref<1x4096xf32, #tpu.memory_space<vmem_shared>> -> memref<4096xf32, #tpu.memory_space<vmem_shared>>
          tpu.enqueue_dma source(%arg6 : memref<4096xf32, #tpu.memory_space<vmem>>) target(%dma_start3A_145 : memref<4096xf32, #tpu.memory_space<vmem_shared>>) target_semaphore(%run_scoped3A : memref<!tpu.dma_semaphore, #tpu.memory_space<semaphore_mem>>)
          %dma_wait3A_146 = arith.constant 0 : i32
          %dma_wait3A_147 = tpu.memref_slice %arg10[%add3A_136, %dma_wait3A_146] : memref<80x4096xf32, #tpu.memory_space<vmem_shared>> -> memref<1x4096xf32, #tpu.memory_space<vmem_shared>>
          %dma_wait3A_148 = tpu.memref_squeeze %dma_wait3A_147 : memref<1x4096xf32, #tpu.memory_space<vmem_shared>> -> memref<4096xf32, #tpu.memory_space<vmem_shared>>
          %dma_wait3A_149 = arith.constant 0 : i32
          %dma_wait3A_150 = tpu.memref_slice %arg10[%add3A_136, %dma_wait3A_149] : memref<80x4096xf32, #tpu.memory_space<vmem_shared>> -> memref<1x4096xf32, #tpu.memory_space<vmem_shared>>
          %dma_wait3A_151 = tpu.memref_squeeze %dma_wait3A_150 : memref<1x4096xf32, #tpu.memory_space<vmem_shared>> -> memref<4096xf32, #tpu.memory_space<vmem_shared>>
          tpu.wait_dma2 semaphore(%run_scoped3A : memref<!tpu.dma_semaphore, #tpu.memory_space<semaphore_mem>>) src(%arg6 : memref<4096xf32, #tpu.memory_space<vmem>>) dst(%dma_wait3A_151 : memref<4096xf32, #tpu.memory_space<vmem_shared>>)
          tpu.yield
        }) : () -> ()
        %parallel_loop3A_137 = arith.constant 0 : i32
        %parallel_loop3A_138 = arith.constant 4096 : i32
        %parallel_loop3A_139 = arith.constant 16 : i32
        scf.for %parallel_loop3A_140 = %parallel_loop3A_137 to %parallel_loop3A_138 step %parallel_loop3A_139  : i32 {
          %parallel_loop3A_141 = arith.index_cast %parallel_loop3A_140 : i32 to index
          %parallel_loop3A_142 = tpu.vector_load %arg6[%parallel_loop3A_141] {strides = array<i32>} : memref<4096xf32, #tpu.memory_space<vmem>>, vector<16xf32>,
          tpu.vector_store %arg6[%parallel_loop3A_141], %broadcast_in_dim3A_2 {strides = array<i32>} : memref<4096xf32, #tpu.memory_space<vmem>>, vector<16xf32>,
        } {sc.loop_unroll_factor = 8 : i64, sc.parallel_access}
      } else {
      }
      %while3A_133 = arith.constant 0 : i32
      scf.yield %while3A_133 : i32
    }
    %barrier3A = arith.constant 0 : index
    tpu.barrier barrier_id(%barrier3A)
    %add3A_56 = arith.constant 0 : i32
    %add3A_57 = arith.addi %arg1, %add3A_56 : i32
    %lt3A_58 = arith.constant 38 : i32
    %lt3A_59 = arith.cmpi slt, %add3A_57, %lt3A_58 : i32
    %convert_element_type3A = arith.extui %lt3A_59 : i1 to i32
    %cond3A = arith.constant 0 : i32
    %cond3A_60 = arith.cmpi ne, %convert_element_type3A, %cond3A : i32
    scf.if %cond3A_60 {
      %mul3A_75 = arith.constant 2 : i32
      %mul3A_76 = arith.muli %mul3A_75, %add3A_57 : i32
      "tpu.region"() ({
        %run_scoped3A = tpu.sem_alloc : memref<!tpu.dma_semaphore, #tpu.memory_space<semaphore_mem>>
        %dma_start3A_139 = arith.constant 0 : i32
        %dma_start3A_140 = tpu.memref_slice %arg10[%mul3A_76, %dma_start3A_139] : memref<80x4096xf32, #tpu.memory_space<vmem_shared>> -> memref<1x4096xf32, #tpu.memory_space<vmem_shared>>
        %dma_start3A_141 = tpu.memref_squeeze %dma_start3A_140 : memref<1x4096xf32, #tpu.memory_space<vmem_shared>> -> memref<4096xf32, #tpu.memory_space<vmem_shared>>
        %dma_start3A_142 = arith.constant 0 : i32
        %dma_start3A_143 = tpu.memref_slice %arg10[%mul3A_76, %dma_start3A_142] : memref<80x4096xf32, #tpu.memory_space<vmem_shared>> -> memref<1x4096xf32, #tpu.memory_space<vmem_shared>>
        %dma_start3A_144 = tpu.memref_squeeze %dma_start3A_143 : memref<1x4096xf32, #tpu.memory_space<vmem_shared>> -> memref<4096xf32, #tpu.memory_space<vmem_shared>>
        tpu.enqueue_dma source(%dma_start3A_144 : memref<4096xf32, #tpu.memory_space<vmem_shared>>) target(%arg7 : memref<4096xf32, #tpu.memory_space<vmem>>) target_semaphore(%run_scoped3A : memref<!tpu.dma_semaphore, #tpu.memory_space<semaphore_mem>>)
        %dma_wait3A = arith.constant 0 : i32
        %dma_wait3A_145 = tpu.memref_slice %arg10[%mul3A_76, %dma_wait3A] : memref<80x4096xf32, #tpu.memory_space<vmem_shared>> -> memref<1x4096xf32, #tpu.memory_space<vmem_shared>>
        %dma_wait3A_146 = tpu.memref_squeeze %dma_wait3A_145 : memref<1x4096xf32, #tpu.memory_space<vmem_shared>> -> memref<4096xf32, #tpu.memory_space<vmem_shared>>
        %dma_wait3A_147 = arith.constant 0 : i32
        %dma_wait3A_148 = tpu.memref_slice %arg10[%mul3A_76, %dma_wait3A_147] : memref<80x4096xf32, #tpu.memory_space<vmem_shared>> -> memref<1x4096xf32, #tpu.memory_space<vmem_shared>>
        %dma_wait3A_149 = tpu.memref_squeeze %dma_wait3A_148 : memref<1x4096xf32, #tpu.memory_space<vmem_shared>> -> memref<4096xf32, #tpu.memory_space<vmem_shared>>
        tpu.wait_dma2 semaphore(%run_scoped3A : memref<!tpu.dma_semaphore, #tpu.memory_space<semaphore_mem>>) src(%dma_wait3A_149 : memref<4096xf32, #tpu.memory_space<vmem_shared>>) dst(%arg7 : memref<4096xf32, #tpu.memory_space<vmem>>)
        tpu.yield
      }) : () -> ()
      %mul3A_77 = arith.constant 2 : i32
      %mul3A_78 = arith.muli %mul3A_77, %add3A_57 : i32
      %add3A_79 = arith.constant 1 : i32
      %add3A_80 = arith.addi %mul3A_78, %add3A_79 : i32
      "tpu.region"() ({
        %run_scoped3A = tpu.sem_alloc : memref<!tpu.dma_semaphore, #tpu.memory_space<semaphore_mem>>
        %dma_start3A_139 = arith.constant 0 : i32
        %dma_start3A_140 = tpu.memref_slice %arg10[%add3A_80, %dma_start3A_139] : memref<80x4096xf32, #tpu.memory_space<vmem_shared>> -> memref<1x4096xf32, #tpu.memory_space<vmem_shared>>
        %dma_start3A_141 = tpu.memref_squeeze %dma_start3A_140 : memref<1x4096xf32, #tpu.memory_space<vmem_shared>> -> memref<4096xf32, #tpu.memory_space<vmem_shared>>
        %dma_start3A_142 = arith.constant 0 : i32
        %dma_start3A_143 = tpu.memref_slice %arg10[%add3A_80, %dma_start3A_142] : memref<80x4096xf32, #tpu.memory_space<vmem_shared>> -> memref<1x4096xf32, #tpu.memory_space<vmem_shared>>
        %dma_start3A_144 = tpu.memref_squeeze %dma_start3A_143 : memref<1x4096xf32, #tpu.memory_space<vmem_shared>> -> memref<4096xf32, #tpu.memory_space<vmem_shared>>
        tpu.enqueue_dma source(%dma_start3A_144 : memref<4096xf32, #tpu.memory_space<vmem_shared>>) target(%arg8 : memref<4096xf32, #tpu.memory_space<vmem>>) target_semaphore(%run_scoped3A : memref<!tpu.dma_semaphore, #tpu.memory_space<semaphore_mem>>)
        %dma_wait3A = arith.constant 0 : i32
        %dma_wait3A_145 = tpu.memref_slice %arg10[%add3A_80, %dma_wait3A] : memref<80x4096xf32, #tpu.memory_space<vmem_shared>> -> memref<1x4096xf32, #tpu.memory_space<vmem_shared>>
        %dma_wait3A_146 = tpu.memref_squeeze %dma_wait3A_145 : memref<1x4096xf32, #tpu.memory_space<vmem_shared>> -> memref<4096xf32, #tpu.memory_space<vmem_shared>>
        %dma_wait3A_147 = arith.constant 0 : i32
        %dma_wait3A_148 = tpu.memref_slice %arg10[%add3A_80, %dma_wait3A_147] : memref<80x4096xf32, #tpu.memory_space<vmem_shared>> -> memref<1x4096xf32, #tpu.memory_space<vmem_shared>>
        %dma_wait3A_149 = tpu.memref_squeeze %dma_wait3A_148 : memref<1x4096xf32, #tpu.memory_space<vmem_shared>> -> memref<4096xf32, #tpu.memory_space<vmem_shared>>
        tpu.wait_dma2 semaphore(%run_scoped3A : memref<!tpu.dma_semaphore, #tpu.memory_space<semaphore_mem>>) src(%dma_wait3A_149 : memref<4096xf32, #tpu.memory_space<vmem_shared>>) dst(%arg8 : memref<4096xf32, #tpu.memory_space<vmem>>)
        tpu.yield
      }) : () -> ()
      %scan3A = arith.constant 0 : i32
      %scan3A_81 = arith.constant 128 : i32
      %scan3A_82 = arith.addi %scan3A, %scan3A_81 : i32
      %scan3A_83 = arith.constant 1 : i32
      %scan3A_84 = scf.for %scan3A_139 = %scan3A to %scan3A_82 step %scan3A_83 iter_args(%scan3A_140 = %broadcast_in_dim3A_2) -> (vector<16xf32>)  : i32 {
        %mul3A_141 = arith.constant 16 : i32
        %mul3A_142 = arith.muli %scan3A_139, %mul3A_141 : i32
        %add3A_143 = arith.constant 2048 : i32
        %add3A_144 = arith.addi %add3A_143, %mul3A_142 : i32
        %get3A = arith.index_cast %add3A_144 : i32 to index
        %get3A_145 = tpu.vector_load %arg7[%get3A] {strides = array<i32>} : memref<4096xf32, #tpu.memory_space<vmem>>, vector<16xf32>,
        %add3A_146 = arith.addf %scan3A_140, %get3A_145 : vector<16xf32>
        %mul3A_147 = arith.constant 16 : i32
        %mul3A_148 = arith.muli %scan3A_139, %mul3A_147 : i32
        %add3A_149 = arith.constant 2048 : i32
        %add3A_150 = arith.addi %add3A_149, %mul3A_148 : i32
        %get3A_151 = arith.index_cast %add3A_150 : i32 to index
        %get3A_152 = tpu.vector_load %arg8[%get3A_151] {strides = array<i32>} : memref<4096xf32, #tpu.memory_space<vmem>>, vector<16xf32>,
        %add3A_153 = arith.addf %add3A_146, %get3A_152 : vector<16xf32>
        scf.yield %add3A_153 : vector<16xf32>
      }
      %scan3A_85 = arith.constant 128 : i32
      %reduce_sum3A = arith.constant true
      %reduce_sum3A_86 = vector.broadcast %reduce_sum3A : i1 to vector<16xi1>
      %reduce_sum3A_87 = tpu.scan <sum>, %scan3A_84 masked %reduce_sum3A_86 : vector<16xf32>, vector<16xi1> -> vector<16xf32>
      %reduce_sum3A_88 = vector.extract %reduce_sum3A_87[15] : f32 from vector<16xf32>
      %scan3A_89 = arith.constant 0.000000e+00 : f32
      %scan3A_90 = arith.constant 0.000000e+00 : f32
      %scan3A_91 = arith.constant 0 : i32
      %scan3A_92 = arith.constant 128 : i32
      %scan3A_93 = arith.addi %scan3A_91, %scan3A_92 : i32
      %scan3A_94 = arith.constant 1 : i32
      %scan3A_95:3 = scf.for %scan3A_139 = %scan3A_91 to %scan3A_93 step %scan3A_94 iter_args(%scan3A_140 = %scan3A_89, %scan3A_141 = %scan3A_90, %scan3A_142 = %broadcast_in_dim3A_2) -> (f32, f32, vector<16xf32>)  : i32 {
        %mul3A_143 = arith.constant 16 : i32
        %mul3A_144 = arith.muli %scan3A_139, %mul3A_143 : i32
        %get3A = arith.index_cast %mul3A_144 : i32 to index
        %get3A_145 = tpu.vector_load %arg7[%get3A] {strides = array<i32>} : memref<4096xf32, #tpu.memory_space<vmem>>, vector<16xf32>,
        %mul3A_146 = arith.constant 16 : i32
        %mul3A_147 = arith.muli %scan3A_139, %mul3A_146 : i32
        %get3A_148 = arith.index_cast %mul3A_147 : i32 to index
        %get3A_149 = tpu.vector_load %arg8[%get3A_148] {strides = array<i32>} : memref<4096xf32, #tpu.memory_space<vmem>>, vector<16xf32>,
        %add3A_150 = arith.addf %get3A_145, %get3A_149 : vector<16xf32>
        %mul3A_151 = arith.constant 16 : i32
        %mul3A_152 = arith.muli %scan3A_139, %mul3A_151 : i32
        %add3A_153 = arith.constant 2048 : i32
        %add3A_154 = arith.addi %add3A_153, %mul3A_152 : i32
        %get3A_155 = arith.index_cast %add3A_154 : i32 to index
        %get3A_156 = tpu.vector_load %arg7[%get3A_155] {strides = array<i32>} : memref<4096xf32, #tpu.memory_space<vmem>>, vector<16xf32>,
        %mul3A_157 = arith.constant 16 : i32
        %mul3A_158 = arith.muli %scan3A_139, %mul3A_157 : i32
        %add3A_159 = arith.constant 2048 : i32
        %add3A_160 = arith.addi %add3A_159, %mul3A_158 : i32
        %get3A_161 = arith.index_cast %add3A_160 : i32 to index
        %get3A_162 = tpu.vector_load %arg8[%get3A_161] {strides = array<i32>} : memref<4096xf32, #tpu.memory_space<vmem>>, vector<16xf32>,
        %add3A_163 = arith.addf %get3A_156, %get3A_162 : vector<16xf32>
        %add3A_164 = arith.addf %add3A_150, %add3A_163 : vector<16xf32>
        %broadcast_in_dim3A_165 = arith.constant true
        %broadcast_in_dim3A_166 = vector.broadcast %broadcast_in_dim3A_165 : i1 to vector<16xi1>
        %masked_cumsum3A = tpu.scan <sum>, %add3A_164 masked %broadcast_in_dim3A_166 : vector<16xf32>, vector<16xi1> -> vector<16xf32>
        %add3A_167 = vector.broadcast %scan3A_140 : f32 to vector<16xf32>
        %add3A_168 = arith.addf %masked_cumsum3A, %add3A_167 : vector<16xf32>
        %broadcast_in_dim3A_169 = arith.constant true
        %broadcast_in_dim3A_170 = vector.broadcast %broadcast_in_dim3A_169 : i1 to vector<16xi1>
        %masked_cumsum3A_171 = tpu.scan <sum>, %add3A_163 masked %broadcast_in_dim3A_170 : vector<16xf32>, vector<16xi1> -> vector<16xf32>
        %add3A_172 = vector.broadcast %scan3A_141 : f32 to vector<16xf32>
        %add3A_173 = arith.addf %masked_cumsum3A_171, %add3A_172 : vector<16xf32>
        %sub3A_174 = vector.broadcast %reduce_sum3A_88 : f32 to vector<16xf32>
        %sub3A_175 = arith.subf %sub3A_174, %add3A_173 : vector<16xf32>
        %add3A_176 = vector.broadcast %reduce_sum3A_88 : f32 to vector<16xf32>
        %add3A_177 = arith.addf %add3A_176, %add3A_168 : vector<16xf32>
        %sub3A_178 = arith.subf %add3A_177, %add3A_173 : vector<16xf32>
        %max3A_179 = arith.constant 1.000000e+00 : f32
        %max3A_180 = vector.broadcast %max3A_179 : f32 to vector<16xf32>
        %max3A_181 = arith.maximumf %sub3A_178, %max3A_180 : vector<16xf32>
        %div3A = arith.divf %sub3A_175, %max3A_181 : vector<16xf32>
        %sub3A_182 = arith.constant 1.000000e+00 : f32
        %sub3A_183 = vector.broadcast %sub3A_182 : f32 to vector<16xf32>
        %sub3A_184 = arith.subf %sub3A_183, %div3A : vector<16xf32>
        %reduce_sum3A_185 = arith.constant true
        %reduce_sum3A_186 = vector.broadcast %reduce_sum3A_185 : i1 to vector<16xi1>
        %reduce_sum3A_187 = tpu.scan <sum>, %add3A_164 masked %reduce_sum3A_186 : vector<16xf32>, vector<16xi1> -> vector<16xf32>
        %reduce_sum3A_188 = vector.extract %reduce_sum3A_187[15] : f32 from vector<16xf32>
        %add3A_189 = arith.addf %scan3A_140, %reduce_sum3A_188 : f32
        %reduce_sum3A_190 = arith.constant true
        %reduce_sum3A_191 = vector.broadcast %reduce_sum3A_190 : i1 to vector<16xi1>
        %reduce_sum3A_192 = tpu.scan <sum>, %add3A_163 masked %reduce_sum3A_191 : vector<16xf32>, vector<16xi1> -> vector<16xf32>
        %reduce_sum3A_193 = vector.extract %reduce_sum3A_192[15] : f32 from vector<16xf32>
        %add3A_194 = arith.addf %scan3A_141, %reduce_sum3A_193 : f32
        %add3A_195 = arith.addf %scan3A_142, %sub3A_184 : vector<16xf32>
        scf.yield %add3A_189, %add3A_194, %add3A_195 : f32, f32, vector<16xf32>
      }
      %scan3A_96 = arith.constant 128 : i32
      %gt3A = arith.constant 0.000000e+00 : f32
      %gt3A_97 = arith.cmpf ogt, %reduce_sum3A_88, %gt3A : f32
      %convert_element_type3A_98 = arith.extui %gt3A_97 : i1 to i32
      %convert_element_type3A_99 = arith.sitofp %convert_element_type3A_98 : i32 to f32
      %reduce_sum3A_100 = arith.constant true
      %reduce_sum3A_101 = vector.broadcast %reduce_sum3A_100 : i1 to vector<16xi1>
      %reduce_sum3A_102 = tpu.scan <sum>, %scan3A_95#2 masked %reduce_sum3A_101 : vector<16xf32>, vector<16xi1> -> vector<16xf32>
      %reduce_sum3A_103 = vector.extract %reduce_sum3A_102[15] : f32 from vector<16xf32>
      %sub3A_104 = arith.constant 5.000000e-01 : f32
      %sub3A_105 = arith.subf %reduce_sum3A_103, %sub3A_104 : f32
      %mul3A_106 = arith.mulf %convert_element_type3A_99, %sub3A_105 : f32
      %mul3A_107 = arith.constant 4.8828125E-4 : f32
      %mul3A_108 = arith.mulf %mul3A_106, %mul3A_107 : f32
      %iota3A = tpu.iota {dimensions = array<i32: 0>} : vector<16xi32>
      %eq3A = arith.constant 0 : i32
      %eq3A_109 = vector.broadcast %eq3A : i32 to vector<16xi32>
      %eq3A_110 = arith.cmpi eq, %iota3A, %eq3A_109 : vector<16xi32>
      %eq3A_111 = arith.constant 1 : i32
      %eq3A_112 = vector.broadcast %eq3A_111 : i32 to vector<16xi32>
      %eq3A_113 = arith.cmpi eq, %iota3A, %eq3A_112 : vector<16xi32>
      %eq3A_114 = arith.constant 2 : i32
      %eq3A_115 = vector.broadcast %eq3A_114 : i32 to vector<16xi32>
      %eq3A_116 = arith.cmpi eq, %iota3A, %eq3A_115 : vector<16xi32>
      %eq3A_117 = arith.constant 3 : i32
      %eq3A_118 = vector.broadcast %eq3A_117 : i32 to vector<16xi32>
      %eq3A_119 = arith.cmpi eq, %iota3A, %eq3A_118 : vector<16xi32>
      %eq3A_120 = arith.constant 4 : i32
      %eq3A_121 = vector.broadcast %eq3A_120 : i32 to vector<16xi32>
      %eq3A_122 = arith.cmpi eq, %iota3A, %eq3A_121 : vector<16xi32>
      %jit3A_123 = arith.constant 0.000000e+00 : f32
      %broadcast_in_dim3A_124 = vector.broadcast %scan3A_95#1 : f32 to vector<16xf32>
      %broadcast_in_dim3A_125 = vector.broadcast %jit3A_123 : f32 to vector<16xf32>
      %select_n3A_126 = arith.select %eq3A_122, %broadcast_in_dim3A_124, %broadcast_in_dim3A_125 : vector<16xi1>, vector<16xf32>
      %broadcast_in_dim3A_127 = vector.broadcast %scan3A_95#0 : f32 to vector<16xf32>
      %select_n3A_128 = arith.select %eq3A_119, %broadcast_in_dim3A_127, %select_n3A_126 : vector<16xi1>, vector<16xf32>
      %broadcast_in_dim3A_129 = vector.broadcast %reduce_sum3A_88 : f32 to vector<16xf32>
      %select_n3A_130 = arith.select %eq3A_116, %broadcast_in_dim3A_129, %select_n3A_128 : vector<16xi1>, vector<16xf32>
      %broadcast_in_dim3A_131 = vector.broadcast %convert_element_type3A_99 : f32 to vector<16xf32>
      %select_n3A_132 = arith.select %eq3A_113, %broadcast_in_dim3A_131, %select_n3A_130 : vector<16xi1>, vector<16xf32>
      %broadcast_in_dim3A_133 = vector.broadcast %mul3A_108 : f32 to vector<16xf32>
      %select_n3A_134 = arith.select %eq3A_110, %broadcast_in_dim3A_133, %select_n3A_132 : vector<16xi1>, vector<16xf32>
      %swap3A = arith.constant 0 : index
      %swap3A_135 = tpu.vector_load %arg9[%swap3A] {strides = array<i32>} : memref<16xf32, #tpu.memory_space<vmem>>, vector<16xf32>,
      tpu.vector_store %arg9[%swap3A], %select_n3A_134 {strides = array<i32>} : memref<16xf32, #tpu.memory_space<vmem>>, vector<16xf32>,
      %mul3A_136 = arith.constant 38 : i32
      %mul3A_137 = arith.muli %arg0, %mul3A_136 : i32
      %add3A_138 = arith.addi %mul3A_137, %add3A_57 : i32
      "tpu.region"() ({
        %run_scoped3A = tpu.sem_alloc : memref<!tpu.dma_semaphore, #tpu.memory_space<semaphore_mem>>
        %dma_start3A_139 = arith.constant 0 : i32
        %dma_start3A_140 = tpu.memref_slice %arg3[%add3A_138, %dma_start3A_139] : memref<76x16xf32, #tpu.memory_space<hbm>> -> memref<1x16xf32, #tpu.memory_space<hbm>>
        %dma_start3A_141 = tpu.memref_squeeze %dma_start3A_140 : memref<1x16xf32, #tpu.memory_space<hbm>> -> memref<16xf32, #tpu.memory_space<hbm>>
        %dma_start3A_142 = arith.constant 0 : i32
        %dma_start3A_143 = tpu.memref_slice %arg3[%add3A_138, %dma_start3A_142] : memref<76x16xf32, #tpu.memory_space<hbm>> -> memref<1x16xf32, #tpu.memory_space<hbm>>
        %dma_start3A_144 = tpu.memref_squeeze %dma_start3A_143 : memref<1x16xf32, #tpu.memory_space<hbm>> -> memref<16xf32, #tpu.memory_space<hbm>>
        tpu.enqueue_dma source(%arg9 : memref<16xf32, #tpu.memory_space<vmem>>) target(%dma_start3A_144 : memref<16xf32, #tpu.memory_space<hbm>>) target_semaphore(%run_scoped3A : memref<!tpu.dma_semaphore, #tpu.memory_space<semaphore_mem>>)
        %dma_wait3A = arith.constant 0 : i32
        %dma_wait3A_145 = tpu.memref_slice %arg3[%add3A_138, %dma_wait3A] : memref<76x16xf32, #tpu.memory_space<hbm>> -> memref<1x16xf32, #tpu.memory_space<hbm>>
        %dma_wait3A_146 = tpu.memref_squeeze %dma_wait3A_145 : memref<1x16xf32, #tpu.memory_space<hbm>> -> memref<16xf32, #tpu.memory_space<hbm>>
        %dma_wait3A_147 = arith.constant 0 : i32
        %dma_wait3A_148 = tpu.memref_slice %arg3[%add3A_138, %dma_wait3A_147] : memref<76x16xf32, #tpu.memory_space<hbm>> -> memref<1x16xf32, #tpu.memory_space<hbm>>
        %dma_wait3A_149 = tpu.memref_squeeze %dma_wait3A_148 : memref<1x16xf32, #tpu.memory_space<hbm>> -> memref<16xf32, #tpu.memory_space<hbm>>
        tpu.wait_dma2 semaphore(%run_scoped3A : memref<!tpu.dma_semaphore, #tpu.memory_space<semaphore_mem>>) src(%arg9 : memref<16xf32, #tpu.memory_space<vmem>>) dst(%dma_wait3A_149 : memref<16xf32, #tpu.memory_space<hbm>>)
        tpu.yield
      }) : () -> ()
    } else {
    }
    %add3A_61 = arith.constant 16 : i32
    %add3A_62 = arith.addi %arg1, %add3A_61 : i32
    %lt3A_63 = arith.constant 38 : i32
    %lt3A_64 = arith.cmpi slt, %add3A_62, %lt3A_63 : i32
    %convert_element_type3A_65 = arith.extui %lt3A_64 : i1 to i32
    %cond3A_66 = arith.constant 0 : i32
    %cond3A_67 = arith.cmpi ne, %convert_element_type3A_65, %cond3A_66 : i32
    scf.if %cond3A_67 {
      %mul3A_75 = arith.constant 2 : i32
      %mul3A_76 = arith.muli %mul3A_75, %add3A_62 : i32
      "tpu.region"() ({
        %run_scoped3A = tpu.sem_alloc : memref<!tpu.dma_semaphore, #tpu.memory_space<semaphore_mem>>
        %dma_start3A_139 = arith.constant 0 : i32
        %dma_start3A_140 = tpu.memref_slice %arg10[%mul3A_76, %dma_start3A_139] : memref<80x4096xf32, #tpu.memory_space<vmem_shared>> -> memref<1x4096xf32, #tpu.memory_space<vmem_shared>>
        %dma_start3A_141 = tpu.memref_squeeze %dma_start3A_140 : memref<1x4096xf32, #tpu.memory_space<vmem_shared>> -> memref<4096xf32, #tpu.memory_space<vmem_shared>>
        %dma_start3A_142 = arith.constant 0 : i32
        %dma_start3A_143 = tpu.memref_slice %arg10[%mul3A_76, %dma_start3A_142] : memref<80x4096xf32, #tpu.memory_space<vmem_shared>> -> memref<1x4096xf32, #tpu.memory_space<vmem_shared>>
        %dma_start3A_144 = tpu.memref_squeeze %dma_start3A_143 : memref<1x4096xf32, #tpu.memory_space<vmem_shared>> -> memref<4096xf32, #tpu.memory_space<vmem_shared>>
        tpu.enqueue_dma source(%dma_start3A_144 : memref<4096xf32, #tpu.memory_space<vmem_shared>>) target(%arg7 : memref<4096xf32, #tpu.memory_space<vmem>>) target_semaphore(%run_scoped3A : memref<!tpu.dma_semaphore, #tpu.memory_space<semaphore_mem>>)
        %dma_wait3A = arith.constant 0 : i32
        %dma_wait3A_145 = tpu.memref_slice %arg10[%mul3A_76, %dma_wait3A] : memref<80x4096xf32, #tpu.memory_space<vmem_shared>> -> memref<1x4096xf32, #tpu.memory_space<vmem_shared>>
        %dma_wait3A_146 = tpu.memref_squeeze %dma_wait3A_145 : memref<1x4096xf32, #tpu.memory_space<vmem_shared>> -> memref<4096xf32, #tpu.memory_space<vmem_shared>>
        %dma_wait3A_147 = arith.constant 0 : i32
        %dma_wait3A_148 = tpu.memref_slice %arg10[%mul3A_76, %dma_wait3A_147] : memref<80x4096xf32, #tpu.memory_space<vmem_shared>> -> memref<1x4096xf32, #tpu.memory_space<vmem_shared>>
        %dma_wait3A_149 = tpu.memref_squeeze %dma_wait3A_148 : memref<1x4096xf32, #tpu.memory_space<vmem_shared>> -> memref<4096xf32, #tpu.memory_space<vmem_shared>>
        tpu.wait_dma2 semaphore(%run_scoped3A : memref<!tpu.dma_semaphore, #tpu.memory_space<semaphore_mem>>) src(%dma_wait3A_149 : memref<4096xf32, #tpu.memory_space<vmem_shared>>) dst(%arg7 : memref<4096xf32, #tpu.memory_space<vmem>>)
        tpu.yield
      }) : () -> ()
      %mul3A_77 = arith.constant 2 : i32
      %mul3A_78 = arith.muli %mul3A_77, %add3A_62 : i32
      %add3A_79 = arith.constant 1 : i32
      %add3A_80 = arith.addi %mul3A_78, %add3A_79 : i32
      "tpu.region"() ({
        %run_scoped3A = tpu.sem_alloc : memref<!tpu.dma_semaphore, #tpu.memory_space<semaphore_mem>>
        %dma_start3A_139 = arith.constant 0 : i32
        %dma_start3A_140 = tpu.memref_slice %arg10[%add3A_80, %dma_start3A_139] : memref<80x4096xf32, #tpu.memory_space<vmem_shared>> -> memref<1x4096xf32, #tpu.memory_space<vmem_shared>>
        %dma_start3A_141 = tpu.memref_squeeze %dma_start3A_140 : memref<1x4096xf32, #tpu.memory_space<vmem_shared>> -> memref<4096xf32, #tpu.memory_space<vmem_shared>>
        %dma_start3A_142 = arith.constant 0 : i32
        %dma_start3A_143 = tpu.memref_slice %arg10[%add3A_80, %dma_start3A_142] : memref<80x4096xf32, #tpu.memory_space<vmem_shared>> -> memref<1x4096xf32, #tpu.memory_space<vmem_shared>>
        %dma_start3A_144 = tpu.memref_squeeze %dma_start3A_143 : memref<1x4096xf32, #tpu.memory_space<vmem_shared>> -> memref<4096xf32, #tpu.memory_space<vmem_shared>>
        tpu.enqueue_dma source(%dma_start3A_144 : memref<4096xf32, #tpu.memory_space<vmem_shared>>) target(%arg8 : memref<4096xf32, #tpu.memory_space<vmem>>) target_semaphore(%run_scoped3A : memref<!tpu.dma_semaphore, #tpu.memory_space<semaphore_mem>>)
        %dma_wait3A = arith.constant 0 : i32
        %dma_wait3A_145 = tpu.memref_slice %arg10[%add3A_80, %dma_wait3A] : memref<80x4096xf32, #tpu.memory_space<vmem_shared>> -> memref<1x4096xf32, #tpu.memory_space<vmem_shared>>
        %dma_wait3A_146 = tpu.memref_squeeze %dma_wait3A_145 : memref<1x4096xf32, #tpu.memory_space<vmem_shared>> -> memref<4096xf32, #tpu.memory_space<vmem_shared>>
        %dma_wait3A_147 = arith.constant 0 : i32
        %dma_wait3A_148 = tpu.memref_slice %arg10[%add3A_80, %dma_wait3A_147] : memref<80x4096xf32, #tpu.memory_space<vmem_shared>> -> memref<1x4096xf32, #tpu.memory_space<vmem_shared>>
        %dma_wait3A_149 = tpu.memref_squeeze %dma_wait3A_148 : memref<1x4096xf32, #tpu.memory_space<vmem_shared>> -> memref<4096xf32, #tpu.memory_space<vmem_shared>>
        tpu.wait_dma2 semaphore(%run_scoped3A : memref<!tpu.dma_semaphore, #tpu.memory_space<semaphore_mem>>) src(%dma_wait3A_149 : memref<4096xf32, #tpu.memory_space<vmem_shared>>) dst(%arg8 : memref<4096xf32, #tpu.memory_space<vmem>>)
        tpu.yield
      }) : () -> ()
      %scan3A = arith.constant 0 : i32
      %scan3A_81 = arith.constant 128 : i32
      %scan3A_82 = arith.addi %scan3A, %scan3A_81 : i32
      %scan3A_83 = arith.constant 1 : i32
      %scan3A_84 = scf.for %scan3A_139 = %scan3A to %scan3A_82 step %scan3A_83 iter_args(%scan3A_140 = %broadcast_in_dim3A_2) -> (vector<16xf32>)  : i32 {
        %mul3A_141 = arith.constant 16 : i32
        %mul3A_142 = arith.muli %scan3A_139, %mul3A_141 : i32
        %add3A_143 = arith.constant 2048 : i32
        %add3A_144 = arith.addi %add3A_143, %mul3A_142 : i32
        %get3A = arith.index_cast %add3A_144 : i32 to index
        %get3A_145 = tpu.vector_load %arg7[%get3A] {strides = array<i32>} : memref<4096xf32, #tpu.memory_space<vmem>>, vector<16xf32>,
        %add3A_146 = arith.addf %scan3A_140, %get3A_145 : vector<16xf32>
        %mul3A_147 = arith.constant 16 : i32
        %mul3A_148 = arith.muli %scan3A_139, %mul3A_147 : i32
        %add3A_149 = arith.constant 2048 : i32
        %add3A_150 = arith.addi %add3A_149, %mul3A_148 : i32
        %get3A_151 = arith.index_cast %add3A_150 : i32 to index
        %get3A_152 = tpu.vector_load %arg8[%get3A_151] {strides = array<i32>} : memref<4096xf32, #tpu.memory_space<vmem>>, vector<16xf32>,
        %add3A_153 = arith.addf %add3A_146, %get3A_152 : vector<16xf32>
        scf.yield %add3A_153 : vector<16xf32>
      }
      %scan3A_85 = arith.constant 128 : i32
      %reduce_sum3A = arith.constant true
      %reduce_sum3A_86 = vector.broadcast %reduce_sum3A : i1 to vector<16xi1>
      %reduce_sum3A_87 = tpu.scan <sum>, %scan3A_84 masked %reduce_sum3A_86 : vector<16xf32>, vector<16xi1> -> vector<16xf32>
      %reduce_sum3A_88 = vector.extract %reduce_sum3A_87[15] : f32 from vector<16xf32>
      %scan3A_89 = arith.constant 0.000000e+00 : f32
      %scan3A_90 = arith.constant 0.000000e+00 : f32
      %scan3A_91 = arith.constant 0 : i32
      %scan3A_92 = arith.constant 128 : i32
      %scan3A_93 = arith.addi %scan3A_91, %scan3A_92 : i32
      %scan3A_94 = arith.constant 1 : i32
      %scan3A_95:3 = scf.for %scan3A_139 = %scan3A_91 to %scan3A_93 step %scan3A_94 iter_args(%scan3A_140 = %scan3A_89, %scan3A_141 = %scan3A_90, %scan3A_142 = %broadcast_in_dim3A_2) -> (f32, f32, vector<16xf32>)  : i32 {
        %mul3A_143 = arith.constant 16 : i32
        %mul3A_144 = arith.muli %scan3A_139, %mul3A_143 : i32
        %get3A = arith.index_cast %mul3A_144 : i32 to index
        %get3A_145 = tpu.vector_load %arg7[%get3A] {strides = array<i32>} : memref<4096xf32, #tpu.memory_space<vmem>>, vector<16xf32>,
        %mul3A_146 = arith.constant 16 : i32
        %mul3A_147 = arith.muli %scan3A_139, %mul3A_146 : i32
        %get3A_148 = arith.index_cast %mul3A_147 : i32 to index
        %get3A_149 = tpu.vector_load %arg8[%get3A_148] {strides = array<i32>} : memref<4096xf32, #tpu.memory_space<vmem>>, vector<16xf32>,
        %add3A_150 = arith.addf %get3A_145, %get3A_149 : vector<16xf32>
        %mul3A_151 = arith.constant 16 : i32
        %mul3A_152 = arith.muli %scan3A_139, %mul3A_151 : i32
        %add3A_153 = arith.constant 2048 : i32
        %add3A_154 = arith.addi %add3A_153, %mul3A_152 : i32
        %get3A_155 = arith.index_cast %add3A_154 : i32 to index
        %get3A_156 = tpu.vector_load %arg7[%get3A_155] {strides = array<i32>} : memref<4096xf32, #tpu.memory_space<vmem>>, vector<16xf32>,
        %mul3A_157 = arith.constant 16 : i32
        %mul3A_158 = arith.muli %scan3A_139, %mul3A_157 : i32
        %add3A_159 = arith.constant 2048 : i32
        %add3A_160 = arith.addi %add3A_159, %mul3A_158 : i32
        %get3A_161 = arith.index_cast %add3A_160 : i32 to index
        %get3A_162 = tpu.vector_load %arg8[%get3A_161] {strides = array<i32>} : memref<4096xf32, #tpu.memory_space<vmem>>, vector<16xf32>,
        %add3A_163 = arith.addf %get3A_156, %get3A_162 : vector<16xf32>
        %add3A_164 = arith.addf %add3A_150, %add3A_163 : vector<16xf32>
        %broadcast_in_dim3A_165 = arith.constant true
        %broadcast_in_dim3A_166 = vector.broadcast %broadcast_in_dim3A_165 : i1 to vector<16xi1>
        %masked_cumsum3A = tpu.scan <sum>, %add3A_164 masked %broadcast_in_dim3A_166 : vector<16xf32>, vector<16xi1> -> vector<16xf32>
        %add3A_167 = vector.broadcast %scan3A_140 : f32 to vector<16xf32>
        %add3A_168 = arith.addf %masked_cumsum3A, %add3A_167 : vector<16xf32>
        %broadcast_in_dim3A_169 = arith.constant true
        %broadcast_in_dim3A_170 = vector.broadcast %broadcast_in_dim3A_169 : i1 to vector<16xi1>
        %masked_cumsum3A_171 = tpu.scan <sum>, %add3A_163 masked %broadcast_in_dim3A_170 : vector<16xf32>, vector<16xi1> -> vector<16xf32>
        %add3A_172 = vector.broadcast %scan3A_141 : f32 to vector<16xf32>
        %add3A_173 = arith.addf %masked_cumsum3A_171, %add3A_172 : vector<16xf32>
        %sub3A_174 = vector.broadcast %reduce_sum3A_88 : f32 to vector<16xf32>
        %sub3A_175 = arith.subf %sub3A_174, %add3A_173 : vector<16xf32>
        %add3A_176 = vector.broadcast %reduce_sum3A_88 : f32 to vector<16xf32>
        %add3A_177 = arith.addf %add3A_176, %add3A_168 : vector<16xf32>
        %sub3A_178 = arith.subf %add3A_177, %add3A_173 : vector<16xf32>
        %max3A_179 = arith.constant 1.000000e+00 : f32
        %max3A_180 = vector.broadcast %max3A_179 : f32 to vector<16xf32>
        %max3A_181 = arith.maximumf %sub3A_178, %max3A_180 : vector<16xf32>
        %div3A = arith.divf %sub3A_175, %max3A_181 : vector<16xf32>
        %sub3A_182 = arith.constant 1.000000e+00 : f32
        %sub3A_183 = vector.broadcast %sub3A_182 : f32 to vector<16xf32>
        %sub3A_184 = arith.subf %sub3A_183, %div3A : vector<16xf32>
        %reduce_sum3A_185 = arith.constant true
        %reduce_sum3A_186 = vector.broadcast %reduce_sum3A_185 : i1 to vector<16xi1>
        %reduce_sum3A_187 = tpu.scan <sum>, %add3A_164 masked %reduce_sum3A_186 : vector<16xf32>, vector<16xi1> -> vector<16xf32>
        %reduce_sum3A_188 = vector.extract %reduce_sum3A_187[15] : f32 from vector<16xf32>
        %add3A_189 = arith.addf %scan3A_140, %reduce_sum3A_188 : f32
        %reduce_sum3A_190 = arith.constant true
        %reduce_sum3A_191 = vector.broadcast %reduce_sum3A_190 : i1 to vector<16xi1>
        %reduce_sum3A_192 = tpu.scan <sum>, %add3A_163 masked %reduce_sum3A_191 : vector<16xf32>, vector<16xi1> -> vector<16xf32>
        %reduce_sum3A_193 = vector.extract %reduce_sum3A_192[15] : f32 from vector<16xf32>
        %add3A_194 = arith.addf %scan3A_141, %reduce_sum3A_193 : f32
        %add3A_195 = arith.addf %scan3A_142, %sub3A_184 : vector<16xf32>
        scf.yield %add3A_189, %add3A_194, %add3A_195 : f32, f32, vector<16xf32>
      }
      %scan3A_96 = arith.constant 128 : i32
      %gt3A = arith.constant 0.000000e+00 : f32
      %gt3A_97 = arith.cmpf ogt, %reduce_sum3A_88, %gt3A : f32
      %convert_element_type3A_98 = arith.extui %gt3A_97 : i1 to i32
      %convert_element_type3A_99 = arith.sitofp %convert_element_type3A_98 : i32 to f32
      %reduce_sum3A_100 = arith.constant true
      %reduce_sum3A_101 = vector.broadcast %reduce_sum3A_100 : i1 to vector<16xi1>
      %reduce_sum3A_102 = tpu.scan <sum>, %scan3A_95#2 masked %reduce_sum3A_101 : vector<16xf32>, vector<16xi1> -> vector<16xf32>
      %reduce_sum3A_103 = vector.extract %reduce_sum3A_102[15] : f32 from vector<16xf32>
      %sub3A_104 = arith.constant 5.000000e-01 : f32
      %sub3A_105 = arith.subf %reduce_sum3A_103, %sub3A_104 : f32
      %mul3A_106 = arith.mulf %convert_element_type3A_99, %sub3A_105 : f32
      %mul3A_107 = arith.constant 4.8828125E-4 : f32
      %mul3A_108 = arith.mulf %mul3A_106, %mul3A_107 : f32
      %iota3A = tpu.iota {dimensions = array<i32: 0>} : vector<16xi32>
      %eq3A = arith.constant 0 : i32
      %eq3A_109 = vector.broadcast %eq3A : i32 to vector<16xi32>
      %eq3A_110 = arith.cmpi eq, %iota3A, %eq3A_109 : vector<16xi32>
      %eq3A_111 = arith.constant 1 : i32
      %eq3A_112 = vector.broadcast %eq3A_111 : i32 to vector<16xi32>
      %eq3A_113 = arith.cmpi eq, %iota3A, %eq3A_112 : vector<16xi32>
      %eq3A_114 = arith.constant 2 : i32
      %eq3A_115 = vector.broadcast %eq3A_114 : i32 to vector<16xi32>
      %eq3A_116 = arith.cmpi eq, %iota3A, %eq3A_115 : vector<16xi32>
      %eq3A_117 = arith.constant 3 : i32
      %eq3A_118 = vector.broadcast %eq3A_117 : i32 to vector<16xi32>
      %eq3A_119 = arith.cmpi eq, %iota3A, %eq3A_118 : vector<16xi32>
      %eq3A_120 = arith.constant 4 : i32
      %eq3A_121 = vector.broadcast %eq3A_120 : i32 to vector<16xi32>
      %eq3A_122 = arith.cmpi eq, %iota3A, %eq3A_121 : vector<16xi32>
      %jit3A_123 = arith.constant 0.000000e+00 : f32
      %broadcast_in_dim3A_124 = vector.broadcast %scan3A_95#1 : f32 to vector<16xf32>
      %broadcast_in_dim3A_125 = vector.broadcast %jit3A_123 : f32 to vector<16xf32>
      %select_n3A_126 = arith.select %eq3A_122, %broadcast_in_dim3A_124, %broadcast_in_dim3A_125 : vector<16xi1>, vector<16xf32>
      %broadcast_in_dim3A_127 = vector.broadcast %scan3A_95#0 : f32 to vector<16xf32>
      %select_n3A_128 = arith.select %eq3A_119, %broadcast_in_dim3A_127, %select_n3A_126 : vector<16xi1>, vector<16xf32>
      %broadcast_in_dim3A_129 = vector.broadcast %reduce_sum3A_88 : f32 to vector<16xf32>
      %select_n3A_130 = arith.select %eq3A_116, %broadcast_in_dim3A_129, %select_n3A_128 : vector<16xi1>, vector<16xf32>
      %broadcast_in_dim3A_131 = vector.broadcast %convert_element_type3A_99 : f32 to vector<16xf32>
      %select_n3A_132 = arith.select %eq3A_113, %broadcast_in_dim3A_131, %select_n3A_130 : vector<16xi1>, vector<16xf32>
      %broadcast_in_dim3A_133 = vector.broadcast %mul3A_108 : f32 to vector<16xf32>
      %select_n3A_134 = arith.select %eq3A_110, %broadcast_in_dim3A_133, %select_n3A_132 : vector<16xi1>, vector<16xf32>
      %swap3A = arith.constant 0 : index
      %swap3A_135 = tpu.vector_load %arg9[%swap3A] {strides = array<i32>} : memref<16xf32, #tpu.memory_space<vmem>>, vector<16xf32>,
      tpu.vector_store %arg9[%swap3A], %select_n3A_134 {strides = array<i32>} : memref<16xf32, #tpu.memory_space<vmem>>, vector<16xf32>,
      %mul3A_136 = arith.constant 38 : i32
      %mul3A_137 = arith.muli %arg0, %mul3A_136 : i32
      %add3A_138 = arith.addi %mul3A_137, %add3A_62 : i32
      "tpu.region"() ({
        %run_scoped3A = tpu.sem_alloc : memref<!tpu.dma_semaphore, #tpu.memory_space<semaphore_mem>>
        %dma_start3A_139 = arith.constant 0 : i32
        %dma_start3A_140 = tpu.memref_slice %arg3[%add3A_138, %dma_start3A_139] : memref<76x16xf32, #tpu.memory_space<hbm>> -> memref<1x16xf32, #tpu.memory_space<hbm>>
        %dma_start3A_141 = tpu.memref_squeeze %dma_start3A_140 : memref<1x16xf32, #tpu.memory_space<hbm>> -> memref<16xf32, #tpu.memory_space<hbm>>
        %dma_start3A_142 = arith.constant 0 : i32
        %dma_start3A_143 = tpu.memref_slice %arg3[%add3A_138, %dma_start3A_142] : memref<76x16xf32, #tpu.memory_space<hbm>> -> memref<1x16xf32, #tpu.memory_space<hbm>>
        %dma_start3A_144 = tpu.memref_squeeze %dma_start3A_143 : memref<1x16xf32, #tpu.memory_space<hbm>> -> memref<16xf32, #tpu.memory_space<hbm>>
        tpu.enqueue_dma source(%arg9 : memref<16xf32, #tpu.memory_space<vmem>>) target(%dma_start3A_144 : memref<16xf32, #tpu.memory_space<hbm>>) target_semaphore(%run_scoped3A : memref<!tpu.dma_semaphore, #tpu.memory_space<semaphore_mem>>)
        %dma_wait3A = arith.constant 0 : i32
        %dma_wait3A_145 = tpu.memref_slice %arg3[%add3A_138, %dma_wait3A] : memref<76x16xf32, #tpu.memory_space<hbm>> -> memref<1x16xf32, #tpu.memory_space<hbm>>
        %dma_wait3A_146 = tpu.memref_squeeze %dma_wait3A_145 : memref<1x16xf32, #tpu.memory_space<hbm>> -> memref<16xf32, #tpu.memory_space<hbm>>
        %dma_wait3A_147 = arith.constant 0 : i32
        %dma_wait3A_148 = tpu.memref_slice %arg3[%add3A_138, %dma_wait3A_147] : memref<76x16xf32, #tpu.memory_space<hbm>> -> memref<1x16xf32, #tpu.memory_space<hbm>>
        %dma_wait3A_149 = tpu.memref_squeeze %dma_wait3A_148 : memref<1x16xf32, #tpu.memory_space<hbm>> -> memref<16xf32, #tpu.memory_space<hbm>>
        tpu.wait_dma2 semaphore(%run_scoped3A : memref<!tpu.dma_semaphore, #tpu.memory_space<semaphore_mem>>) src(%arg9 : memref<16xf32, #tpu.memory_space<vmem>>) dst(%dma_wait3A_149 : memref<16xf32, #tpu.memory_space<hbm>>)
        tpu.yield
      }) : () -> ()
    } else {
    }
    %add3A_68 = arith.constant 32 : i32
    %add3A_69 = arith.addi %arg1, %add3A_68 : i32
    %lt3A_70 = arith.constant 38 : i32
    %lt3A_71 = arith.cmpi slt, %add3A_69, %lt3A_70 : i32
    %convert_element_type3A_72 = arith.extui %lt3A_71 : i1 to i32
    %cond3A_73 = arith.constant 0 : i32
    %cond3A_74 = arith.cmpi ne, %convert_element_type3A_72, %cond3A_73 : i32
    scf.if %cond3A_74 {
      %mul3A_75 = arith.constant 2 : i32
      %mul3A_76 = arith.muli %mul3A_75, %add3A_69 : i32
      "tpu.region"() ({
        %run_scoped3A = tpu.sem_alloc : memref<!tpu.dma_semaphore, #tpu.memory_space<semaphore_mem>>
        %dma_start3A_139 = arith.constant 0 : i32
        %dma_start3A_140 = tpu.memref_slice %arg10[%mul3A_76, %dma_start3A_139] : memref<80x4096xf32, #tpu.memory_space<vmem_shared>> -> memref<1x4096xf32, #tpu.memory_space<vmem_shared>>
        %dma_start3A_141 = tpu.memref_squeeze %dma_start3A_140 : memref<1x4096xf32, #tpu.memory_space<vmem_shared>> -> memref<4096xf32, #tpu.memory_space<vmem_shared>>
        %dma_start3A_142 = arith.constant 0 : i32
        %dma_start3A_143 = tpu.memref_slice %arg10[%mul3A_76, %dma_start3A_142] : memref<80x4096xf32, #tpu.memory_space<vmem_shared>> -> memref<1x4096xf32, #tpu.memory_space<vmem_shared>>
        %dma_start3A_144 = tpu.memref_squeeze %dma_start3A_143 : memref<1x4096xf32, #tpu.memory_space<vmem_shared>> -> memref<4096xf32, #tpu.memory_space<vmem_shared>>
        tpu.enqueue_dma source(%dma_start3A_144 : memref<4096xf32, #tpu.memory_space<vmem_shared>>) target(%arg7 : memref<4096xf32, #tpu.memory_space<vmem>>) target_semaphore(%run_scoped3A : memref<!tpu.dma_semaphore, #tpu.memory_space<semaphore_mem>>)
        %dma_wait3A = arith.constant 0 : i32
        %dma_wait3A_145 = tpu.memref_slice %arg10[%mul3A_76, %dma_wait3A] : memref<80x4096xf32, #tpu.memory_space<vmem_shared>> -> memref<1x4096xf32, #tpu.memory_space<vmem_shared>>
        %dma_wait3A_146 = tpu.memref_squeeze %dma_wait3A_145 : memref<1x4096xf32, #tpu.memory_space<vmem_shared>> -> memref<4096xf32, #tpu.memory_space<vmem_shared>>
        %dma_wait3A_147 = arith.constant 0 : i32
        %dma_wait3A_148 = tpu.memref_slice %arg10[%mul3A_76, %dma_wait3A_147] : memref<80x4096xf32, #tpu.memory_space<vmem_shared>> -> memref<1x4096xf32, #tpu.memory_space<vmem_shared>>
        %dma_wait3A_149 = tpu.memref_squeeze %dma_wait3A_148 : memref<1x4096xf32, #tpu.memory_space<vmem_shared>> -> memref<4096xf32, #tpu.memory_space<vmem_shared>>
        tpu.wait_dma2 semaphore(%run_scoped3A : memref<!tpu.dma_semaphore, #tpu.memory_space<semaphore_mem>>) src(%dma_wait3A_149 : memref<4096xf32, #tpu.memory_space<vmem_shared>>) dst(%arg7 : memref<4096xf32, #tpu.memory_space<vmem>>)
        tpu.yield
      }) : () -> ()
      %mul3A_77 = arith.constant 2 : i32
      %mul3A_78 = arith.muli %mul3A_77, %add3A_69 : i32
      %add3A_79 = arith.constant 1 : i32
      %add3A_80 = arith.addi %mul3A_78, %add3A_79 : i32
      "tpu.region"() ({
        %run_scoped3A = tpu.sem_alloc : memref<!tpu.dma_semaphore, #tpu.memory_space<semaphore_mem>>
        %dma_start3A_139 = arith.constant 0 : i32
        %dma_start3A_140 = tpu.memref_slice %arg10[%add3A_80, %dma_start3A_139] : memref<80x4096xf32, #tpu.memory_space<vmem_shared>> -> memref<1x4096xf32, #tpu.memory_space<vmem_shared>>
        %dma_start3A_141 = tpu.memref_squeeze %dma_start3A_140 : memref<1x4096xf32, #tpu.memory_space<vmem_shared>> -> memref<4096xf32, #tpu.memory_space<vmem_shared>>
        %dma_start3A_142 = arith.constant 0 : i32
        %dma_start3A_143 = tpu.memref_slice %arg10[%add3A_80, %dma_start3A_142] : memref<80x4096xf32, #tpu.memory_space<vmem_shared>> -> memref<1x4096xf32, #tpu.memory_space<vmem_shared>>
        %dma_start3A_144 = tpu.memref_squeeze %dma_start3A_143 : memref<1x4096xf32, #tpu.memory_space<vmem_shared>> -> memref<4096xf32, #tpu.memory_space<vmem_shared>>
        tpu.enqueue_dma source(%dma_start3A_144 : memref<4096xf32, #tpu.memory_space<vmem_shared>>) target(%arg8 : memref<4096xf32, #tpu.memory_space<vmem>>) target_semaphore(%run_scoped3A : memref<!tpu.dma_semaphore, #tpu.memory_space<semaphore_mem>>)
        %dma_wait3A = arith.constant 0 : i32
        %dma_wait3A_145 = tpu.memref_slice %arg10[%add3A_80, %dma_wait3A] : memref<80x4096xf32, #tpu.memory_space<vmem_shared>> -> memref<1x4096xf32, #tpu.memory_space<vmem_shared>>
        %dma_wait3A_146 = tpu.memref_squeeze %dma_wait3A_145 : memref<1x4096xf32, #tpu.memory_space<vmem_shared>> -> memref<4096xf32, #tpu.memory_space<vmem_shared>>
        %dma_wait3A_147 = arith.constant 0 : i32
        %dma_wait3A_148 = tpu.memref_slice %arg10[%add3A_80, %dma_wait3A_147] : memref<80x4096xf32, #tpu.memory_space<vmem_shared>> -> memref<1x4096xf32, #tpu.memory_space<vmem_shared>>
        %dma_wait3A_149 = tpu.memref_squeeze %dma_wait3A_148 : memref<1x4096xf32, #tpu.memory_space<vmem_shared>> -> memref<4096xf32, #tpu.memory_space<vmem_shared>>
        tpu.wait_dma2 semaphore(%run_scoped3A : memref<!tpu.dma_semaphore, #tpu.memory_space<semaphore_mem>>) src(%dma_wait3A_149 : memref<4096xf32, #tpu.memory_space<vmem_shared>>) dst(%arg8 : memref<4096xf32, #tpu.memory_space<vmem>>)
        tpu.yield
      }) : () -> ()
      %scan3A = arith.constant 0 : i32
      %scan3A_81 = arith.constant 128 : i32
      %scan3A_82 = arith.addi %scan3A, %scan3A_81 : i32
      %scan3A_83 = arith.constant 1 : i32
      %scan3A_84 = scf.for %scan3A_139 = %scan3A to %scan3A_82 step %scan3A_83 iter_args(%scan3A_140 = %broadcast_in_dim3A_2) -> (vector<16xf32>)  : i32 {
        %mul3A_141 = arith.constant 16 : i32
        %mul3A_142 = arith.muli %scan3A_139, %mul3A_141 : i32
        %add3A_143 = arith.constant 2048 : i32
        %add3A_144 = arith.addi %add3A_143, %mul3A_142 : i32
        %get3A = arith.index_cast %add3A_144 : i32 to index
        %get3A_145 = tpu.vector_load %arg7[%get3A] {strides = array<i32>} : memref<4096xf32, #tpu.memory_space<vmem>>, vector<16xf32>,
        %add3A_146 = arith.addf %scan3A_140, %get3A_145 : vector<16xf32>
        %mul3A_147 = arith.constant 16 : i32
        %mul3A_148 = arith.muli %scan3A_139, %mul3A_147 : i32
        %add3A_149 = arith.constant 2048 : i32
        %add3A_150 = arith.addi %add3A_149, %mul3A_148 : i32
        %get3A_151 = arith.index_cast %add3A_150 : i32 to index
        %get3A_152 = tpu.vector_load %arg8[%get3A_151] {strides = array<i32>} : memref<4096xf32, #tpu.memory_space<vmem>>, vector<16xf32>,
        %add3A_153 = arith.addf %add3A_146, %get3A_152 : vector<16xf32>
        scf.yield %add3A_153 : vector<16xf32>
      }
      %scan3A_85 = arith.constant 128 : i32
      %reduce_sum3A = arith.constant true
      %reduce_sum3A_86 = vector.broadcast %reduce_sum3A : i1 to vector<16xi1>
      %reduce_sum3A_87 = tpu.scan <sum>, %scan3A_84 masked %reduce_sum3A_86 : vector<16xf32>, vector<16xi1> -> vector<16xf32>
      %reduce_sum3A_88 = vector.extract %reduce_sum3A_87[15] : f32 from vector<16xf32>
      %scan3A_89 = arith.constant 0.000000e+00 : f32
      %scan3A_90 = arith.constant 0.000000e+00 : f32
      %scan3A_91 = arith.constant 0 : i32
      %scan3A_92 = arith.constant 128 : i32
      %scan3A_93 = arith.addi %scan3A_91, %scan3A_92 : i32
      %scan3A_94 = arith.constant 1 : i32
      %scan3A_95:3 = scf.for %scan3A_139 = %scan3A_91 to %scan3A_93 step %scan3A_94 iter_args(%scan3A_140 = %scan3A_89, %scan3A_141 = %scan3A_90, %scan3A_142 = %broadcast_in_dim3A_2) -> (f32, f32, vector<16xf32>)  : i32 {
        %mul3A_143 = arith.constant 16 : i32
        %mul3A_144 = arith.muli %scan3A_139, %mul3A_143 : i32
        %get3A = arith.index_cast %mul3A_144 : i32 to index
        %get3A_145 = tpu.vector_load %arg7[%get3A] {strides = array<i32>} : memref<4096xf32, #tpu.memory_space<vmem>>, vector<16xf32>,
        %mul3A_146 = arith.constant 16 : i32
        %mul3A_147 = arith.muli %scan3A_139, %mul3A_146 : i32
        %get3A_148 = arith.index_cast %mul3A_147 : i32 to index
        %get3A_149 = tpu.vector_load %arg8[%get3A_148] {strides = array<i32>} : memref<4096xf32, #tpu.memory_space<vmem>>, vector<16xf32>,
        %add3A_150 = arith.addf %get3A_145, %get3A_149 : vector<16xf32>
        %mul3A_151 = arith.constant 16 : i32
        %mul3A_152 = arith.muli %scan3A_139, %mul3A_151 : i32
        %add3A_153 = arith.constant 2048 : i32
        %add3A_154 = arith.addi %add3A_153, %mul3A_152 : i32
        %get3A_155 = arith.index_cast %add3A_154 : i32 to index
        %get3A_156 = tpu.vector_load %arg7[%get3A_155] {strides = array<i32>} : memref<4096xf32, #tpu.memory_space<vmem>>, vector<16xf32>,
        %mul3A_157 = arith.constant 16 : i32
        %mul3A_158 = arith.muli %scan3A_139, %mul3A_157 : i32
        %add3A_159 = arith.constant 2048 : i32
        %add3A_160 = arith.addi %add3A_159, %mul3A_158 : i32
        %get3A_161 = arith.index_cast %add3A_160 : i32 to index
        %get3A_162 = tpu.vector_load %arg8[%get3A_161] {strides = array<i32>} : memref<4096xf32, #tpu.memory_space<vmem>>, vector<16xf32>,
        %add3A_163 = arith.addf %get3A_156, %get3A_162 : vector<16xf32>
        %add3A_164 = arith.addf %add3A_150, %add3A_163 : vector<16xf32>
        %broadcast_in_dim3A_165 = arith.constant true
        %broadcast_in_dim3A_166 = vector.broadcast %broadcast_in_dim3A_165 : i1 to vector<16xi1>
        %masked_cumsum3A = tpu.scan <sum>, %add3A_164 masked %broadcast_in_dim3A_166 : vector<16xf32>, vector<16xi1> -> vector<16xf32>
        %add3A_167 = vector.broadcast %scan3A_140 : f32 to vector<16xf32>
        %add3A_168 = arith.addf %masked_cumsum3A, %add3A_167 : vector<16xf32>
        %broadcast_in_dim3A_169 = arith.constant true
        %broadcast_in_dim3A_170 = vector.broadcast %broadcast_in_dim3A_169 : i1 to vector<16xi1>
        %masked_cumsum3A_171 = tpu.scan <sum>, %add3A_163 masked %broadcast_in_dim3A_170 : vector<16xf32>, vector<16xi1> -> vector<16xf32>
        %add3A_172 = vector.broadcast %scan3A_141 : f32 to vector<16xf32>
        %add3A_173 = arith.addf %masked_cumsum3A_171, %add3A_172 : vector<16xf32>
        %sub3A_174 = vector.broadcast %reduce_sum3A_88 : f32 to vector<16xf32>
        %sub3A_175 = arith.subf %sub3A_174, %add3A_173 : vector<16xf32>
        %add3A_176 = vector.broadcast %reduce_sum3A_88 : f32 to vector<16xf32>
        %add3A_177 = arith.addf %add3A_176, %add3A_168 : vector<16xf32>
        %sub3A_178 = arith.subf %add3A_177, %add3A_173 : vector<16xf32>
        %max3A_179 = arith.constant 1.000000e+00 : f32
        %max3A_180 = vector.broadcast %max3A_179 : f32 to vector<16xf32>
        %max3A_181 = arith.maximumf %sub3A_178, %max3A_180 : vector<16xf32>
        %div3A = arith.divf %sub3A_175, %max3A_181 : vector<16xf32>
        %sub3A_182 = arith.constant 1.000000e+00 : f32
        %sub3A_183 = vector.broadcast %sub3A_182 : f32 to vector<16xf32>
        %sub3A_184 = arith.subf %sub3A_183, %div3A : vector<16xf32>
        %reduce_sum3A_185 = arith.constant true
        %reduce_sum3A_186 = vector.broadcast %reduce_sum3A_185 : i1 to vector<16xi1>
        %reduce_sum3A_187 = tpu.scan <sum>, %add3A_164 masked %reduce_sum3A_186 : vector<16xf32>, vector<16xi1> -> vector<16xf32>
        %reduce_sum3A_188 = vector.extract %reduce_sum3A_187[15] : f32 from vector<16xf32>
        %add3A_189 = arith.addf %scan3A_140, %reduce_sum3A_188 : f32
        %reduce_sum3A_190 = arith.constant true
        %reduce_sum3A_191 = vector.broadcast %reduce_sum3A_190 : i1 to vector<16xi1>
        %reduce_sum3A_192 = tpu.scan <sum>, %add3A_163 masked %reduce_sum3A_191 : vector<16xf32>, vector<16xi1> -> vector<16xf32>
        %reduce_sum3A_193 = vector.extract %reduce_sum3A_192[15] : f32 from vector<16xf32>
        %add3A_194 = arith.addf %scan3A_141, %reduce_sum3A_193 : f32
        %add3A_195 = arith.addf %scan3A_142, %sub3A_184 : vector<16xf32>
        scf.yield %add3A_189, %add3A_194, %add3A_195 : f32, f32, vector<16xf32>
      }
      %scan3A_96 = arith.constant 128 : i32
      %gt3A = arith.constant 0.000000e+00 : f32
      %gt3A_97 = arith.cmpf ogt, %reduce_sum3A_88, %gt3A : f32
      %convert_element_type3A_98 = arith.extui %gt3A_97 : i1 to i32
      %convert_element_type3A_99 = arith.sitofp %convert_element_type3A_98 : i32 to f32
      %reduce_sum3A_100 = arith.constant true
      %reduce_sum3A_101 = vector.broadcast %reduce_sum3A_100 : i1 to vector<16xi1>
      %reduce_sum3A_102 = tpu.scan <sum>, %scan3A_95#2 masked %reduce_sum3A_101 : vector<16xf32>, vector<16xi1> -> vector<16xf32>
      %reduce_sum3A_103 = vector.extract %reduce_sum3A_102[15] : f32 from vector<16xf32>
      %sub3A_104 = arith.constant 5.000000e-01 : f32
      %sub3A_105 = arith.subf %reduce_sum3A_103, %sub3A_104 : f32
      %mul3A_106 = arith.mulf %convert_element_type3A_99, %sub3A_105 : f32
      %mul3A_107 = arith.constant 4.8828125E-4 : f32
      %mul3A_108 = arith.mulf %mul3A_106, %mul3A_107 : f32
      %iota3A = tpu.iota {dimensions = array<i32: 0>} : vector<16xi32>
      %eq3A = arith.constant 0 : i32
      %eq3A_109 = vector.broadcast %eq3A : i32 to vector<16xi32>
      %eq3A_110 = arith.cmpi eq, %iota3A, %eq3A_109 : vector<16xi32>
      %eq3A_111 = arith.constant 1 : i32
      %eq3A_112 = vector.broadcast %eq3A_111 : i32 to vector<16xi32>
      %eq3A_113 = arith.cmpi eq, %iota3A, %eq3A_112 : vector<16xi32>
      %eq3A_114 = arith.constant 2 : i32
      %eq3A_115 = vector.broadcast %eq3A_114 : i32 to vector<16xi32>
      %eq3A_116 = arith.cmpi eq, %iota3A, %eq3A_115 : vector<16xi32>
      %eq3A_117 = arith.constant 3 : i32
      %eq3A_118 = vector.broadcast %eq3A_117 : i32 to vector<16xi32>
      %eq3A_119 = arith.cmpi eq, %iota3A, %eq3A_118 : vector<16xi32>
      %eq3A_120 = arith.constant 4 : i32
      %eq3A_121 = vector.broadcast %eq3A_120 : i32 to vector<16xi32>
      %eq3A_122 = arith.cmpi eq, %iota3A, %eq3A_121 : vector<16xi32>
      %jit3A_123 = arith.constant 0.000000e+00 : f32
      %broadcast_in_dim3A_124 = vector.broadcast %scan3A_95#1 : f32 to vector<16xf32>
      %broadcast_in_dim3A_125 = vector.broadcast %jit3A_123 : f32 to vector<16xf32>
      %select_n3A_126 = arith.select %eq3A_122, %broadcast_in_dim3A_124, %broadcast_in_dim3A_125 : vector<16xi1>, vector<16xf32>
      %broadcast_in_dim3A_127 = vector.broadcast %scan3A_95#0 : f32 to vector<16xf32>
      %select_n3A_128 = arith.select %eq3A_119, %broadcast_in_dim3A_127, %select_n3A_126 : vector<16xi1>, vector<16xf32>
      %broadcast_in_dim3A_129 = vector.broadcast %reduce_sum3A_88 : f32 to vector<16xf32>
      %select_n3A_130 = arith.select %eq3A_116, %broadcast_in_dim3A_129, %select_n3A_128 : vector<16xi1>, vector<16xf32>
      %broadcast_in_dim3A_131 = vector.broadcast %convert_element_type3A_99 : f32 to vector<16xf32>
      %select_n3A_132 = arith.select %eq3A_113, %broadcast_in_dim3A_131, %select_n3A_130 : vector<16xi1>, vector<16xf32>
      %broadcast_in_dim3A_133 = vector.broadcast %mul3A_108 : f32 to vector<16xf32>
      %select_n3A_134 = arith.select %eq3A_110, %broadcast_in_dim3A_133, %select_n3A_132 : vector<16xi1>, vector<16xf32>
      %swap3A = arith.constant 0 : index
      %swap3A_135 = tpu.vector_load %arg9[%swap3A] {strides = array<i32>} : memref<16xf32, #tpu.memory_space<vmem>>, vector<16xf32>,
      tpu.vector_store %arg9[%swap3A], %select_n3A_134 {strides = array<i32>} : memref<16xf32, #tpu.memory_space<vmem>>, vector<16xf32>,
      %mul3A_136 = arith.constant 38 : i32
      %mul3A_137 = arith.muli %arg0, %mul3A_136 : i32
      %add3A_138 = arith.addi %mul3A_137, %add3A_69 : i32
      "tpu.region"() ({
        %run_scoped3A = tpu.sem_alloc : memref<!tpu.dma_semaphore, #tpu.memory_space<semaphore_mem>>
        %dma_start3A_139 = arith.constant 0 : i32
        %dma_start3A_140 = tpu.memref_slice %arg3[%add3A_138, %dma_start3A_139] : memref<76x16xf32, #tpu.memory_space<hbm>> -> memref<1x16xf32, #tpu.memory_space<hbm>>
        %dma_start3A_141 = tpu.memref_squeeze %dma_start3A_140 : memref<1x16xf32, #tpu.memory_space<hbm>> -> memref<16xf32, #tpu.memory_space<hbm>>
        %dma_start3A_142 = arith.constant 0 : i32
        %dma_start3A_143 = tpu.memref_slice %arg3[%add3A_138, %dma_start3A_142] : memref<76x16xf32, #tpu.memory_space<hbm>> -> memref<1x16xf32, #tpu.memory_space<hbm>>
        %dma_start3A_144 = tpu.memref_squeeze %dma_start3A_143 : memref<1x16xf32, #tpu.memory_space<hbm>> -> memref<16xf32, #tpu.memory_space<hbm>>
        tpu.enqueue_dma source(%arg9 : memref<16xf32, #tpu.memory_space<vmem>>) target(%dma_start3A_144 : memref<16xf32, #tpu.memory_space<hbm>>) target_semaphore(%run_scoped3A : memref<!tpu.dma_semaphore, #tpu.memory_space<semaphore_mem>>)
        %dma_wait3A = arith.constant 0 : i32
        %dma_wait3A_145 = tpu.memref_slice %arg3[%add3A_138, %dma_wait3A] : memref<76x16xf32, #tpu.memory_space<hbm>> -> memref<1x16xf32, #tpu.memory_space<hbm>>
        %dma_wait3A_146 = tpu.memref_squeeze %dma_wait3A_145 : memref<1x16xf32, #tpu.memory_space<hbm>> -> memref<16xf32, #tpu.memory_space<hbm>>
        %dma_wait3A_147 = arith.constant 0 : i32
        %dma_wait3A_148 = tpu.memref_slice %arg3[%add3A_138, %dma_wait3A_147] : memref<76x16xf32, #tpu.memory_space<hbm>> -> memref<1x16xf32, #tpu.memory_space<hbm>>
        %dma_wait3A_149 = tpu.memref_squeeze %dma_wait3A_148 : memref<1x16xf32, #tpu.memory_space<hbm>> -> memref<16xf32, #tpu.memory_space<hbm>>
        tpu.wait_dma2 semaphore(%run_scoped3A : memref<!tpu.dma_semaphore, #tpu.memory_space<semaphore_mem>>) src(%arg9 : memref<16xf32, #tpu.memory_space<vmem>>) dst(%dma_wait3A_149 : memref<16xf32, #tpu.memory_space<hbm>>)
        tpu.yield
      }) : () -> ()
    } else {
    }
    return
  }
}

module attributes {stable_mosaic.version = 14 : i64} {
  func.func @_bins_body(%arg0: i32, %arg1: i32, %arg2: memref<1x19x64x512xf32, #tpu.memory_space<vmem>>, %arg3: memref<1x64x512xi32, #tpu.memory_space<vmem>>, %arg4: memref<1x19x64x512xi32, #tpu.memory_space<vmem>>) attributes {dimension_semantics = [#tpu.dimension_semantics<arbitrary>, #tpu.dimension_semantics<arbitrary>], iteration_bounds = array<i64: 4, 8>, scalar_prefetch = 0 : i64, scratch_operands = 0 : i64, tpu.core_type = #tpu.core_type<tc>, window_params = [{transform_indices = @transform_0, window_bounds = array<i64: 1, 19, 64, 512>}, {transform_indices = @transform_1, window_bounds = array<i64: 1, 64, 512>}, {transform_indices = @transform_2, window_bounds = array<i64: 1, 19, 64, 512>}]} {
    %get3A = arith.constant 0 : index
    %get3A_0 = arith.constant 0 : index
    %get3A_1 = arith.constant 0 : index
    %get3A_2 = arith.constant 0 : index
    %get3A_3 = vector.load %arg2[%get3A, %get3A_0, %get3A_1, %get3A_2] : memref<1x19x64x512xf32, #tpu.memory_space<vmem>>, vector<1x19x64x512xf32>
    %get3A_4 = vector.shape_cast %get3A_3 : vector<1x19x64x512xf32> to vector<19x64x512xf32>
    %reduce_max3A = arith.constant dense<0xFF800000> : vector<64x512xf32>
    %reduce_max3A_5 = vector.multi_reduction <maximumf>, %get3A_4, %reduce_max3A [0] : vector<19x64x512xf32> to vector<64x512xf32>
    %broadcast_in_dim3A = vector.shape_cast %reduce_max3A_5 : vector<64x512xf32> to vector<1x64x512xf32>
    %sub3A = vector.broadcast %broadcast_in_dim3A : vector<1x64x512xf32> to vector<19x64x512xf32>
    %sub3A_6 = arith.subf %get3A_4, %sub3A : vector<19x64x512xf32>
    %exp3A = math.exp %sub3A_6 : vector<19x64x512xf32>
    %reduce_sum3A = arith.constant dense<0.000000e+00> : vector<64x512xf32>
    %reduce_sum3A_7 = vector.multi_reduction <add>, %exp3A, %reduce_sum3A [0] : vector<19x64x512xf32> to vector<64x512xf32>
    %broadcast_in_dim3A_8 = vector.shape_cast %reduce_sum3A_7 : vector<64x512xf32> to vector<1x64x512xf32>
    %div3A = arith.constant 2.048000e+03 : f32
    %div3A_9 = vector.broadcast %div3A : f32 to vector<1x64x512xf32>
    %div3A_10 = arith.divf %div3A_9, %broadcast_in_dim3A_8 : vector<1x64x512xf32>
    %mul3A = vector.broadcast %div3A_10 : vector<1x64x512xf32> to vector<19x64x512xf32>
    %mul3A_11 = arith.mulf %exp3A, %mul3A : vector<19x64x512xf32>
    %convert_element_type3A = arith.fptosi %mul3A_11 : vector<19x64x512xf32> to vector<19x64x512xi32>
    %min3A = arith.constant 2047 : i32
    %min3A_12 = vector.broadcast %min3A : i32 to vector<19x64x512xi32>
    %min3A_13 = arith.minsi %convert_element_type3A, %min3A_12 : vector<19x64x512xi32>
    %get3A_14 = arith.constant 0 : index
    %get3A_15 = arith.constant 0 : index
    %get3A_16 = arith.constant 0 : index
    %get3A_17 = vector.load %arg3[%get3A_14, %get3A_15, %get3A_16] : memref<1x64x512xi32, #tpu.memory_space<vmem>>, vector<1x64x512xi32>
    %get3A_18 = vector.shape_cast %get3A_17 : vector<1x64x512xi32> to vector<64x512xi32>
    %iota3A = tpu.iota {dimensions = array<i32: 0>} : vector<19x64x512xi32>
    %broadcast_in_dim3A_19 = vector.shape_cast %get3A_18 : vector<64x512xi32> to vector<1x64x512xi32>
    %eq3A = vector.broadcast %broadcast_in_dim3A_19 : vector<1x64x512xi32> to vector<19x64x512xi32>
    %eq3A_20 = arith.cmpi eq, %eq3A, %iota3A : vector<19x64x512xi32>
    %add3A = arith.constant 2048 : i32
    %add3A_21 = vector.broadcast %add3A : i32 to vector<19x64x512xi32>
    %add3A_22 = arith.addi %add3A_21, %min3A_13 : vector<19x64x512xi32>
    %sub3A_23 = arith.constant 2047 : i32
    %sub3A_24 = vector.broadcast %sub3A_23 : i32 to vector<19x64x512xi32>
    %sub3A_25 = arith.subi %sub3A_24, %min3A_13 : vector<19x64x512xi32>
    %select_n3A = arith.select %eq3A_20, %add3A_22, %sub3A_25 : vector<19x64x512xi1>, vector<19x64x512xi32>
    %swap3A = arith.constant 0 : index
    %swap3A_26 = arith.constant 0 : index
    %swap3A_27 = arith.constant 0 : index
    %swap3A_28 = arith.constant 0 : index
    %swap3A_29 = vector.load %arg4[%swap3A, %swap3A_26, %swap3A_27, %swap3A_28] : memref<1x19x64x512xi32, #tpu.memory_space<vmem>>, vector<1x19x64x512xi32>
    %swap3A_30 = vector.shape_cast %swap3A_29 : vector<1x19x64x512xi32> to vector<19x64x512xi32>
    %swap3A_31 = vector.shape_cast %select_n3A : vector<19x64x512xi32> to vector<1x19x64x512xi32>
    tpu.vector_store %arg4[%swap3A, %swap3A_26, %swap3A_27, %swap3A_28], %swap3A_31 {strides = array<i32>} : memref<1x19x64x512xi32, #tpu.memory_space<vmem>>, vector<1x19x64x512xi32>,
    return
  }
  func.func @transform_0(%arg0: i32, %arg1: i32) -> (i32, i32, i32, i32) {
    %c0_i32 = arith.constant 0 : i32
    %c0_i32_0 = arith.constant 0 : i32
    %c0_i32_1 = arith.constant 0 : i32
    return %arg0, %c0_i32, %arg1, %c0_i32_0 : i32, i32, i32, i32
  }
  func.func @transform_1(%arg0: i32, %arg1: i32) -> (i32, i32, i32) {
    %c0_i32 = arith.constant 0 : i32
    %c0_i32_0 = arith.constant 0 : i32
    return %arg0, %arg1, %c0_i32 : i32, i32, i32
  }
  func.func @transform_2(%arg0: i32, %arg1: i32) -> (i32, i32, i32, i32) {
    %c0_i32 = arith.constant 0 : i32
    %c0_i32_0 = arith.constant 0 : i32
    %c0_i32_1 = arith.constant 0 : i32
    return %arg0, %c0_i32, %arg1, %c0_i32_0 : i32, i32, i32, i32
  }
}

</mosaic_0001>

<sc_bundles>
// kernel: kernel.4.cloned.1.call-start
scs
__scs_entry_jumppad:
0x0: {  	(pc) =	sbr.rel $0x88, $3  }
0x1: {  	(tag) =	ssettag $0x0;
	lr =	simm.s32 $0x1  }
0x2: {  	[smem:$0x3F9F] =	sst lr;
	_ =	strace $0xD0000000  }
0x3: {  	_ = 	snop  }
0x4: {  	_ = 	snop  }
0x5: {  	_ = 	snop  }
0x6: {  	_ = 	snop  }
0x7: {  	_ = 	snop  }
__scs_overlays_trampoline_lowered:
0x8: {  	[smem:$0x3FAE] =	sst s0  }
0x9: {  	[smem:$0x3FAF] =	sst s1  }
0xa: {  	[smem:$0x3FB0] =	sst s2  }
0xb: {  	[smem:$0x3FB1] =	sst s3  }
0xc: {  	[smem:$0x3FB2] =	sst s4  }
0xd: {  	[smem:$0x3FB3] =	sst s5  }
0xe: {  	[smem:$0x3FB4] =	sst s6  }
0xf: {  	[smem:$0x3FB5] =	sst s7  }
0x10: {  	[smem:$0x3FB6] =	sst s8  }
0x11: {  	[smem:$0x3FB7] =	sst s9;
	s0 =	simm.s32 @!p0 $0x0  }
0x12: {  	s1 =	sld [smem:$0x3F9D];
	s0 =	simm.s32 @p0 $0x1  }
0x13: {  	[smem:$0x3FB8] =	sst s0;
	s0 =	simm.s32 @!p1 $0x0  }
0x14: {  	s2 =	sld [smem:$0x3F9C];
	s0 =	simm.s32 @p1 $0x1  }
0x15: {  	[smem:$0x3FB9] =	sst s0;
	s0 =	simm.s32 @!p2 $0x0  }
0x16: {  	s3 =	sld [smem:$0x3FDB];
	s0 =	simm.s32 @p2 $0x1  }
0x17: {  	s4 =	simm.s32 $0x1BF5;
	[smem:$0x3FBB] =	sst s0  }
0x18: {  	s0 =	sld [smem:$0x3F9E];
	_ =	swait.ge [sflag:s4], $0x0  }
0x19: {  	s7 =	sld [smem:$0x3F9F]  }
0x1a: {  	s8 =	sadd.s32 $0xFFFFE003, lr  }
0x1b: {  	s9 =	sadd.s32 $0xFFFFFEF7, lr;
	s5 =	simm.s32 $0xFFFFFFFF;
	p2 =	slt.u32 s8, $0xFFFFF086  }
0x1c: {  	p1 =	slt.u32 s9, $0xF7A;
	s5 =	simm.s32 @!p2 $0x0  }
0x1d: {  	s5 =	simm.s32 @p1 $0x1;
	p0 =	seq.s32 s7, s2  }
0x1e: {  	s7 =	smul.u32 @!p0 $0xF7A, s2;
	p2 =	seq.s32 @!p0 s5, $0x0  }
0x1f: {  	s9 =	smul.u32 $0xF7A, s1;
	s8 =	simm.s32 @!p0 $0x1BF5;
	p2 =	por !p2, p0  }
0x20: {  	[sflag:s8] =	ssyncset.s32 @!p0 $0xFFFFF086;
	s6 =	sadd.s32 @!p0 s3, s7;
	s7 =	simm.s32 @!p0 $0x108  }
0x21: {  	s3 =	sadd.s32 s3, s9;
	s6 =	sadd.s32 @!p0 $0x88, s6;
	s7 =	simm.s32 @p2 $0x1082  }
0x22: {  	[simem:s7], [sflag:s8] =	dma.local @!p0 [hbm:s6], $0xF7A  }
0x23: {  	s9 =	sor.u32 $0xD0000000, s2;
	s6 =	simm.s32 $0x108;
	_ =	swait.ge @!p0 [sflag:s8], $0x0  }
0x24: {  	s3 =	sadd.s32 $0x88, s3;
	s6 =	simm.s32 @!p1 $0x1082;
	[sflag:s4] =	ssyncset.s32 $0xFFFFF086  }
0x25: {  	[simem:s6], [sflag:s4] =	dma.local [hbm:s3], $0xF7A  }
0x26: {  	[smem:$0x3F9F] =	sst s1;
	(tag) =	ssettag s2;
	_ =	strace s9  }
0x27: {  	s1 =	sld [smem:$0x3FAF]  }
0x28: {  	s2 =	sld [smem:$0x3FB0]  }
0x29: {  	s4 =	sld [smem:$0x3FB2]  }
0x2a: {  	p0 =	seq.s32 s5, $0x0;
	s5 =	sld [smem:$0x3FB3]  }
0x2b: {  	s6 =	sld [smem:$0x3FB4]  }
0x2c: {  	s7 =	sld [smem:$0x3FB5]  }
0x2d: {  	s3 =	simm.s32 $0x108;
	s8 =	sld [smem:$0x3FB6]  }
0x2e: {  	s3 =	simm.s32 @!p0 $0x1082;
	s9 =	sld [smem:$0x3FB7]  }
0x2f: {  	lr =	sadd.s32 s0, s3;
	s0 =	sld [smem:$0x3FAE]  }
0x30: {  	s3 =	sld [smem:$0x3FB1]  }
0x31: {  	[smem:$0x3FBA] =	sst s10  }
0x32: {  	s10 =	sld [smem:$0x3FB8];
	_ =	sdelay $0x3  }
0x33: {  	p0 =	seq.s32 s10, $0x1;
	s10 =	sld [smem:$0x3FBA];
	_ =	sdelay $0x3  }
0x34: {  	[smem:$0x3FBA] =	sst s10  }
0x35: {  	s10 =	sld [smem:$0x3FB9];
	_ =	sdelay $0x3  }
0x36: {  	p1 =	seq.s32 s10, $0x1;
	s10 =	sld [smem:$0x3FBA];
	_ =	sdelay $0x3  }
0x37: {  	[smem:$0x3FBA] =	sst s10  }
0x38: {  	s10 =	sld [smem:$0x3FBB]  }
0x39: {  	_ = 	snop;
	(pc) =	sbr.ind lr, $3  }
0x3a: {  	_ = 	snop  }
0x3b: {  	_ = 	snop  }
0x3c: {  	p2 =	seq.s32 s10, $0x1;
	s10 =	sld [smem:$0x3FBA]  }
0x3d: {  	_ =	shalt  }
0x3e: {  	_ =	shalt  }
0x3f: {  	_ =	shalt  }
0x40: {  	_ =	shalt  }
0x41: {  	_ =	shalt  }
0x42: {  	_ =	shalt  }
0x43: {  	_ =	shalt  }
0x44: {  	_ =	shalt  }
0x45: {  	_ =	shalt  }
0x46: {  	_ =	shalt  }
0x47: {  	_ =	shalt  }
0x48: {  	_ =	shalt  }
0x49: {  	_ =	shalt  }
0x4a: {  	_ =	shalt  }
0x4b: {  	_ =	shalt  }
0x4c: {  	_ =	shalt  }
0x4d: {  	_ =	shalt  }
0x4e: {  	_ =	shalt  }
0x4f: {  	_ =	shalt  }
0x50: {  	_ =	shalt  }
0x51: {  	_ =	shalt  }
0x52: {  	_ =	shalt  }
0x53: {  	_ =	shalt  }
0x54: {  	_ =	shalt  }
0x55: {  	_ =	shalt  }
0x56: {  	_ =	shalt  }
0x57: {  	_ =	shalt  }
0x58: {  	_ =	shalt  }
0x59: {  	_ =	shalt  }
0x5a: {  	_ =	shalt  }
0x5b: {  	_ =	shalt  }
0x5c: {  	_ =	shalt  }
0x5d: {  	_ =	shalt  }
0x5e: {  	_ =	shalt  }
0x5f: {  	_ =	shalt  }
0x60: {  	_ =	shalt  }
0x61: {  	_ =	shalt  }
0x62: {  	_ =	shalt  }
0x63: {  	_ =	shalt  }
0x64: {  	_ =	shalt  }
0x65: {  	_ =	shalt  }
0x66: {  	_ =	shalt  }
0x67: {  	_ =	shalt  }
0x68: {  	_ =	shalt  }
0x69: {  	_ =	shalt  }
0x6a: {  	_ =	shalt  }
0x6b: {  	_ =	shalt  }
0x6c: {  	_ =	shalt  }
0x6d: {  	_ =	shalt  }
0x6e: {  	_ =	shalt  }
0x6f: {  	_ =	shalt  }
0x70: {  	_ =	shalt  }
0x71: {  	_ =	shalt  }
0x72: {  	_ =	shalt  }
0x73: {  	_ =	shalt  }
0x74: {  	_ =	shalt  }
0x75: {  	_ =	shalt  }
0x76: {  	_ =	shalt  }
0x77: {  	_ =	shalt  }
0x78: {  	_ =	shalt  }
0x79: {  	_ =	shalt  }
0x7a: {  	_ =	shalt  }
0x7b: {  	_ =	shalt  }
0x7c: {  	_ =	shalt  }
0x7d: {  	_ =	shalt  }
0x7e: {  	_ =	shalt  }
0x7f: {  	_ =	shalt  }
0x80: {  	_ =	shalt  }
0x81: {  	_ =	shalt  }
0x82: {  	_ =	shalt  }
0x83: {  	_ =	shalt  }
0x84: {  	_ =	shalt  }
0x85: {  	_ =	shalt  }
0x86: {  	_ =	shalt  }
0x87: {  	_ =	shalt  }
.Lfunc_end0:
.L_simem_size_0:
called_computation_lowered:
.L_overlay_start_0:
0x88: {  	s2 =	sld [smem:$0x3FD9]  }
0x89: {  	s3 =	sld [smem:$0x3FFE];
	_ =	sdelay $0x1  }
0x8a: {  	s1 =	srdreg.scid  }
0x8b: {  	s0 =	sand.u32 $0x1, s1  }
0x8c: {  	s16 =	sshll.u32 s0, $0xA;
	s2 =	sadd.s32 s3, s2  }
0x8d: {  	s2 =	sadd.s32 s2, s16  }
0x8e: {  	[smem:$0x3FC6] =	sst s2  }
0x8f: {  	_ = 	snop  }
0x90: {  	(tm) =	ssettm $0x1  }
0x91: {  	s17 =	sld [smem:$0x3FFB];
	_ =	sdelay $0x3  }
0x92: {  	_ =	strace s17  }
0x93: {  	s2 =	sld [smem:$0x3FFC];
	_ =	sdelay $0x3  }
0x94: {  	_ =	strace s2  }
0x95: {  	s2 =	sld [smem:$0x3FFD];
	_ =	sdelay $0x3  }
0x96: {  	_ =	strace s2  }
0x97: {  	_ =	strace $0x8FFFFFFF  }
0x98: {  	s18 =	sld [smem:$0x3FDB];
	_ =	sdelay $0x1  }
0x99: {  	s19 =	simm.s32 $_scs_section_size  }
0x9a: {  	s4 =	simm.s32 $_size__tile_overlayer_lowered;
	s5 =	simm.s32 $_tile_overlayer_lowered  }
0x9b: {  	s22 =	simm.s32 $0x1BFF;
	s21 =	sshll.u32 s5, $0x1;
	s2 =	sadd.s32 s19, s18  }
0x9c: {  	s6 =	simm.s32 $0x0;
	s20 =	sshll.u32 s4, $0x1;
	s4 =	sadd.s32 s21, s2  }
0x9d: {  	[timem:s6], [sflag:s22] =	dma.local [hbm:s4], s20  }
0x9e: {  	_ =	swait.ge [sflag:s22], s20  }
0x9f: {  	s3 =	ssub.s32 $0x0, s20;
	[sflag:s22] =	ssyncset.done $0x0  }
0xa0: {  	[sflag:s22] =	ssyncadd.s32 s3;
	_ =	sdelay $0x1  }
0xa1: {  	s23 =	simm.s32 $0x1B8B  }
0xa2: {  	_ =	swait.ge [sflag:s23], $0x1  }
0xa3: {  	[sflag:s23] =	ssyncset.done $0x0  }
0xa4: {  	s25 =	simm.s32 $0x1B8E;
	s24 =	sld [smem:$0x3FFE];
	[sflag:s23] =	ssyncadd.s32 $0xFFFFFFFF  }
0xa5: {  	s26 =	simm.s32 $execute0_lowered;
	[smem:$0x3FD2] =	sst s25  }
0xa6: {  	s4 =	sshll.u32 s26, $0x1;
	_ =	strace $0x80000046;
	[dreg:$0x1] =	wrdreg $0xFFFFFFFF  }
0xa7: {  	s28 =	simm.s32 $_size_execute0_lowered;
	s2 =	sadd.s32 s2, s4;
	[dreg:$0x0] =	wrdreg $0x0  }
0xa8: {  	s4 =	sshll.u32 s28, $0x1;
	[dreg:$0x2] =	wrdreg s2  }
0xa9: {  	[dreg:$0x3] =	wrdreg s4  }
0xaa: {  	[dreg:$0x4] =	wrdreg $0xC0  }
0xab: {  	_ =	task [dreg:s6], $0x5FFFF  }
0xac: {  	[dreg:$0x1] =	wrdreg $0xFFFFFFFF  }
0xad: {  	[dreg:$0x0] =	wrdreg $0x60  }
0xae: {  	[dreg:$0x2] =	wrdreg s24  }
0xaf: {  	[dreg:$0x3] =	wrdreg $0x130800  }
0xb0: {  	[dreg:$0x4] =	wrdreg $0x9  }
0xb1: {  	_ =	task.clear_ibuf [dreg:s6], $0x5FFFF;
	_ =	strace $0x90000046  }
0xb2: {  	s29 =	simm.s32 $0x9;
	_ =	strace $0x80000048  }
0xb3: {  	_ =	swait.ge [sflag:s29], $0x1  }
0xb4: {  	[sflag:s29] =	ssyncadd.s32 $0xFFFFFFFF  }
0xb5: {  	_ =	strace $0x90000048  }
0xb6: {  	_ =	sfence  }
0xb7: {  	s30 =	sld [smem:$0x0];
	_ =	sdelay $0x2  }
0xb8: {  	s31 =	sshll.u32 s1, $0xD;
	s1 =	sshrl.u32 s1, $0x2  }
0xb9: {  	s3 =	sand.u32 $0x4000, s31;
	s1 =	sadd.s32 s1, s30  }
0xba: {  	s0 =	sor.u32 s3, s0;
	s1 =	sshll.u32 s1, $0x11  }
0xbb: {  	s0 =	sor.u32 s1, s0  }
0xbc: {  	s0 =	sadd.s32 $0x8F2B, s0  }
0xbd: {  	[sflag:s0] =	ssyncadd.remote.s32 $0x1  }
0xbe: {  	_ =	sfence.sel $0xFFFF  }
0xbf: {  	[dreg:$0x0] =	wrdreg $0xFFFFFFFF;
	(pc) =	sbr.abs _section_cstart, $3  }
0xc0: {  	[dreg:$0x1] =	wrdreg $0xFFFFFFFF  }
0xc1: {  	_ =	task.clear_ibuf [dreg:s6], $0x2FFFF;
	_ =	strace $0x9FFFFFFF  }
0xc2: {  	(tm) =	ssettm $0x7FFFFFFF  }
0xc3: {  	_ =	shalt  }
tec
execute0_lowered:
.L_overlay_start_1:
0x0: {  	(tag) =	ssettag $0x1  }
0x1: {  	s2 =	rddreg [dreg:$0x0];
	s3 =	stileid.u32  }
0x2: {  	s13 =	rddreg [dreg:$0x1];
	s1 =	srdreg.scid  }
0x3: {  	s5 =	simm.s32 $0x0;
	s9 =	simm.s32 $0x5;
	s29 =	simm.s32 $0x3  }
0x4: {  	s0 =	smul.u32 $0x5, s3;
	s4 =	smax.u32 s3, $0xC;
	s1 =	sand.u32 $0x1, s1  }
0x5: {  	[smem:$0x7FF] =	sst s5;
	s16 =	sadd.s32 $0x260000, s2;
	p0 =	slt.u32 s3, $0xC  }
0x6: {  	s19 =	sshll.u32 s3, $0xD;
	s20 =	sshll.u32 s3, $0x8;
	s11 =	sor.u32 $0x10, s3  }
0x7: {  	s12 =	sor.u32 $0x20, s3;
	s6 =	smul.u32 $0x26, s1;
	_ =	strace $0x80000047  }
0x8: {  	s1 =	ssub.s32 $0x2, s1;
	s9 =	simm.s32 @!p0 $0x4;
	s0 =	ssub.s32 s0, s4  }
0x9: {  	s22 =	sshll.u32 s11, $0xD;
	s25 =	sshll.u32 s12, $0xD;
	s5 =	sadd.s32 $0xC, s0  }
0xa: {  	p0 =	sgt.u32 s3, $0x5;
	s8 =	sshrl.u32 s1, $0x1;
	s17 =	sshrl.u32 s5, $0x1  }
0xb: {  	s10 =	sshll.u32 s9, $0x1;
	s7 =	sshll.u32 s5, $0x11;
	s4 =	sadd.s32 s6, s17  }
0xc: {  	s1 =	ssub.s32 s1, s8;
	s7 =	sand.u32 $0x20000, s7;
	s4 =	sshll.u32 s4, $0x12  }
0xd: {  	s23 =	sadd.s32 s3, s6;
	s28 =	sadd.s32 s12, s6;
	s4 =	sor.u32 s7, s4  }
0xe: {  	s30 =	sshll.u32 s28, $0x4;
	s31 =	smax.u32 s1, $0x1;
	s4 =	sshrl.u32 s4, $0x3  }
0xf: {  	s0 =	sadd.s32 s16, s30;
	[dreg:$0xe] =	wrdreg s31;
	s18 =	sadd.s32 s2, s4  }
0x10: {  	[dreg:$0xd] =	wrdreg s0;
	s4 =	sand.u32 $0x18000, s19;
	s8 =	sadd.s32 $0x1000, s18  }
0x11: {  	s4 =	sadd.s32 s4, s13;
	[dreg:$0x4] =	wrdreg s8;
	s8 =	sand.u32 $0x300, s20  }
0x12: {  	s7 =	sshll.u32 s9, $0x2;
	[dreg:$0x3] =	wrdreg s18;
	s21 =	sadd.s32 s8, s4  }
0x13: {  	s4 =	sand.u32 $0x38000, s22;
	[dreg:$0x5] =	wrdreg s21;
	s9 =	sadd.s32 $0x80, s21  }
0x14: {  	s26 =	sadd.s32 s11, s6;
	s4 =	sadd.s32 s4, s13;
	[dreg:$0x6] =	wrdreg s9  }
0x15: {  	s9 =	sshll.u32 s23, $0x4;
	s24 =	sadd.s32 s8, s4;
	s4 =	sand.u32 $0x48000, s25  }
0x16: {  	s9 =	sadd.s32 s16, s9;
	[dreg:$0x8] =	wrdreg s24;
	s4 =	sadd.s32 s4, s13  }
.Ltmp0:
0x17: {  	[dreg:$0x7] =	wrdreg s9;
	s9 =	sadd.s32 $0x80, s24;
	(pc) =	sbr.rel .LBB2_1-.Ltmp0, $4  }
0x18: {  	s1 =	simm.s32 $0x0;
	s8 =	sadd.s32 s8, s4;
	[dreg:$0x9] =	wrdreg s9  }
0x19: {  	s9 =	sshll.u32 s26, $0x4;
	[dreg:$0xb] =	wrdreg s8;
	s8 =	sadd.s32 $0x80, s8  }
0x1a: {  	v0 =	vimm.f32 $0.0e+00;
	v1 =	vimm.f32 $1.000000000e+00;
	vm0 =	vcmask $0xF0C;
	s22 =	simm.s32 $0x1;
	s9 =	sadd.s32 s16, s9;
	[dreg:$0xc] =	wrdreg s8  }
0x1b: {  	vm1 =	vcmask $0x1310;
	vm2 =	vcmask $0xB08;
	v2 =	vlaneseq.u32;
	s23 =	simm.s32 $0x10000;
	s24 =	simm.s32 $0x2;
	[dreg:$0xa] =	wrdreg s9  }
.LBB2_27:
0x1c: {  	s1 =	sadd.s32 $0x1, s1;
	s0 =	rddreg [dreg:$0xe]  }
0x1d: {  	p1 =	sne.s32 s1, s0  }
.Ltmp1:
0x1e: {  	_ = 	snop;
	(pc) =	sbr.rel @!p1 .LBB2_28-.Ltmp1, $1  }
0x1f: {  	_ =	sdelay $0x3  }
.LBB2_1:
0x20: {  	[dreg:$0xf] =	wrdreg s1;
	s0 =	simm.s32 $0x10040  }
0x21: {  	[tilespmem:s0+$0xFFFFFFC0] =	vst v0  }
0x22: {  	[tilespmem:s0+$0x30] =	vst v0  }
0x23: {  	[tilespmem:s0+$0x20] =	vst v0  }
0x24: {  	[tilespmem:s0+$0x10] =	vst v0  }
0x25: {  	[tilespmem:s0+$0x0] =	vst v0  }
0x26: {  	[tilespmem:s0+$0xFFFFFFF0] =	vst v0  }
0x27: {  	s4 =	simm.s32 $0x0;
	[tilespmem:s0+$0xFFFFFFE0] =	vst v0  }
.LBB2_2:
0x28: {  	s4 =	sadd.s32 $0x80, s4;
	[tilespmem:s0+$0xFFFFFFD0] =	vst v0;
	s0 =	sadd.s32 $0x80, s0  }
0x29: {  	[tilespmem:s0+$0xFFFFFFC0] =	vst v0;
	p1 =	slt.u32 s4, $0xF80  }
0x2a: {  	[tilespmem:s0+$0x30] =	vst v0  }
.Ltmp2:
0x2b: {  	[tilespmem:s0+$0x20] =	vst v0;
	(pc) =	sbr.rel @p1 .LBB2_2-.Ltmp2, $4  }
0x2c: {  	[tilespmem:s0+$0x10] =	vst v0  }
0x2d: {  	[tilespmem:s0+$0x0] =	vst v0  }
0x2e: {  	[tilespmem:s0+$0xFFFFFFF0] =	vst v0  }
0x2f: {  	[tilespmem:s0+$0xFFFFFFE0] =	vst v0  }
.Ltmp3:
0x30: {  	[tilespmem:s0+$0xFFFFFFD0] =	vst v0;
	(pc) =	sbr.rel .LBB2_4-.Ltmp3, $4  }
0x31: {  	s0 =	simm.s32 $0x0;
	s1 =	rddreg [dreg:$0x3]  }
0x32: {  	[tilespmem:s0], [sflag:$0x1] =	stream.linear.gather [hbm4b:s1+s0], $0x8000, $0x38;
	[tilespmem:$0x18080] =	vst v63  }
0x33: {  	s3 =	simm.s32 $0x8000;
	s21 =	simm.s32 $0x0;
	s31 =	rddreg [dreg:$0x4]  }
0x34: {  	[tilespmem:s3], [sflag:$0x2] =	stream.linear.gather [hbm4b:s31+s0], $0x8000, $0x38;
	[tilespmem:$0x18080] =	vst v63  }
.LBB2_12:
0x35: {  	s21 =	sadd.s32 $0x1, s21  }
0x36: {  	p1 =	sne.s32 s21, s10  }
.Ltmp4:
0x37: {  	_ = 	snop;
	(pc) =	sbr.rel @!p1 .LBB2_13-.Ltmp4, $1  }
0x38: {  	_ =	sdelay $0x3  }
.LBB2_4:
0x39: {  	_ =	swait.ge [sflag:s22], $0x8000  }
0x3a: {  	s4 =	sand.u32 $0x7000, s0;
	s8 =	sand.u32 $0x300, s0;
	[sflag:s22] =	ssyncset.done $0x0  }
0x3b: {  	s4 =	sor.u32 s8, s4;
	[sflag:s22] =	ssyncadd.s32 $0xFFFF8000  }
0x3c: {  	v3 =	vld [tilespmem:s4+$0x80];
	_ =	sdelay $0x7  }
0x3d: {  	[tilespmem:v3+s23+$0x0] =	vst.idx.add.f32.msk $0xffff, v1  }
0x3e: {  	v3 =	vld [tilespmem:s4+$0x90];
	_ =	sdelay $0x6  }
0x3f: {  	v4 =	vld [tilespmem:s4+$0x0]  }
0x40: {  	[tilespmem:v3+s23+$0x0] =	vst.idx.add.f32.msk $0xffff, v1  }
0x41: {  	v3 =	vld [tilespmem:s4+$0xA0];
	_ =	sdelay $0x5  }
0x42: {  	[tilespmem:v4+s23+$0x0] =	vst.idx.add.f32.msk $0xffff, v1  }
0x43: {  	v4 =	vld [tilespmem:s4+$0x10]  }
0x44: {  	[tilespmem:v3+s23+$0x0] =	vst.idx.add.f32.msk $0xffff, v1  }
0x45: {  	v3 =	vld [tilespmem:s4+$0xB0];
	_ =	sdelay $0x5  }
0x46: {  	[tilespmem:v4+s23+$0x0] =	vst.idx.add.f32.msk $0xffff, v1  }
0x47: {  	v4 =	vld [tilespmem:s4+$0x20]  }
0x48: {  	[tilespmem:v3+s23+$0x0] =	vst.idx.add.f32.msk $0xffff, v1  }
0x49: {  	v3 =	vld [tilespmem:s4+$0xC0];
	_ =	sdelay $0x5  }
0x4a: {  	[tilespmem:v4+s23+$0x0] =	vst.idx.add.f32.msk $0xffff, v1  }
0x4b: {  	v4 =	vld [tilespmem:s4+$0x30]  }
0x4c: {  	[tilespmem:v3+s23+$0x0] =	vst.idx.add.f32.msk $0xffff, v1  }
0x4d: {  	v3 =	vld [tilespmem:s4+$0xD0];
	_ =	sdelay $0x5  }
0x4e: {  	[tilespmem:v4+s23+$0x0] =	vst.idx.add.f32.msk $0xffff, v1  }
0x4f: {  	v4 =	vld [tilespmem:s4+$0x40]  }
0x50: {  	[tilespmem:v3+s23+$0x0] =	vst.idx.add.f32.msk $0xffff, v1  }
0x51: {  	v3 =	vld [tilespmem:s4+$0xE0];
	_ =	sdelay $0x5  }
0x52: {  	[tilespmem:v4+s23+$0x0] =	vst.idx.add.f32.msk $0xffff, v1  }
0x53: {  	v4 =	vld [tilespmem:s4+$0x50]  }
0x54: {  	[tilespmem:v3+s23+$0x0] =	vst.idx.add.f32.msk $0xffff, v1  }
0x55: {  	v3 =	vld [tilespmem:s4+$0xF0];
	_ =	sdelay $0x5  }
0x56: {  	[tilespmem:v4+s23+$0x0] =	vst.idx.add.f32.msk $0xffff, v1  }
0x57: {  	v4 =	vld [tilespmem:s4+$0x60]  }
0x58: {  	[tilespmem:v3+s23+$0x0] =	vst.idx.add.f32.msk $0xffff, v1  }
0x59: {  	v3 =	vld [tilespmem:s4+$0x480];
	_ =	sdelay $0x5  }
0x5a: {  	[tilespmem:v4+s23+$0x0] =	vst.idx.add.f32.msk $0xffff, v1  }
0x5b: {  	v4 =	vld [tilespmem:s4+$0x70]  }
0x5c: {  	[tilespmem:v3+s23+$0x0] =	vst.idx.add.f32.msk $0xffff, v1  }
0x5d: {  	v3 =	vld [tilespmem:s4+$0x490];
	_ =	sdelay $0x5  }
0x5e: {  	[tilespmem:v4+s23+$0x0] =	vst.idx.add.f32.msk $0xffff, v1  }
0x5f: {  	v4 =	vld [tilespmem:s4+$0x400]  }
0x60: {  	[tilespmem:v3+s23+$0x0] =	vst.idx.add.f32.msk $0xffff, v1  }
0x61: {  	v3 =	vld [tilespmem:s4+$0x4A0];
	_ =	sdelay $0x5  }
0x62: {  	[tilespmem:v4+s23+$0x0] =	vst.idx.add.f32.msk $0xffff, v1  }
0x63: {  	v4 =	vld [tilespmem:s4+$0x410]  }
0x64: {  	[tilespmem:v3+s23+$0x0] =	vst.idx.add.f32.msk $0xffff, v1  }
0x65: {  	v3 =	vld [tilespmem:s4+$0x4B0];
	_ =	sdelay $0x5  }
0x66: {  	[tilespmem:v4+s23+$0x0] =	vst.idx.add.f32.msk $0xffff, v1  }
0x67: {  	v4 =	vld [tilespmem:s4+$0x420]  }
0x68: {  	[tilespmem:v3+s23+$0x0] =	vst.idx.add.f32.msk $0xffff, v1  }
0x69: {  	v3 =	vld [tilespmem:s4+$0x4C0];
	_ =	sdelay $0x5  }
0x6a: {  	[tilespmem:v4+s23+$0x0] =	vst.idx.add.f32.msk $0xffff, v1  }
0x6b: {  	v4 =	vld [tilespmem:s4+$0x430]  }
0x6c: {  	[tilespmem:v3+s23+$0x0] =	vst.idx.add.f32.msk $0xffff, v1  }
0x6d: {  	v3 =	vld [tilespmem:s4+$0x4D0];
	_ =	sdelay $0x5  }
0x6e: {  	[tilespmem:v4+s23+$0x0] =	vst.idx.add.f32.msk $0xffff, v1  }
0x6f: {  	v4 =	vld [tilespmem:s4+$0x440]  }
0x70: {  	s14 =	simm.s32 $0x100;
	s18 =	simm.s32 $0x400;
	[tilespmem:v3+s23+$0x0] =	vst.idx.add.f32.msk $0xffff, v1  }
0x71: {  	s9 =	sand.u32 $0x7000, s18;
	s8 =	sand.u32 $0x300, s14;
	v3 =	vld [tilespmem:s4+$0x4E0]  }
0x72: {  	s17 =	sor.u32 s8, s9  }
0x73: {  	v5 =	vld [tilespmem:s17+$0x80];
	_ =	sdelay $0x1  }
0x74: {  	v6 =	vld [tilespmem:s17+$0x0];
	_ =	sdelay $0x1  }
0x75: {  	[tilespmem:v4+s23+$0x0] =	vst.idx.add.f32.msk $0xffff, v1  }
0x76: {  	v4 =	vld [tilespmem:s4+$0x450]  }
0x77: {  	[tilespmem:v3+s23+$0x0] =	vst.idx.add.f32.msk $0xffff, v1  }
0x78: {  	v3 =	vld [tilespmem:s4+$0x4F0]  }
0x79: {  	[tilespmem:v5+s23+$0x0] =	vst.idx.add.f32.msk $0xffff, v1  }
0x7a: {  	v5 =	vld [tilespmem:s17+$0x90]  }
0x7b: {  	[tilespmem:v6+s23+$0x0] =	vst.idx.add.f32.msk $0xffff, v1  }
0x7c: {  	v6 =	vld [tilespmem:s17+$0x10];
	_ =	sdelay $0x1  }
0x7d: {  	[tilespmem:v4+s23+$0x0] =	vst.idx.add.f32.msk $0xffff, v1  }
0x7e: {  	v4 =	vld [tilespmem:s4+$0x460]  }
0x7f: {  	[tilespmem:v3+s23+$0x0] =	vst.idx.add.f32.msk $0xffff, v1  }
0x80: {  	v3 =	vld [tilespmem:s4+$0x880]  }
0x81: {  	[tilespmem:v5+s23+$0x0] =	vst.idx.add.f32.msk $0xffff, v1  }
0x82: {  	v5 =	vld [tilespmem:s17+$0xA0]  }
0x83: {  	[tilespmem:v6+s23+$0x0] =	vst.idx.add.f32.msk $0xffff, v1  }
0x84: {  	v6 =	vld [tilespmem:s17+$0x20];
	_ =	sdelay $0x1  }
0x85: {  	[tilespmem:v4+s23+$0x0] =	vst.idx.add.f32.msk $0xffff, v1  }
0x86: {  	v4 =	vld [tilespmem:s4+$0x470]  }
0x87: {  	[tilespmem:v3+s23+$0x0] =	vst.idx.add.f32.msk $0xffff, v1  }
0x88: {  	v3 =	vld [tilespmem:s4+$0x890]  }
0x89: {  	[tilespmem:v5+s23+$0x0] =	vst.idx.add.f32.msk $0xffff, v1  }
0x8a: {  	v5 =	vld [tilespmem:s17+$0xB0]  }
0x8b: {  	[tilespmem:v6+s23+$0x0] =	vst.idx.add.f32.msk $0xffff, v1  }
0x8c: {  	v6 =	vld [tilespmem:s17+$0x30];
	_ =	sdelay $0x1  }
0x8d: {  	[tilespmem:v4+s23+$0x0] =	vst.idx.add.f32.msk $0xffff, v1  }
0x8e: {  	v4 =	vld [tilespmem:s4+$0x800]  }
0x8f: {  	[tilespmem:v3+s23+$0x0] =	vst.idx.add.f32.msk $0xffff, v1  }
0x90: {  	v3 =	vld [tilespmem:s4+$0x8A0]  }
0x91: {  	[tilespmem:v5+s23+$0x0] =	vst.idx.add.f32.msk $0xffff, v1  }
0x92: {  	v5 =	vld [tilespmem:s17+$0xC0]  }
0x93: {  	[tilespmem:v6+s23+$0x0] =	vst.idx.add.f32.msk $0xffff, v1  }
0x94: {  	v6 =	vld [tilespmem:s17+$0x40];
	_ =	sdelay $0x1  }
0x95: {  	[tilespmem:v4+s23+$0x0] =	vst.idx.add.f32.msk $0xffff, v1  }
0x96: {  	v4 =	vld [tilespmem:s4+$0x810]  }
0x97: {  	[tilespmem:v3+s23+$0x0] =	vst.idx.add.f32.msk $0xffff, v1  }
0x98: {  	v3 =	vld [tilespmem:s4+$0x8B0]  }
0x99: {  	[tilespmem:v5+s23+$0x0] =	vst.idx.add.f32.msk $0xffff, v1  }
0x9a: {  	v5 =	vld [tilespmem:s17+$0xD0]  }
0x9b: {  	[tilespmem:v6+s23+$0x0] =	vst.idx.add.f32.msk $0xffff, v1  }
0x9c: {  	v6 =	vld [tilespmem:s17+$0x50];
	_ =	sdelay $0x1  }
0x9d: {  	[tilespmem:v4+s23+$0x0] =	vst.idx.add.f32.msk $0xffff, v1  }
0x9e: {  	v4 =	vld [tilespmem:s4+$0x820]  }
0x9f: {  	[tilespmem:v3+s23+$0x0] =	vst.idx.add.f32.msk $0xffff, v1  }
0xa0: {  	v3 =	vld [tilespmem:s4+$0x8C0]  }
0xa1: {  	[tilespmem:v5+s23+$0x0] =	vst.idx.add.f32.msk $0xffff, v1  }
0xa2: {  	v5 =	vld [tilespmem:s17+$0xE0]  }
0xa3: {  	[tilespmem:v6+s23+$0x0] =	vst.idx.add.f32.msk $0xffff, v1  }
0xa4: {  	v6 =	vld [tilespmem:s17+$0x60];
	_ =	sdelay $0x1  }
0xa5: {  	[tilespmem:v4+s23+$0x0] =	vst.idx.add.f32.msk $0xffff, v1  }
0xa6: {  	v4 =	vld [tilespmem:s4+$0x830]  }
0xa7: {  	[tilespmem:v3+s23+$0x0] =	vst.idx.add.f32.msk $0xffff, v1  }
0xa8: {  	v3 =	vld [tilespmem:s4+$0x8D0]  }
0xa9: {  	[tilespmem:v5+s23+$0x0] =	vst.idx.add.f32.msk $0xffff, v1  }
0xaa: {  	v5 =	vld [tilespmem:s17+$0xF0]  }
0xab: {  	[tilespmem:v6+s23+$0x0] =	vst.idx.add.f32.msk $0xffff, v1  }
0xac: {  	v6 =	vld [tilespmem:s17+$0x70];
	_ =	sdelay $0x1  }
0xad: {  	[tilespmem:v4+s23+$0x0] =	vst.idx.add.f32.msk $0xffff, v1  }
0xae: {  	v4 =	vld [tilespmem:s4+$0x840]  }
0xaf: {  	[tilespmem:v3+s23+$0x0] =	vst.idx.add.f32.msk $0xffff, v1  }
0xb0: {  	v3 =	vld [tilespmem:s4+$0x8E0]  }
0xb1: {  	[tilespmem:v5+s23+$0x0] =	vst.idx.add.f32.msk $0xffff, v1  }
0xb2: {  	v5 =	vld [tilespmem:s17+$0x480]  }
0xb3: {  	[tilespmem:v6+s23+$0x0] =	vst.idx.add.f32.msk $0xffff, v1  }
0xb4: {  	v6 =	vld [tilespmem:s17+$0x400];
	_ =	sdelay $0x1  }
0xb5: {  	[tilespmem:v4+s23+$0x0] =	vst.idx.add.f32.msk $0xffff, v1  }
0xb6: {  	v4 =	vld [tilespmem:s4+$0x850]  }
0xb7: {  	[tilespmem:v3+s23+$0x0] =	vst.idx.add.f32.msk $0xffff, v1  }
0xb8: {  	v3 =	vld [tilespmem:s4+$0x8F0]  }
0xb9: {  	[tilespmem:v5+s23+$0x0] =	vst.idx.add.f32.msk $0xffff, v1  }
0xba: {  	v5 =	vld [tilespmem:s17+$0x490]  }
0xbb: {  	[tilespmem:v6+s23+$0x0] =	vst.idx.add.f32.msk $0xffff, v1  }
0xbc: {  	s15 =	sand.u32 $0x3, s0;
	v6 =	vld [tilespmem:s17+$0x410]  }
0xbd: {  	s8 =	sshll.u32 s15, $0x8  }
0xbe: {  	s8 =	sadd.s32 $0x0, s8;
	[tilespmem:v4+s23+$0x0] =	vst.idx.add.f32.msk $0xffff, v1  }
0xbf: {  	s19 =	sadd.s32 $0x80, s8;
	v4 =	vld [tilespmem:s4+$0x860]  }
0xc0: {  	s16 =	sor.u32 $0xC00, s19;
	[tilespmem:v3+s23+$0x0] =	vst.idx.add.f32.msk $0xffff, v1  }
0xc1: {  	v3 =	vld [tilespmem:s16+$0x0]  }
0xc2: {  	[tilespmem:v5+s23+$0x0] =	vst.idx.add.f32.msk $0xffff, v1  }
0xc3: {  	v5 =	vld [tilespmem:s17+$0x4A0]  }
0xc4: {  	[tilespmem:v6+s23+$0x0] =	vst.idx.add.f32.msk $0xffff, v1  }
0xc5: {  	v6 =	vld [tilespmem:s17+$0x420];
	_ =	sdelay $0x1  }
0xc6: {  	[tilespmem:v4+s23+$0x0] =	vst.idx.add.f32.msk $0xffff, v1  }
0xc7: {  	v4 =	vld [tilespmem:s4+$0x870]  }
0xc8: {  	s20 =	sor.u32 $0xC10, s19;
	[tilespmem:v3+s23+$0x0] =	vst.idx.add.f32.msk $0xffff, v1  }
0xc9: {  	v3 =	vld [tilespmem:s20+$0x0]  }
0xca: {  	[tilespmem:v5+s23+$0x0] =	vst.idx.add.f32.msk $0xffff, v1  }
0xcb: {  	v5 =	vld [tilespmem:s17+$0x4B0]  }
0xcc: {  	[tilespmem:v6+s23+$0x0] =	vst.idx.add.f32.msk $0xffff, v1  }
0xcd: {  	v6 =	vld [tilespmem:s17+$0x430];
	_ =	sdelay $0x1  }
0xce: {  	s25 =	sor.u32 $0xC00, s8;
	[tilespmem:v4+s23+$0x0] =	vst.idx.add.f32.msk $0xffff, v1  }
0xcf: {  	v4 =	vld [tilespmem:s25+$0x0]  }
0xd0: {  	s26 =	sor.u32 $0xC20, s19;
	[tilespmem:v3+s23+$0x0] =	vst.idx.add.f32.msk $0xffff, v1  }
0xd1: {  	v3 =	vld [tilespmem:s26+$0x0]  }
0xd2: {  	[tilespmem:v5+s23+$0x0] =	vst.idx.add.f32.msk $0xffff, v1  }
0xd3: {  	v5 =	vld [tilespmem:s17+$0x4C0]  }
0xd4: {  	[tilespmem:v6+s23+$0x0] =	vst.idx.add.f32.msk $0xffff, v1  }
0xd5: {  	v6 =	vld [tilespmem:s17+$0x440];
	_ =	sdelay $0x1  }
0xd6: {  	s28 =	sor.u32 $0xC10, s8;
	[tilespmem:v4+s23+$0x0] =	vst.idx.add.f32.msk $0xffff, v1  }
0xd7: {  	v4 =	vld [tilespmem:s28+$0x0]  }
0xd8: {  	s30 =	sor.u32 $0xC30, s19;
	[tilespmem:v3+s23+$0x0] =	vst.idx.add.f32.msk $0xffff, v1  }
0xd9: {  	v3 =	vld [tilespmem:s30+$0x0]  }
0xda: {  	[tilespmem:v5+s23+$0x0] =	vst.idx.add.f32.msk $0xffff, v1  }
0xdb: {  	v7 =	vld [tilespmem:s17+$0x4D0]  }
0xdc: {  	[tilespmem:v6+s23+$0x0] =	vst.idx.add.f32.msk $0xffff, v1  }
0xdd: {  	v5 =	vld [tilespmem:s17+$0x450];
	_ =	sdelay $0x1  }
0xde: {  	s31 =	sor.u32 $0xC20, s8;
	[tilespmem:v4+s23+$0x0] =	vst.idx.add.f32.msk $0xffff, v1  }
0xdf: {  	s15 =	simm.s32 $0x2;
	v4 =	vld [tilespmem:s31+$0x0]  }
0xe0: {  	s11 =	sor.u32 $0xC30, s8;
	s12 =	sor.u32 $0xC50, s8;
	s13 =	sor.u32 $0xC40, s19;
	[tilespmem:v3+s23+$0x0] =	vst.idx.add.f32.msk $0xffff, v1  }
0xe1: {  	s9 =	sor.u32 $0xC60, s8;
	s4 =	sor.u32 $0xC70, s8;
	s16 =	sor.u32 $0xC40, s8;
	v3 =	vld [tilespmem:s13+$0x0]  }
0xe2: {  	[tilespmem:v7+s23+$0x0] =	vst.idx.add.f32.msk $0xffff, v1;
	s8 =	simm.s32 $0x800;
	s20 =	simm.s32 $0x200;
	s13 =	simm.s32 $0x0  }
.LBB2_5:
0xe3: {  	s14 =	sand.u32 $0x7000, s8;
	s28 =	sand.u32 $0x300, s20;
	s15 =	sadd.s32 $0x2, s15;
	v6 =	vld [tilespmem:s17+$0x4E0]  }
0xe4: {  	s14 =	sor.u32 s28, s14;
	p1 =	slt.u32 s15, $0x3E;
	[tilespmem:v5+s23+$0x0] =	vst.idx.add.f32.msk $0xffff, v1  }
0xe5: {  	v5 =	vld [tilespmem:s14+$0x80]  }
0xe6: {  	v7 =	vld [tilespmem:s14+$0x0]  }
0xe7: {  	v8 =	vld [tilespmem:s17+$0x460]  }
0xe8: {  	[tilespmem:v4+s23+$0x0] =	vst.idx.add.f32.msk $0xffff, v1  }
0xe9: {  	s28 =	sor.u32 $0xC50, s19;
	[tilespmem:v3+s23+$0x0] =	vst.idx.add.f32.msk $0xffff, v1  }
0xea: {  	v3 =	vld [tilespmem:s28+$0x0]  }
0xeb: {  	[tilespmem:v6+s23+$0x0] =	vst.idx.add.f32.msk $0xffff, v1  }
0xec: {  	v4 =	vld [tilespmem:s17+$0x4F0]  }
0xed: {  	[tilespmem:v5+s23+$0x0] =	vst.idx.add.f32.msk $0xffff, v1  }
0xee: {  	v5 =	vld [tilespmem:s14+$0x90]  }
0xef: {  	[tilespmem:v7+s23+$0x0] =	vst.idx.add.f32.msk $0xffff, v1  }
0xf0: {  	v6 =	vld [tilespmem:s14+$0x10]  }
0xf1: {  	[tilespmem:v8+s23+$0x0] =	vst.idx.add.f32.msk $0xffff, v1  }
0xf2: {  	s28 =	sor.u32 $0xC60, s19;
	[tilespmem:v3+s23+$0x0] =	vst.idx.add.f32.msk $0xffff, v1  }
0xf3: {  	v3 =	vld [tilespmem:s28+$0x0]  }
0xf4: {  	[tilespmem:v4+s23+$0x0] =	vst.idx.add.f32.msk $0xffff, v1  }
0xf5: {  	v4 =	vld [tilespmem:s17+$0x880]  }
0xf6: {  	[tilespmem:v5+s23+$0x0] =	vst.idx.add.f32.msk $0xffff, v1  }
0xf7: {  	v5 =	vld [tilespmem:s14+$0xA0]  }
0xf8: {  	[tilespmem:v6+s23+$0x0] =	vst.idx.add.f32.msk $0xffff, v1  }
0xf9: {  	v6 =	vld [tilespmem:s14+$0x20]  }
0xfa: {  	v7 =	vld [tilespmem:s17+$0x470]  }
0xfb: {  	s19 =	sor.u32 $0xC70, s19;
	[tilespmem:v3+s23+$0x0] =	vst.idx.add.f32.msk $0xffff, v1  }
0xfc: {  	v3 =	vld [tilespmem:s19+$0x0]  }
0xfd: {  	[tilespmem:v4+s23+$0x0] =	vst.idx.add.f32.msk $0xffff, v1  }
0xfe: {  	v4 =	vld [tilespmem:s17+$0x890]  }
0xff: {  	[tilespmem:v5+s23+$0x0] =	vst.idx.add.f32.msk $0xffff, v1  }
0x100: {  	v5 =	vld [tilespmem:s14+$0xB0]  }
0x101: {  	[tilespmem:v6+s23+$0x0] =	vst.idx.add.f32.msk $0xffff, v1  }
0x102: {  	v6 =	vld [tilespmem:s14+$0x30]  }
0x103: {  	[tilespmem:v7+s23+$0x0] =	vst.idx.add.f32.msk $0xffff, v1  }
0x104: {  	[tilespmem:v3+s23+$0x0] =	vst.idx.add.f32.msk $0xffff, v1  }
0x105: {  	v3 =	vld [tilespmem:s17+$0x800]  }
0x106: {  	[tilespmem:v4+s23+$0x0] =	vst.idx.add.f32.msk $0xffff, v1  }
0x107: {  	v4 =	vld [tilespmem:s17+$0x8A0]  }
0x108: {  	[tilespmem:v5+s23+$0x0] =	vst.idx.add.f32.msk $0xffff, v1  }
0x109: {  	v5 =	vld [tilespmem:s14+$0xC0]  }
0x10a: {  	[tilespmem:v6+s23+$0x0] =	vst.idx.add.f32.msk $0xffff, v1  }
0x10b: {  	v6 =	vld [tilespmem:s14+$0x40]  }
0x10c: {  	v7 =	vld [tilespmem:s11+$0x0]  }
0x10d: {  	[tilespmem:v3+s23+$0x0] =	vst.idx.add.f32.msk $0xffff, v1  }
0x10e: {  	v3 =	vld [tilespmem:s17+$0x810]  }
0x10f: {  	[tilespmem:v4+s23+$0x0] =	vst.idx.add.f32.msk $0xffff, v1  }
0x110: {  	v4 =	vld [tilespmem:s17+$0x8B0]  }
0x111: {  	[tilespmem:v5+s23+$0x0] =	vst.idx.add.f32.msk $0xffff, v1  }
0x112: {  	v5 =	vld [tilespmem:s14+$0xD0]  }
0x113: {  	[tilespmem:v6+s23+$0x0] =	vst.idx.add.f32.msk $0xffff, v1  }
0x114: {  	v6 =	vld [tilespmem:s14+$0x50]  }
0x115: {  	[tilespmem:v7+s23+$0x0] =	vst.idx.add.f32.msk $0xffff, v1  }
0x116: {  	[tilespmem:v3+s23+$0x0] =	vst.idx.add.f32.msk $0xffff, v1  }
0x117: {  	v3 =	vld [tilespmem:s17+$0x820]  }
0x118: {  	[tilespmem:v4+s23+$0x0] =	vst.idx.add.f32.msk $0xffff, v1  }
0x119: {  	v4 =	vld [tilespmem:s17+$0x8C0]  }
0x11a: {  	[tilespmem:v5+s23+$0x0] =	vst.idx.add.f32.msk $0xffff, v1  }
0x11b: {  	v5 =	vld [tilespmem:s14+$0xE0]  }
0x11c: {  	[tilespmem:v6+s23+$0x0] =	vst.idx.add.f32.msk $0xffff, v1  }
0x11d: {  	v6 =	vld [tilespmem:s14+$0x60]  }
0x11e: {  	v7 =	vld [tilespmem:s16+$0x0]  }
0x11f: {  	[tilespmem:v3+s23+$0x0] =	vst.idx.add.f32.msk $0xffff, v1  }
0x120: {  	v3 =	vld [tilespmem:s17+$0x830]  }
0x121: {  	[tilespmem:v4+s23+$0x0] =	vst.idx.add.f32.msk $0xffff, v1  }
0x122: {  	v4 =	vld [tilespmem:s17+$0x8D0]  }
0x123: {  	[tilespmem:v5+s23+$0x0] =	vst.idx.add.f32.msk $0xffff, v1  }
0x124: {  	v5 =	vld [tilespmem:s14+$0xF0]  }
0x125: {  	[tilespmem:v6+s23+$0x0] =	vst.idx.add.f32.msk $0xffff, v1  }
0x126: {  	v6 =	vld [tilespmem:s14+$0x70]  }
0x127: {  	[tilespmem:v7+s23+$0x0] =	vst.idx.add.f32.msk $0xffff, v1  }
0x128: {  	[tilespmem:v3+s23+$0x0] =	vst.idx.add.f32.msk $0xffff, v1  }
0x129: {  	v3 =	vld [tilespmem:s17+$0x840]  }
0x12a: {  	[tilespmem:v4+s23+$0x0] =	vst.idx.add.f32.msk $0xffff, v1  }
0x12b: {  	v4 =	vld [tilespmem:s17+$0x8E0]  }
0x12c: {  	[tilespmem:v5+s23+$0x0] =	vst.idx.add.f32.msk $0xffff, v1  }
0x12d: {  	v5 =	vld [tilespmem:s14+$0x480]  }
0x12e: {  	[tilespmem:v6+s23+$0x0] =	vst.idx.add.f32.msk $0xffff, v1  }
0x12f: {  	v6 =	vld [tilespmem:s14+$0x400]  }
0x130: {  	v7 =	vld [tilespmem:s12+$0x0]  }
0x131: {  	[tilespmem:v3+s23+$0x0] =	vst.idx.add.f32.msk $0xffff, v1  }
0x132: {  	v3 =	vld [tilespmem:s17+$0x850]  }
0x133: {  	[tilespmem:v4+s23+$0x0] =	vst.idx.add.f32.msk $0xffff, v1  }
0x134: {  	v4 =	vld [tilespmem:s17+$0x8F0]  }
0x135: {  	[tilespmem:v5+s23+$0x0] =	vst.idx.add.f32.msk $0xffff, v1  }
0x136: {  	v5 =	vld [tilespmem:s14+$0x490]  }
0x137: {  	s13 =	sadd.s32 $0x1, s13;
	[tilespmem:v6+s23+$0x0] =	vst.idx.add.f32.msk $0xffff, v1  }
0x138: {  	s11 =	sand.u32 $0x3, s13;
	v6 =	vld [tilespmem:s14+$0x410]  }
0x139: {  	s11 =	sshll.u32 s11, $0x8;
	[tilespmem:v7+s23+$0x0] =	vst.idx.add.f32.msk $0xffff, v1  }
0x13a: {  	s31 =	sadd.s32 s11, s18;
	s18 =	smov.u32 s8;
	[tilespmem:v3+s23+$0x0] =	vst.idx.add.f32.msk $0xffff, v1  }
0x13b: {  	s1 =	sor.u32 $0xC00, s31;
	s30 =	sor.u32 $0xC10, s31;
	s19 =	sadd.s32 $0x80, s31;
	v3 =	vld [tilespmem:s17+$0x860]  }
0x13c: {  	s28 =	sor.u32 $0xC20, s31;
	s11 =	sor.u32 $0xC30, s31;
	s3 =	sor.u32 $0xC00, s19;
	[tilespmem:v4+s23+$0x0] =	vst.idx.add.f32.msk $0xffff, v1  }
0x13d: {  	s25 =	sor.u32 $0xC60, s31;
	s16 =	sor.u32 $0xC40, s31;
	s12 =	sor.u32 $0xC50, s31;
	v4 =	vld [tilespmem:s3+$0x0]  }
0x13e: {  	s3 =	sor.u32 $0xC70, s31;
	[tilespmem:v5+s23+$0x0] =	vst.idx.add.f32.msk $0xffff, v1  }
0x13f: {  	v5 =	vld [tilespmem:s14+$0x4A0]  }
0x140: {  	[tilespmem:v6+s23+$0x0] =	vst.idx.add.f32.msk $0xffff, v1  }
0x141: {  	v6 =	vld [tilespmem:s14+$0x420]  }
0x142: {  	v7 =	vld [tilespmem:s9+$0x0];
	s9 =	smov.u32 s25  }
0x143: {  	[tilespmem:v3+s23+$0x0] =	vst.idx.add.f32.msk $0xffff, v1  }
0x144: {  	v3 =	vld [tilespmem:s17+$0x870];
	s17 =	smov.u32 s14  }
0x145: {  	s14 =	sor.u32 $0xC10, s19;
	[tilespmem:v4+s23+$0x0] =	vst.idx.add.f32.msk $0xffff, v1  }
0x146: {  	v4 =	vld [tilespmem:s14+$0x0]  }
0x147: {  	[tilespmem:v5+s23+$0x0] =	vst.idx.add.f32.msk $0xffff, v1  }
0x148: {  	v5 =	vld [tilespmem:s17+$0x4B0]  }
0x149: {  	[tilespmem:v6+s23+$0x0] =	vst.idx.add.f32.msk $0xffff, v1  }
0x14a: {  	v6 =	vld [tilespmem:s17+$0x430]  }
0x14b: {  	[tilespmem:v7+s23+$0x0] =	vst.idx.add.f32.msk $0xffff, v1  }
0x14c: {  	[tilespmem:v3+s23+$0x0] =	vst.idx.add.f32.msk $0xffff, v1  }
0x14d: {  	v3 =	vld [tilespmem:s1+$0x0]  }
0x14e: {  	s1 =	sor.u32 $0xC20, s19;
	[tilespmem:v4+s23+$0x0] =	vst.idx.add.f32.msk $0xffff, v1  }
0x14f: {  	v4 =	vld [tilespmem:s1+$0x0]  }
0x150: {  	[tilespmem:v5+s23+$0x0] =	vst.idx.add.f32.msk $0xffff, v1  }
0x151: {  	v5 =	vld [tilespmem:s17+$0x4C0]  }
0x152: {  	[tilespmem:v6+s23+$0x0] =	vst.idx.add.f32.msk $0xffff, v1  }
0x153: {  	v6 =	vld [tilespmem:s17+$0x440]  }
0x154: {  	v7 =	vld [tilespmem:s4+$0x0];
	s4 =	smov.u32 s3  }
0x155: {  	[tilespmem:v3+s23+$0x0] =	vst.idx.add.f32.msk $0xffff, v1  }
0x156: {  	v3 =	vld [tilespmem:s30+$0x0]  }
0x157: {  	s1 =	sor.u32 $0xC30, s19;
	[tilespmem:v4+s23+$0x0] =	vst.idx.add.f32.msk $0xffff, v1  }
0x158: {  	v8 =	vld [tilespmem:s1+$0x0]  }
0x159: {  	[tilespmem:v5+s23+$0x0] =	vst.idx.add.f32.msk $0xffff, v1  }
0x15a: {  	v9 =	vld [tilespmem:s17+$0x4D0]  }
0x15b: {  	[tilespmem:v6+s23+$0x0] =	vst.idx.add.f32.msk $0xffff, v1  }
0x15c: {  	v5 =	vld [tilespmem:s17+$0x450]  }
0x15d: {  	[tilespmem:v7+s23+$0x0] =	vst.idx.add.f32.msk $0xffff, v1  }
.Ltmp5:
0x15e: {  	[tilespmem:v3+s23+$0x0] =	vst.idx.add.f32.msk $0xffff, v1;
	(pc) =	sbr.rel @p1 .LBB2_5-.Ltmp5, $4  }
0x15f: {  	v4 =	vld [tilespmem:s28+$0x0]  }
0x160: {  	s1 =	sor.u32 $0xC40, s19;
	[tilespmem:v8+s23+$0x0] =	vst.idx.add.f32.msk $0xffff, v1  }
0x161: {  	v3 =	vld [tilespmem:s1+$0x0]  }
0x162: {  	s20 =	sadd.s32 $0x100, s20;
	s8 =	sadd.s32 $0x400, s8;
	[tilespmem:v9+s23+$0x0] =	vst.idx.add.f32.msk $0xffff, v1  }
0x163: {  	_ =	sdelay $0x2  }
0x164: {  	v6 =	vld [tilespmem:s17+$0x4E0]  }
0x165: {  	[tilespmem:v5+s23+$0x0] =	vst.idx.add.f32.msk $0xffff, v1  }
0x166: {  	v5 =	vld [tilespmem:s17+$0x460];
	_ =	sdelay $0x5  }
0x167: {  	[tilespmem:v6+s23+$0x0] =	vst.idx.add.f32.msk $0xffff, v1  }
0x168: {  	v6 =	vld [tilespmem:s17+$0x4F0]  }
0x169: {  	[tilespmem:v5+s23+$0x0] =	vst.idx.add.f32.msk $0xffff, v1  }
0x16a: {  	v5 =	vld [tilespmem:s17+$0x470];
	_ =	sdelay $0x5  }
0x16b: {  	[tilespmem:v6+s23+$0x0] =	vst.idx.add.f32.msk $0xffff, v1  }
0x16c: {  	v6 =	vld [tilespmem:s17+$0x880]  }
0x16d: {  	[tilespmem:v5+s23+$0x0] =	vst.idx.add.f32.msk $0xffff, v1  }
0x16e: {  	v5 =	vld [tilespmem:s17+$0x800];
	_ =	sdelay $0x5  }
0x16f: {  	[tilespmem:v6+s23+$0x0] =	vst.idx.add.f32.msk $0xffff, v1  }
0x170: {  	v6 =	vld [tilespmem:s17+$0x890]  }
0x171: {  	[tilespmem:v5+s23+$0x0] =	vst.idx.add.f32.msk $0xffff, v1  }
0x172: {  	v5 =	vld [tilespmem:s17+$0x810];
	_ =	sdelay $0x5  }
0x173: {  	[tilespmem:v6+s23+$0x0] =	vst.idx.add.f32.msk $0xffff, v1  }
0x174: {  	v6 =	vld [tilespmem:s17+$0x8A0]  }
0x175: {  	[tilespmem:v5+s23+$0x0] =	vst.idx.add.f32.msk $0xffff, v1  }
0x176: {  	v5 =	vld [tilespmem:s17+$0x820];
	_ =	sdelay $0x5  }
0x177: {  	[tilespmem:v6+s23+$0x0] =	vst.idx.add.f32.msk $0xffff, v1  }
0x178: {  	v6 =	vld [tilespmem:s17+$0x8B0]  }
0x179: {  	[tilespmem:v5+s23+$0x0] =	vst.idx.add.f32.msk $0xffff, v1  }
0x17a: {  	v5 =	vld [tilespmem:s17+$0x830];
	_ =	sdelay $0x5  }
0x17b: {  	[tilespmem:v6+s23+$0x0] =	vst.idx.add.f32.msk $0xffff, v1  }
0x17c: {  	v6 =	vld [tilespmem:s17+$0x8C0]  }
0x17d: {  	[tilespmem:v5+s23+$0x0] =	vst.idx.add.f32.msk $0xffff, v1  }
0x17e: {  	v5 =	vld [tilespmem:s17+$0x840];
	_ =	sdelay $0x5  }
0x17f: {  	[tilespmem:v6+s23+$0x0] =	vst.idx.add.f32.msk $0xffff, v1  }
0x180: {  	v6 =	vld [tilespmem:s17+$0x8D0]  }
0x181: {  	[tilespmem:v5+s23+$0x0] =	vst.idx.add.f32.msk $0xffff, v1  }
0x182: {  	v5 =	vld [tilespmem:s17+$0x850];
	_ =	sdelay $0x5  }
0x183: {  	[tilespmem:v6+s23+$0x0] =	vst.idx.add.f32.msk $0xffff, v1  }
0x184: {  	v6 =	vld [tilespmem:s17+$0x8E0]  }
0x185: {  	[tilespmem:v5+s23+$0x0] =	vst.idx.add.f32.msk $0xffff, v1  }
0x186: {  	v5 =	vld [tilespmem:s17+$0x860];
	_ =	sdelay $0x5  }
0x187: {  	[tilespmem:v6+s23+$0x0] =	vst.idx.add.f32.msk $0xffff, v1  }
0x188: {  	v6 =	vld [tilespmem:s17+$0x8F0]  }
0x189: {  	[tilespmem:v5+s23+$0x0] =	vst.idx.add.f32.msk $0xffff, v1  }
0x18a: {  	v5 =	vld [tilespmem:s17+$0x870]  }
0x18b: {  	s1 =	sadd.s32 $0x1, s13  }
0x18c: {  	s1 =	sand.u32 $0x3, s1  }
0x18d: {  	s1 =	sshll.u32 s1, $0x8  }
0x18e: {  	s8 =	sadd.s32 s1, s18  }
0x18f: {  	s13 =	sadd.s32 $0x80, s8  }
0x190: {  	s20 =	sor.u32 $0xC00, s13;
	[tilespmem:v6+s23+$0x0] =	vst.idx.add.f32.msk $0xffff, v1  }
0x191: {  	v6 =	vld [tilespmem:s20+$0x0]  }
0x192: {  	s25 =	sor.u32 $0xC00, s8;
	[tilespmem:v5+s23+$0x0] =	vst.idx.add.f32.msk $0xffff, v1  }
0x193: {  	v5 =	vld [tilespmem:s25+$0x0];
	_ =	sdelay $0x5  }
0x194: {  	s26 =	sor.u32 $0xC10, s13;
	[tilespmem:v6+s23+$0x0] =	vst.idx.add.f32.msk $0xffff, v1  }
0x195: {  	v6 =	vld [tilespmem:s26+$0x0]  }
0x196: {  	s28 =	sor.u32 $0xC10, s8;
	[tilespmem:v5+s23+$0x0] =	vst.idx.add.f32.msk $0xffff, v1  }
0x197: {  	v5 =	vld [tilespmem:s28+$0x0];
	_ =	sdelay $0x5  }
0x198: {  	s30 =	sor.u32 $0xC20, s13;
	[tilespmem:v6+s23+$0x0] =	vst.idx.add.f32.msk $0xffff, v1  }
0x199: {  	v6 =	vld [tilespmem:s30+$0x0]  }
0x19a: {  	s31 =	sor.u32 $0xC20, s8;
	[tilespmem:v5+s23+$0x0] =	vst.idx.add.f32.msk $0xffff, v1  }
0x19b: {  	v5 =	vld [tilespmem:s31+$0x0];
	_ =	sdelay $0x1  }
0x19c: {  	[tilespmem:v4+s23+$0x0] =	vst.idx.add.f32.msk $0xffff, v1  }
0x19d: {  	v4 =	vld [tilespmem:s11+$0x0];
	_ =	sdelay $0x2  }
0x19e: {  	s3 =	sor.u32 $0xC30, s13;
	[tilespmem:v6+s23+$0x0] =	vst.idx.add.f32.msk $0xffff, v1  }
0x19f: {  	v6 =	vld [tilespmem:s3+$0x0]  }
0x1a0: {  	s11 =	sor.u32 $0xC30, s8;
	[tilespmem:v5+s23+$0x0] =	vst.idx.add.f32.msk $0xffff, v1  }
0x1a1: {  	v5 =	vld [tilespmem:s11+$0x0];
	_ =	sdelay $0x1  }
0x1a2: {  	[tilespmem:v4+s23+$0x0] =	vst.idx.add.f32.msk $0xffff, v1  }
0x1a3: {  	v4 =	vld [tilespmem:s16+$0x0];
	_ =	sdelay $0x2  }
0x1a4: {  	s14 =	sor.u32 $0xC40, s13;
	[tilespmem:v6+s23+$0x0] =	vst.idx.add.f32.msk $0xffff, v1  }
0x1a5: {  	v6 =	vld [tilespmem:s14+$0x0]  }
0x1a6: {  	s15 =	sor.u32 $0xC40, s8;
	[tilespmem:v5+s23+$0x0] =	vst.idx.add.f32.msk $0xffff, v1  }
0x1a7: {  	v5 =	vld [tilespmem:s15+$0x0];
	_ =	sdelay $0x1  }
0x1a8: {  	[tilespmem:v4+s23+$0x0] =	vst.idx.add.f32.msk $0xffff, v1  }
0x1a9: {  	v4 =	vld [tilespmem:s12+$0x0]  }
0x1aa: {  	[tilespmem:v3+s23+$0x0] =	vst.idx.add.f32.msk $0xffff, v1;
	s16 =	sor.u32 $0xC50, s19  }
0x1ab: {  	v3 =	vld [tilespmem:s16+$0x0]  }
0x1ac: {  	s17 =	sor.u32 $0xC50, s13;
	[tilespmem:v6+s23+$0x0] =	vst.idx.add.f32.msk $0xffff, v1  }
0x1ad: {  	v6 =	vld [tilespmem:s17+$0x0]  }
0x1ae: {  	s18 =	sor.u32 $0xC50, s8;
	[tilespmem:v5+s23+$0x0] =	vst.idx.add.f32.msk $0xffff, v1  }
0x1af: {  	v5 =	vld [tilespmem:s18+$0x0];
	_ =	sdelay $0x1  }
0x1b0: {  	[tilespmem:v4+s23+$0x0] =	vst.idx.add.f32.msk $0xffff, v1  }
0x1b1: {  	v4 =	vld [tilespmem:s9+$0x0]  }
0x1b2: {  	[tilespmem:v3+s23+$0x0] =	vst.idx.add.f32.msk $0xffff, v1;
	s20 =	sor.u32 $0xC60, s19  }
0x1b3: {  	v3 =	vld [tilespmem:s20+$0x0]  }
0x1b4: {  	s25 =	sor.u32 $0xC60, s13;
	[tilespmem:v6+s23+$0x0] =	vst.idx.add.f32.msk $0xffff, v1  }
0x1b5: {  	v6 =	vld [tilespmem:s25+$0x0]  }
0x1b6: {  	s26 =	sor.u32 $0xC60, s8;
	[tilespmem:v5+s23+$0x0] =	vst.idx.add.f32.msk $0xffff, v1  }
0x1b7: {  	v5 =	vld [tilespmem:s26+$0x0];
	_ =	sdelay $0x1  }
0x1b8: {  	[tilespmem:v4+s23+$0x0] =	vst.idx.add.f32.msk $0xffff, v1  }
0x1b9: {  	v4 =	vld [tilespmem:s4+$0x0]  }
0x1ba: {  	[tilespmem:v3+s23+$0x0] =	vst.idx.add.f32.msk $0xffff, v1;
	s28 =	sor.u32 $0xC70, s19  }
0x1bb: {  	v3 =	vld [tilespmem:s28+$0x0]  }
0x1bc: {  	s30 =	sor.u32 $0xC70, s13;
	[tilespmem:v6+s23+$0x0] =	vst.idx.add.f32.msk $0xffff, v1  }
0x1bd: {  	s18 =	sshll.u32 s21, $0x1;
	v6 =	vld [tilespmem:s30+$0x0]  }
0x1be: {  	s31 =	sor.u32 $0xC70, s8;
	s3 =	sadd.s32 $0x2, s18;
	[tilespmem:v5+s23+$0x0] =	vst.idx.add.f32.msk $0xffff, v1  }
0x1bf: {  	p1 =	sge.u32 s3, s7;
	v5 =	vld [tilespmem:s31+$0x0]  }
0x1c0: {  	s1 =	sshrl.u32 @!p1 s3, $0x2  }
0x1c1: {  	s1 =	sadd.s32 @!p1 s5, s1  }
0x1c2: {  	s3 =	sshll.u32 @!p1 s3, $0xF;
	s4 =	sshrl.u32 @!p1 s1, $0x1;
	s1 =	sshll.u32 @!p1 s1, $0x11  }
0x1c3: {  	s3 =	sand.u32 @!p1 $0x10000, s3;
	s4 =	sadd.s32 @!p1 s6, s4;
	s1 =	sand.u32 @!p1 $0x20000, s1  }
0x1c4: {  	[tilespmem:v4+s23+$0x0] =	vst.idx.add.f32.msk $0xffff, v1;
	s4 =	sshll.u32 @!p1 s4, $0x12;
	s1 =	sor.u32 @!p1 s1, s3  }
0x1c5: {  	[tilespmem:v3+s23+$0x0] =	vst.idx.add.f32.msk $0xffff, v1;
	s1 =	sor.u32 @!p1 s1, s4  }
0x1c6: {  	s1 =	sshrl.u32 @!p1 s1, $0x3;
	[tilespmem:v6+s23+$0x0] =	vst.idx.add.f32.msk $0xffff, v1  }
0x1c7: {  	s3 =	simm.s32 @!p1 $0x0;
	s1 =	sadd.s32 @!p1 s2, s1;
	[tilespmem:v5+s23+$0x0] =	vst.idx.add.f32.msk $0xffff, v1  }
0x1c8: {  	[tilespmem:s3], [sflag:$0x1] =	stream.linear.gather @!p1 [hbm4b:s1+s3], $0x8000, $0x38;
	[tilespmem:$0x18080] =	vst v63  }
0x1c9: {  	s19 =	simm.s32 $0x0;
	_ =	swait.ge [sflag:s24], $0x8000  }
0x1ca: {  	s8 =	sand.u32 $0x300, s19;
	s4 =	sand.u32 $0x7000, s19;
	[sflag:s24] =	ssyncset.done $0x0  }
0x1cb: {  	s9 =	sor.u32 s8, s4;
	[sflag:s24] =	ssyncadd.s32 $0xFFFF8000  }
0x1cc: {  	v3 =	vld [tilespmem:s9+$0x8080];
	_ =	sdelay $0x7  }
0x1cd: {  	[tilespmem:v3+s23+$0x0] =	vst.idx.add.f32.msk $0xffff, v1  }
0x1ce: {  	v3 =	vld [tilespmem:s9+$0x8090];
	_ =	sdelay $0x6  }
0x1cf: {  	v4 =	vld [tilespmem:s9+$0x8000]  }
0x1d0: {  	[tilespmem:v3+s23+$0x0] =	vst.idx.add.f32.msk $0xffff, v1  }
0x1d1: {  	v3 =	vld [tilespmem:s9+$0x80A0];
	_ =	sdelay $0x5  }
0x1d2: {  	[tilespmem:v4+s23+$0x0] =	vst.idx.add.f32.msk $0xffff, v1  }
0x1d3: {  	v4 =	vld [tilespmem:s9+$0x8010]  }
0x1d4: {  	[tilespmem:v3+s23+$0x0] =	vst.idx.add.f32.msk $0xffff, v1  }
0x1d5: {  	v3 =	vld [tilespmem:s9+$0x80B0];
	_ =	sdelay $0x5  }
0x1d6: {  	[tilespmem:v4+s23+$0x0] =	vst.idx.add.f32.msk $0xffff, v1  }
0x1d7: {  	v4 =	vld [tilespmem:s9+$0x8020]  }
0x1d8: {  	[tilespmem:v3+s23+$0x0] =	vst.idx.add.f32.msk $0xffff, v1  }
0x1d9: {  	v3 =	vld [tilespmem:s9+$0x80C0];
	_ =	sdelay $0x5  }
0x1da: {  	[tilespmem:v4+s23+$0x0] =	vst.idx.add.f32.msk $0xffff, v1  }
0x1db: {  	v4 =	vld [tilespmem:s9+$0x8030]  }
0x1dc: {  	[tilespmem:v3+s23+$0x0] =	vst.idx.add.f32.msk $0xffff, v1  }
0x1dd: {  	v3 =	vld [tilespmem:s9+$0x80D0];
	_ =	sdelay $0x5  }
0x1de: {  	[tilespmem:v4+s23+$0x0] =	vst.idx.add.f32.msk $0xffff, v1  }
0x1df: {  	v4 =	vld [tilespmem:s9+$0x8040]  }
0x1e0: {  	[tilespmem:v3+s23+$0x0] =	vst.idx.add.f32.msk $0xffff, v1  }
0x1e1: {  	v3 =	vld [tilespmem:s9+$0x80E0];
	_ =	sdelay $0x5  }
0x1e2: {  	[tilespmem:v4+s23+$0x0] =	vst.idx.add.f32.msk $0xffff, v1  }
0x1e3: {  	v4 =	vld [tilespmem:s9+$0x8050]  }
0x1e4: {  	[tilespmem:v3+s23+$0x0] =	vst.idx.add.f32.msk $0xffff, v1  }
0x1e5: {  	v3 =	vld [tilespmem:s9+$0x80F0];
	_ =	sdelay $0x5  }
0x1e6: {  	[tilespmem:v4+s23+$0x0] =	vst.idx.add.f32.msk $0xffff, v1  }
0x1e7: {  	v4 =	vld [tilespmem:s9+$0x8060]  }
0x1e8: {  	[tilespmem:v3+s23+$0x0] =	vst.idx.add.f32.msk $0xffff, v1  }
0x1e9: {  	v3 =	vld [tilespmem:s9+$0x8480];
	_ =	sdelay $0x5  }
0x1ea: {  	[tilespmem:v4+s23+$0x0] =	vst.idx.add.f32.msk $0xffff, v1  }
0x1eb: {  	v4 =	vld [tilespmem:s9+$0x8070]  }
0x1ec: {  	[tilespmem:v3+s23+$0x0] =	vst.idx.add.f32.msk $0xffff, v1  }
0x1ed: {  	v3 =	vld [tilespmem:s9+$0x8490];
	_ =	sdelay $0x5  }
0x1ee: {  	[tilespmem:v4+s23+$0x0] =	vst.idx.add.f32.msk $0xffff, v1  }
0x1ef: {  	v4 =	vld [tilespmem:s9+$0x8400]  }
0x1f0: {  	[tilespmem:v3+s23+$0x0] =	vst.idx.add.f32.msk $0xffff, v1  }
0x1f1: {  	v3 =	vld [tilespmem:s9+$0x84A0];
	_ =	sdelay $0x5  }
0x1f2: {  	[tilespmem:v4+s23+$0x0] =	vst.idx.add.f32.msk $0xffff, v1  }
0x1f3: {  	v4 =	vld [tilespmem:s9+$0x8410]  }
0x1f4: {  	[tilespmem:v3+s23+$0x0] =	vst.idx.add.f32.msk $0xffff, v1  }
0x1f5: {  	v3 =	vld [tilespmem:s9+$0x84B0];
	_ =	sdelay $0x5  }
0x1f6: {  	[tilespmem:v4+s23+$0x0] =	vst.idx.add.f32.msk $0xffff, v1  }
0x1f7: {  	v4 =	vld [tilespmem:s9+$0x8420]  }
0x1f8: {  	[tilespmem:v3+s23+$0x0] =	vst.idx.add.f32.msk $0xffff, v1  }
0x1f9: {  	v3 =	vld [tilespmem:s9+$0x84C0];
	_ =	sdelay $0x5  }
0x1fa: {  	[tilespmem:v4+s23+$0x0] =	vst.idx.add.f32.msk $0xffff, v1  }
0x1fb: {  	v4 =	vld [tilespmem:s9+$0x8430]  }
0x1fc: {  	[tilespmem:v3+s23+$0x0] =	vst.idx.add.f32.msk $0xffff, v1  }
0x1fd: {  	v3 =	vld [tilespmem:s9+$0x84D0];
	_ =	sdelay $0x5  }
0x1fe: {  	[tilespmem:v4+s23+$0x0] =	vst.idx.add.f32.msk $0xffff, v1  }
0x1ff: {  	v4 =	vld [tilespmem:s9+$0x8440]  }
0x200: {  	s11 =	simm.s32 $0x100;
	s17 =	simm.s32 $0x400;
	[tilespmem:v3+s23+$0x0] =	vst.idx.add.f32.msk $0xffff, v1  }
0x201: {  	s12 =	sand.u32 $0x7000, s17;
	s1 =	sand.u32 $0x300, s11;
	v3 =	vld [tilespmem:s9+$0x84E0]  }
0x202: {  	s4 =	sor.u32 s1, s12  }
0x203: {  	v5 =	vld [tilespmem:s4+$0x8080];
	_ =	sdelay $0x1  }
0x204: {  	v6 =	vld [tilespmem:s4+$0x8000];
	_ =	sdelay $0x1  }
0x205: {  	[tilespmem:v4+s23+$0x0] =	vst.idx.add.f32.msk $0xffff, v1  }
0x206: {  	v4 =	vld [tilespmem:s9+$0x8450]  }
0x207: {  	[tilespmem:v3+s23+$0x0] =	vst.idx.add.f32.msk $0xffff, v1  }
0x208: {  	v3 =	vld [tilespmem:s9+$0x84F0]  }
0x209: {  	[tilespmem:v5+s23+$0x0] =	vst.idx.add.f32.msk $0xffff, v1  }
0x20a: {  	v5 =	vld [tilespmem:s4+$0x8090]  }
0x20b: {  	[tilespmem:v6+s23+$0x0] =	vst.idx.add.f32.msk $0xffff, v1  }
0x20c: {  	v6 =	vld [tilespmem:s4+$0x8010];
	_ =	sdelay $0x1  }
0x20d: {  	[tilespmem:v4+s23+$0x0] =	vst.idx.add.f32.msk $0xffff, v1  }
0x20e: {  	v4 =	vld [tilespmem:s9+$0x8460]  }
0x20f: {  	[tilespmem:v3+s23+$0x0] =	vst.idx.add.f32.msk $0xffff, v1  }
0x210: {  	v3 =	vld [tilespmem:s9+$0x8880]  }
0x211: {  	[tilespmem:v5+s23+$0x0] =	vst.idx.add.f32.msk $0xffff, v1  }
0x212: {  	v5 =	vld [tilespmem:s4+$0x80A0]  }
0x213: {  	[tilespmem:v6+s23+$0x0] =	vst.idx.add.f32.msk $0xffff, v1  }
0x214: {  	v6 =	vld [tilespmem:s4+$0x8020];
	_ =	sdelay $0x1  }
0x215: {  	[tilespmem:v4+s23+$0x0] =	vst.idx.add.f32.msk $0xffff, v1  }
0x216: {  	v4 =	vld [tilespmem:s9+$0x8470]  }
0x217: {  	[tilespmem:v3+s23+$0x0] =	vst.idx.add.f32.msk $0xffff, v1  }
0x218: {  	v3 =	vld [tilespmem:s9+$0x8890]  }
0x219: {  	[tilespmem:v5+s23+$0x0] =	vst.idx.add.f32.msk $0xffff, v1  }
0x21a: {  	v5 =	vld [tilespmem:s4+$0x80B0]  }
0x21b: {  	[tilespmem:v6+s23+$0x0] =	vst.idx.add.f32.msk $0xffff, v1  }
0x21c: {  	v6 =	vld [tilespmem:s4+$0x8030];
	_ =	sdelay $0x1  }
0x21d: {  	[tilespmem:v4+s23+$0x0] =	vst.idx.add.f32.msk $0xffff, v1  }
0x21e: {  	v4 =	vld [tilespmem:s9+$0x8800]  }
0x21f: {  	[tilespmem:v3+s23+$0x0] =	vst.idx.add.f32.msk $0xffff, v1  }
0x220: {  	v3 =	vld [tilespmem:s9+$0x88A0]  }
0x221: {  	[tilespmem:v5+s23+$0x0] =	vst.idx.add.f32.msk $0xffff, v1  }
0x222: {  	v5 =	vld [tilespmem:s4+$0x80C0]  }
0x223: {  	[tilespmem:v6+s23+$0x0] =	vst.idx.add.f32.msk $0xffff, v1  }
0x224: {  	v6 =	vld [tilespmem:s4+$0x8040];
	_ =	sdelay $0x1  }
0x225: {  	[tilespmem:v4+s23+$0x0] =	vst.idx.add.f32.msk $0xffff, v1  }
0x226: {  	v4 =	vld [tilespmem:s9+$0x8810]  }
0x227: {  	[tilespmem:v3+s23+$0x0] =	vst.idx.add.f32.msk $0xffff, v1  }
0x228: {  	v3 =	vld [tilespmem:s9+$0x88B0]  }
0x229: {  	[tilespmem:v5+s23+$0x0] =	vst.idx.add.f32.msk $0xffff, v1  }
0x22a: {  	v5 =	vld [tilespmem:s4+$0x80D0]  }
0x22b: {  	[tilespmem:v6+s23+$0x0] =	vst.idx.add.f32.msk $0xffff, v1  }
0x22c: {  	v6 =	vld [tilespmem:s4+$0x8050];
	_ =	sdelay $0x1  }
0x22d: {  	[tilespmem:v4+s23+$0x0] =	vst.idx.add.f32.msk $0xffff, v1  }
0x22e: {  	v4 =	vld [tilespmem:s9+$0x8820]  }
0x22f: {  	[tilespmem:v3+s23+$0x0] =	vst.idx.add.f32.msk $0xffff, v1  }
0x230: {  	v3 =	vld [tilespmem:s9+$0x88C0]  }
0x231: {  	[tilespmem:v5+s23+$0x0] =	vst.idx.add.f32.msk $0xffff, v1  }
0x232: {  	v5 =	vld [tilespmem:s4+$0x80E0]  }
0x233: {  	[tilespmem:v6+s23+$0x0] =	vst.idx.add.f32.msk $0xffff, v1  }
0x234: {  	v6 =	vld [tilespmem:s4+$0x8060];
	_ =	sdelay $0x1  }
0x235: {  	[tilespmem:v4+s23+$0x0] =	vst.idx.add.f32.msk $0xffff, v1  }
0x236: {  	v4 =	vld [tilespmem:s9+$0x8830]  }
0x237: {  	[tilespmem:v3+s23+$0x0] =	vst.idx.add.f32.msk $0xffff, v1  }
0x238: {  	v3 =	vld [tilespmem:s9+$0x88D0]  }
0x239: {  	[tilespmem:v5+s23+$0x0] =	vst.idx.add.f32.msk $0xffff, v1  }
0x23a: {  	v5 =	vld [tilespmem:s4+$0x80F0]  }
0x23b: {  	[tilespmem:v6+s23+$0x0] =	vst.idx.add.f32.msk $0xffff, v1  }
0x23c: {  	v6 =	vld [tilespmem:s4+$0x8070];
	_ =	sdelay $0x1  }
0x23d: {  	[tilespmem:v4+s23+$0x0] =	vst.idx.add.f32.msk $0xffff, v1  }
0x23e: {  	v4 =	vld [tilespmem:s9+$0x8840]  }
0x23f: {  	[tilespmem:v3+s23+$0x0] =	vst.idx.add.f32.msk $0xffff, v1  }
0x240: {  	v3 =	vld [tilespmem:s9+$0x88E0]  }
0x241: {  	[tilespmem:v5+s23+$0x0] =	vst.idx.add.f32.msk $0xffff, v1  }
0x242: {  	v5 =	vld [tilespmem:s4+$0x8480]  }
0x243: {  	[tilespmem:v6+s23+$0x0] =	vst.idx.add.f32.msk $0xffff, v1  }
0x244: {  	v6 =	vld [tilespmem:s4+$0x8400];
	_ =	sdelay $0x1  }
0x245: {  	[tilespmem:v4+s23+$0x0] =	vst.idx.add.f32.msk $0xffff, v1  }
0x246: {  	v4 =	vld [tilespmem:s9+$0x8850]  }
0x247: {  	[tilespmem:v3+s23+$0x0] =	vst.idx.add.f32.msk $0xffff, v1  }
0x248: {  	v3 =	vld [tilespmem:s9+$0x88F0]  }
0x249: {  	[tilespmem:v5+s23+$0x0] =	vst.idx.add.f32.msk $0xffff, v1  }
0x24a: {  	v5 =	vld [tilespmem:s4+$0x8490]  }
0x24b: {  	[tilespmem:v6+s23+$0x0] =	vst.idx.add.f32.msk $0xffff, v1  }
0x24c: {  	s13 =	sand.u32 $0x3, s19;
	v6 =	vld [tilespmem:s4+$0x8410]  }
0x24d: {  	s1 =	sshll.u32 s13, $0x8  }
0x24e: {  	s1 =	sadd.s32 $0x0, s1;
	[tilespmem:v4+s23+$0x0] =	vst.idx.add.f32.msk $0xffff, v1  }
0x24f: {  	s15 =	sadd.s32 $0x80, s1;
	v4 =	vld [tilespmem:s9+$0x8860]  }
0x250: {  	s14 =	sor.u32 $0xC00, s15;
	[tilespmem:v3+s23+$0x0] =	vst.idx.add.f32.msk $0xffff, v1  }
0x251: {  	v3 =	vld [tilespmem:s14+$0x8000]  }
0x252: {  	[tilespmem:v5+s23+$0x0] =	vst.idx.add.f32.msk $0xffff, v1  }
0x253: {  	v5 =	vld [tilespmem:s4+$0x84A0]  }
0x254: {  	[tilespmem:v6+s23+$0x0] =	vst.idx.add.f32.msk $0xffff, v1  }
0x255: {  	v6 =	vld [tilespmem:s4+$0x8420];
	_ =	sdelay $0x1  }
0x256: {  	[tilespmem:v4+s23+$0x0] =	vst.idx.add.f32.msk $0xffff, v1  }
0x257: {  	v4 =	vld [tilespmem:s9+$0x8870]  }
0x258: {  	s16 =	sor.u32 $0xC10, s15;
	[tilespmem:v3+s23+$0x0] =	vst.idx.add.f32.msk $0xffff, v1  }
0x259: {  	v3 =	vld [tilespmem:s16+$0x8000]  }
0x25a: {  	[tilespmem:v5+s23+$0x0] =	vst.idx.add.f32.msk $0xffff, v1  }
0x25b: {  	v5 =	vld [tilespmem:s4+$0x84B0]  }
0x25c: {  	[tilespmem:v6+s23+$0x0] =	vst.idx.add.f32.msk $0xffff, v1  }
0x25d: {  	v6 =	vld [tilespmem:s4+$0x8430];
	_ =	sdelay $0x1  }
0x25e: {  	s20 =	sor.u32 $0xC00, s1;
	[tilespmem:v4+s23+$0x0] =	vst.idx.add.f32.msk $0xffff, v1  }
0x25f: {  	v4 =	vld [tilespmem:s20+$0x8000]  }
0x260: {  	s25 =	sor.u32 $0xC20, s15;
	[tilespmem:v3+s23+$0x0] =	vst.idx.add.f32.msk $0xffff, v1  }
0x261: {  	v3 =	vld [tilespmem:s25+$0x8000]  }
0x262: {  	[tilespmem:v5+s23+$0x0] =	vst.idx.add.f32.msk $0xffff, v1  }
0x263: {  	v5 =	vld [tilespmem:s4+$0x84C0]  }
0x264: {  	[tilespmem:v6+s23+$0x0] =	vst.idx.add.f32.msk $0xffff, v1  }
0x265: {  	v6 =	vld [tilespmem:s4+$0x8440];
	_ =	sdelay $0x1  }
0x266: {  	s26 =	sor.u32 $0xC10, s1;
	[tilespmem:v4+s23+$0x0] =	vst.idx.add.f32.msk $0xffff, v1  }
0x267: {  	v4 =	vld [tilespmem:s26+$0x8000]  }
0x268: {  	s28 =	sor.u32 $0xC30, s15;
	[tilespmem:v3+s23+$0x0] =	vst.idx.add.f32.msk $0xffff, v1  }
0x269: {  	v3 =	vld [tilespmem:s28+$0x8000]  }
0x26a: {  	[tilespmem:v5+s23+$0x0] =	vst.idx.add.f32.msk $0xffff, v1  }
0x26b: {  	v7 =	vld [tilespmem:s4+$0x84D0]  }
0x26c: {  	[tilespmem:v6+s23+$0x0] =	vst.idx.add.f32.msk $0xffff, v1  }
0x26d: {  	v5 =	vld [tilespmem:s4+$0x8450];
	_ =	sdelay $0x1  }
0x26e: {  	s30 =	sor.u32 $0xC20, s1;
	[tilespmem:v4+s23+$0x0] =	vst.idx.add.f32.msk $0xffff, v1  }
0x26f: {  	v4 =	vld [tilespmem:s30+$0x8000]  }
0x270: {  	s8 =	simm.s32 $0x200;
	s11 =	simm.s32 $0x800;
	s31 =	sor.u32 $0xC40, s15;
	[tilespmem:v3+s23+$0x0] =	vst.idx.add.f32.msk $0xffff, v1  }
0x271: {  	s13 =	sor.u32 $0xC50, s1;
	s12 =	sor.u32 $0xC60, s1;
	s9 =	sor.u32 $0xC70, s1;
	v3 =	vld [tilespmem:s31+$0x8000]  }
0x272: {  	[tilespmem:v7+s23+$0x0] =	vst.idx.add.f32.msk $0xffff, v1;
	s14 =	sor.u32 $0xC30, s1;
	s20 =	sor.u32 $0xC40, s1;
	s16 =	simm.s32 $0x2  }
.LBB2_7:
0x273: {  	s1 =	sand.u32 $0x7000, s11;
	s3 =	sand.u32 $0x300, s8;
	s16 =	sadd.s32 $0x2, s16;
	v6 =	vld [tilespmem:s4+$0x84E0]  }
0x274: {  	s28 =	sor.u32 s3, s1;
	p1 =	slt.u32 s16, $0x3E;
	[tilespmem:v5+s23+$0x0] =	vst.idx.add.f32.msk $0xffff, v1  }
0x275: {  	v5 =	vld [tilespmem:s28+$0x8080]  }
0x276: {  	v7 =	vld [tilespmem:s28+$0x8000]  }
0x277: {  	v8 =	vld [tilespmem:s4+$0x8460]  }
0x278: {  	[tilespmem:v4+s23+$0x0] =	vst.idx.add.f32.msk $0xffff, v1  }
0x279: {  	s1 =	sor.u32 $0xC50, s15;
	[tilespmem:v3+s23+$0x0] =	vst.idx.add.f32.msk $0xffff, v1  }
0x27a: {  	v3 =	vld [tilespmem:s1+$0x8000]  }
0x27b: {  	[tilespmem:v6+s23+$0x0] =	vst.idx.add.f32.msk $0xffff, v1  }
0x27c: {  	v4 =	vld [tilespmem:s4+$0x84F0]  }
0x27d: {  	[tilespmem:v5+s23+$0x0] =	vst.idx.add.f32.msk $0xffff, v1  }
0x27e: {  	v5 =	vld [tilespmem:s28+$0x8090]  }
0x27f: {  	[tilespmem:v7+s23+$0x0] =	vst.idx.add.f32.msk $0xffff, v1  }
0x280: {  	v6 =	vld [tilespmem:s28+$0x8010]  }
0x281: {  	[tilespmem:v8+s23+$0x0] =	vst.idx.add.f32.msk $0xffff, v1  }
0x282: {  	s1 =	sor.u32 $0xC60, s15;
	[tilespmem:v3+s23+$0x0] =	vst.idx.add.f32.msk $0xffff, v1  }
0x283: {  	v3 =	vld [tilespmem:s1+$0x8000]  }
0x284: {  	[tilespmem:v4+s23+$0x0] =	vst.idx.add.f32.msk $0xffff, v1  }
0x285: {  	v4 =	vld [tilespmem:s4+$0x8880]  }
0x286: {  	[tilespmem:v5+s23+$0x0] =	vst.idx.add.f32.msk $0xffff, v1  }
0x287: {  	v5 =	vld [tilespmem:s28+$0x80A0]  }
0x288: {  	[tilespmem:v6+s23+$0x0] =	vst.idx.add.f32.msk $0xffff, v1  }
0x289: {  	v6 =	vld [tilespmem:s28+$0x8020]  }
0x28a: {  	v7 =	vld [tilespmem:s4+$0x8470]  }
0x28b: {  	s1 =	sor.u32 $0xC70, s15;
	[tilespmem:v3+s23+$0x0] =	vst.idx.add.f32.msk $0xffff, v1  }
0x28c: {  	v3 =	vld [tilespmem:s1+$0x8000]  }
0x28d: {  	[tilespmem:v4+s23+$0x0] =	vst.idx.add.f32.msk $0xffff, v1  }
0x28e: {  	v4 =	vld [tilespmem:s4+$0x8890]  }
0x28f: {  	[tilespmem:v5+s23+$0x0] =	vst.idx.add.f32.msk $0xffff, v1  }
0x290: {  	v5 =	vld [tilespmem:s28+$0x80B0]  }
0x291: {  	[tilespmem:v6+s23+$0x0] =	vst.idx.add.f32.msk $0xffff, v1  }
0x292: {  	v6 =	vld [tilespmem:s28+$0x8030]  }
0x293: {  	[tilespmem:v7+s23+$0x0] =	vst.idx.add.f32.msk $0xffff, v1  }
0x294: {  	[tilespmem:v3+s23+$0x0] =	vst.idx.add.f32.msk $0xffff, v1  }
0x295: {  	v3 =	vld [tilespmem:s4+$0x8800]  }
0x296: {  	[tilespmem:v4+s23+$0x0] =	vst.idx.add.f32.msk $0xffff, v1  }
0x297: {  	v4 =	vld [tilespmem:s4+$0x88A0]  }
0x298: {  	[tilespmem:v5+s23+$0x0] =	vst.idx.add.f32.msk $0xffff, v1  }
0x299: {  	v5 =	vld [tilespmem:s28+$0x80C0]  }
0x29a: {  	[tilespmem:v6+s23+$0x0] =	vst.idx.add.f32.msk $0xffff, v1  }
0x29b: {  	v6 =	vld [tilespmem:s28+$0x8040]  }
0x29c: {  	v7 =	vld [tilespmem:s14+$0x8000]  }
0x29d: {  	[tilespmem:v3+s23+$0x0] =	vst.idx.add.f32.msk $0xffff, v1  }
0x29e: {  	v3 =	vld [tilespmem:s4+$0x8810]  }
0x29f: {  	[tilespmem:v4+s23+$0x0] =	vst.idx.add.f32.msk $0xffff, v1  }
0x2a0: {  	v4 =	vld [tilespmem:s4+$0x88B0]  }
0x2a1: {  	[tilespmem:v5+s23+$0x0] =	vst.idx.add.f32.msk $0xffff, v1  }
0x2a2: {  	v5 =	vld [tilespmem:s28+$0x80D0]  }
0x2a3: {  	[tilespmem:v6+s23+$0x0] =	vst.idx.add.f32.msk $0xffff, v1  }
0x2a4: {  	v6 =	vld [tilespmem:s28+$0x8050]  }
0x2a5: {  	[tilespmem:v7+s23+$0x0] =	vst.idx.add.f32.msk $0xffff, v1  }
0x2a6: {  	[tilespmem:v3+s23+$0x0] =	vst.idx.add.f32.msk $0xffff, v1  }
0x2a7: {  	v3 =	vld [tilespmem:s4+$0x8820]  }
0x2a8: {  	[tilespmem:v4+s23+$0x0] =	vst.idx.add.f32.msk $0xffff, v1  }
0x2a9: {  	v4 =	vld [tilespmem:s4+$0x88C0]  }
0x2aa: {  	[tilespmem:v5+s23+$0x0] =	vst.idx.add.f32.msk $0xffff, v1  }
0x2ab: {  	v5 =	vld [tilespmem:s28+$0x80E0]  }
0x2ac: {  	[tilespmem:v6+s23+$0x0] =	vst.idx.add.f32.msk $0xffff, v1  }
0x2ad: {  	v6 =	vld [tilespmem:s28+$0x8060]  }
0x2ae: {  	v7 =	vld [tilespmem:s20+$0x8000]  }
0x2af: {  	[tilespmem:v3+s23+$0x0] =	vst.idx.add.f32.msk $0xffff, v1  }
0x2b0: {  	v3 =	vld [tilespmem:s4+$0x8830]  }
0x2b1: {  	[tilespmem:v4+s23+$0x0] =	vst.idx.add.f32.msk $0xffff, v1  }
0x2b2: {  	v4 =	vld [tilespmem:s4+$0x88D0]  }
0x2b3: {  	[tilespmem:v5+s23+$0x0] =	vst.idx.add.f32.msk $0xffff, v1  }
0x2b4: {  	v5 =	vld [tilespmem:s28+$0x80F0]  }
0x2b5: {  	[tilespmem:v6+s23+$0x0] =	vst.idx.add.f32.msk $0xffff, v1  }
0x2b6: {  	v6 =	vld [tilespmem:s28+$0x8070]  }
0x2b7: {  	[tilespmem:v7+s23+$0x0] =	vst.idx.add.f32.msk $0xffff, v1  }
0x2b8: {  	[tilespmem:v3+s23+$0x0] =	vst.idx.add.f32.msk $0xffff, v1  }
0x2b9: {  	v3 =	vld [tilespmem:s4+$0x8840]  }
0x2ba: {  	[tilespmem:v4+s23+$0x0] =	vst.idx.add.f32.msk $0xffff, v1  }
0x2bb: {  	v4 =	vld [tilespmem:s4+$0x88E0]  }
0x2bc: {  	[tilespmem:v5+s23+$0x0] =	vst.idx.add.f32.msk $0xffff, v1  }
0x2bd: {  	v5 =	vld [tilespmem:s28+$0x8480]  }
0x2be: {  	[tilespmem:v6+s23+$0x0] =	vst.idx.add.f32.msk $0xffff, v1  }
0x2bf: {  	v6 =	vld [tilespmem:s28+$0x8400]  }
0x2c0: {  	v7 =	vld [tilespmem:s13+$0x8000]  }
0x2c1: {  	[tilespmem:v3+s23+$0x0] =	vst.idx.add.f32.msk $0xffff, v1  }
0x2c2: {  	v3 =	vld [tilespmem:s4+$0x8850]  }
0x2c3: {  	[tilespmem:v4+s23+$0x0] =	vst.idx.add.f32.msk $0xffff, v1  }
0x2c4: {  	v4 =	vld [tilespmem:s4+$0x88F0]  }
0x2c5: {  	[tilespmem:v5+s23+$0x0] =	vst.idx.add.f32.msk $0xffff, v1  }
0x2c6: {  	v5 =	vld [tilespmem:s28+$0x8490]  }
0x2c7: {  	s19 =	sadd.s32 $0x1, s19;
	[tilespmem:v6+s23+$0x0] =	vst.idx.add.f32.msk $0xffff, v1  }
0x2c8: {  	s1 =	sand.u32 $0x3, s19;
	v6 =	vld [tilespmem:s28+$0x8410]  }
0x2c9: {  	s1 =	sshll.u32 s1, $0x8;
	[tilespmem:v7+s23+$0x0] =	vst.idx.add.f32.msk $0xffff, v1  }
0x2ca: {  	s1 =	sadd.s32 s1, s17;
	s17 =	smov.u32 s11;
	[tilespmem:v3+s23+$0x0] =	vst.idx.add.f32.msk $0xffff, v1  }
0x2cb: {  	s3 =	sor.u32 $0xC00, s1;
	s31 =	sor.u32 $0xC10, s1;
	s15 =	sadd.s32 $0x80, s1;
	v3 =	vld [tilespmem:s4+$0x8860]  }
0x2cc: {  	s30 =	sor.u32 $0xC20, s1;
	s25 =	sor.u32 $0xC00, s15;
	s14 =	sor.u32 $0xC30, s1;
	[tilespmem:v4+s23+$0x0] =	vst.idx.add.f32.msk $0xffff, v1  }
0x2cd: {  	s26 =	sor.u32 $0xC60, s1;
	s20 =	sor.u32 $0xC40, s1;
	s13 =	sor.u32 $0xC50, s1;
	v4 =	vld [tilespmem:s25+$0x8000]  }
0x2ce: {  	s1 =	sor.u32 $0xC70, s1;
	[tilespmem:v5+s23+$0x0] =	vst.idx.add.f32.msk $0xffff, v1  }
0x2cf: {  	v5 =	vld [tilespmem:s28+$0x84A0]  }
0x2d0: {  	[tilespmem:v6+s23+$0x0] =	vst.idx.add.f32.msk $0xffff, v1  }
0x2d1: {  	v6 =	vld [tilespmem:s28+$0x8420]  }
0x2d2: {  	v7 =	vld [tilespmem:s12+$0x8000];
	s12 =	smov.u32 s26  }
0x2d3: {  	[tilespmem:v3+s23+$0x0] =	vst.idx.add.f32.msk $0xffff, v1  }
0x2d4: {  	v3 =	vld [tilespmem:s4+$0x8870];
	s4 =	smov.u32 s28  }
0x2d5: {  	s25 =	sor.u32 $0xC10, s15;
	[tilespmem:v4+s23+$0x0] =	vst.idx.add.f32.msk $0xffff, v1  }
0x2d6: {  	v4 =	vld [tilespmem:s25+$0x8000]  }
0x2d7: {  	[tilespmem:v5+s23+$0x0] =	vst.idx.add.f32.msk $0xffff, v1  }
0x2d8: {  	v5 =	vld [tilespmem:s4+$0x84B0]  }
0x2d9: {  	[tilespmem:v6+s23+$0x0] =	vst.idx.add.f32.msk $0xffff, v1  }
0x2da: {  	v6 =	vld [tilespmem:s4+$0x8430]  }
0x2db: {  	[tilespmem:v7+s23+$0x0] =	vst.idx.add.f32.msk $0xffff, v1  }
0x2dc: {  	[tilespmem:v3+s23+$0x0] =	vst.idx.add.f32.msk $0xffff, v1  }
0x2dd: {  	v3 =	vld [tilespmem:s3+$0x8000]  }
0x2de: {  	s3 =	sor.u32 $0xC20, s15;
	[tilespmem:v4+s23+$0x0] =	vst.idx.add.f32.msk $0xffff, v1  }
0x2df: {  	v4 =	vld [tilespmem:s3+$0x8000]  }
0x2e0: {  	[tilespmem:v5+s23+$0x0] =	vst.idx.add.f32.msk $0xffff, v1  }
0x2e1: {  	v5 =	vld [tilespmem:s4+$0x84C0]  }
0x2e2: {  	[tilespmem:v6+s23+$0x0] =	vst.idx.add.f32.msk $0xffff, v1  }
0x2e3: {  	v6 =	vld [tilespmem:s4+$0x8440]  }
0x2e4: {  	v7 =	vld [tilespmem:s9+$0x8000];
	s9 =	smov.u32 s1  }
0x2e5: {  	[tilespmem:v3+s23+$0x0] =	vst.idx.add.f32.msk $0xffff, v1  }
0x2e6: {  	v3 =	vld [tilespmem:s31+$0x8000]  }
0x2e7: {  	s1 =	sor.u32 $0xC30, s15;
	[tilespmem:v4+s23+$0x0] =	vst.idx.add.f32.msk $0xffff, v1  }
0x2e8: {  	v8 =	vld [tilespmem:s1+$0x8000]  }
0x2e9: {  	[tilespmem:v5+s23+$0x0] =	vst.idx.add.f32.msk $0xffff, v1  }
0x2ea: {  	v9 =	vld [tilespmem:s4+$0x84D0]  }
0x2eb: {  	[tilespmem:v6+s23+$0x0] =	vst.idx.add.f32.msk $0xffff, v1  }
0x2ec: {  	v5 =	vld [tilespmem:s4+$0x8450]  }
0x2ed: {  	[tilespmem:v7+s23+$0x0] =	vst.idx.add.f32.msk $0xffff, v1  }
.Ltmp6:
0x2ee: {  	[tilespmem:v3+s23+$0x0] =	vst.idx.add.f32.msk $0xffff, v1;
	(pc) =	sbr.rel @p1 .LBB2_7-.Ltmp6, $4  }
0x2ef: {  	v4 =	vld [tilespmem:s30+$0x8000]  }
0x2f0: {  	s1 =	sor.u32 $0xC40, s15;
	[tilespmem:v8+s23+$0x0] =	vst.idx.add.f32.msk $0xffff, v1  }
0x2f1: {  	v3 =	vld [tilespmem:s1+$0x8000]  }
0x2f2: {  	s8 =	sadd.s32 $0x100, s8;
	s11 =	sadd.s32 $0x400, s11;
	[tilespmem:v9+s23+$0x0] =	vst.idx.add.f32.msk $0xffff, v1  }
0x2f3: {  	_ =	sdelay $0x2  }
0x2f4: {  	v6 =	vld [tilespmem:s4+$0x84E0]  }
0x2f5: {  	[tilespmem:v5+s23+$0x0] =	vst.idx.add.f32.msk $0xffff, v1  }
0x2f6: {  	v5 =	vld [tilespmem:s4+$0x8460];
	_ =	sdelay $0x5  }
0x2f7: {  	[tilespmem:v6+s23+$0x0] =	vst.idx.add.f32.msk $0xffff, v1  }
0x2f8: {  	v6 =	vld [tilespmem:s4+$0x84F0]  }
0x2f9: {  	[tilespmem:v5+s23+$0x0] =	vst.idx.add.f32.msk $0xffff, v1  }
0x2fa: {  	v5 =	vld [tilespmem:s4+$0x8470];
	_ =	sdelay $0x5  }
0x2fb: {  	[tilespmem:v6+s23+$0x0] =	vst.idx.add.f32.msk $0xffff, v1  }
0x2fc: {  	v6 =	vld [tilespmem:s4+$0x8880]  }
0x2fd: {  	[tilespmem:v5+s23+$0x0] =	vst.idx.add.f32.msk $0xffff, v1  }
0x2fe: {  	v5 =	vld [tilespmem:s4+$0x8800];
	_ =	sdelay $0x5  }
0x2ff: {  	[tilespmem:v6+s23+$0x0] =	vst.idx.add.f32.msk $0xffff, v1  }
0x300: {  	v6 =	vld [tilespmem:s4+$0x8890]  }
0x301: {  	[tilespmem:v5+s23+$0x0] =	vst.idx.add.f32.msk $0xffff, v1  }
0x302: {  	v5 =	vld [tilespmem:s4+$0x8810];
	_ =	sdelay $0x5  }
0x303: {  	[tilespmem:v6+s23+$0x0] =	vst.idx.add.f32.msk $0xffff, v1  }
0x304: {  	v6 =	vld [tilespmem:s4+$0x88A0]  }
0x305: {  	[tilespmem:v5+s23+$0x0] =	vst.idx.add.f32.msk $0xffff, v1  }
0x306: {  	v5 =	vld [tilespmem:s4+$0x8820];
	_ =	sdelay $0x5  }
0x307: {  	[tilespmem:v6+s23+$0x0] =	vst.idx.add.f32.msk $0xffff, v1  }
0x308: {  	v6 =	vld [tilespmem:s4+$0x88B0]  }
0x309: {  	[tilespmem:v5+s23+$0x0] =	vst.idx.add.f32.msk $0xffff, v1  }
0x30a: {  	v5 =	vld [tilespmem:s4+$0x8830];
	_ =	sdelay $0x5  }
0x30b: {  	[tilespmem:v6+s23+$0x0] =	vst.idx.add.f32.msk $0xffff, v1  }
0x30c: {  	v6 =	vld [tilespmem:s4+$0x88C0]  }
0x30d: {  	[tilespmem:v5+s23+$0x0] =	vst.idx.add.f32.msk $0xffff, v1  }
0x30e: {  	v5 =	vld [tilespmem:s4+$0x8840];
	_ =	sdelay $0x5  }
0x30f: {  	[tilespmem:v6+s23+$0x0] =	vst.idx.add.f32.msk $0xffff, v1  }
0x310: {  	v6 =	vld [tilespmem:s4+$0x88D0]  }
0x311: {  	[tilespmem:v5+s23+$0x0] =	vst.idx.add.f32.msk $0xffff, v1  }
0x312: {  	v5 =	vld [tilespmem:s4+$0x8850];
	_ =	sdelay $0x5  }
0x313: {  	[tilespmem:v6+s23+$0x0] =	vst.idx.add.f32.msk $0xffff, v1  }
0x314: {  	v6 =	vld [tilespmem:s4+$0x88E0]  }
0x315: {  	[tilespmem:v5+s23+$0x0] =	vst.idx.add.f32.msk $0xffff, v1  }
0x316: {  	v5 =	vld [tilespmem:s4+$0x8860];
	_ =	sdelay $0x5  }
0x317: {  	[tilespmem:v6+s23+$0x0] =	vst.idx.add.f32.msk $0xffff, v1  }
0x318: {  	v6 =	vld [tilespmem:s4+$0x88F0]  }
0x319: {  	[tilespmem:v5+s23+$0x0] =	vst.idx.add.f32.msk $0xffff, v1  }
0x31a: {  	v5 =	vld [tilespmem:s4+$0x8870]  }
0x31b: {  	s1 =	sadd.s32 $0x1, s19  }
0x31c: {  	s1 =	sand.u32 $0x3, s1  }
0x31d: {  	s1 =	sshll.u32 s1, $0x8  }
0x31e: {  	s4 =	sadd.s32 s1, s17  }
0x31f: {  	s8 =	sadd.s32 $0x80, s4  }
0x320: {  	s16 =	sor.u32 $0xC00, s8;
	[tilespmem:v6+s23+$0x0] =	vst.idx.add.f32.msk $0xffff, v1  }
0x321: {  	v6 =	vld [tilespmem:s16+$0x8000]  }
0x322: {  	s17 =	sor.u32 $0xC00, s4;
	[tilespmem:v5+s23+$0x0] =	vst.idx.add.f32.msk $0xffff, v1  }
0x323: {  	v5 =	vld [tilespmem:s17+$0x8000];
	_ =	sdelay $0x5  }
0x324: {  	s19 =	sor.u32 $0xC10, s8;
	[tilespmem:v6+s23+$0x0] =	vst.idx.add.f32.msk $0xffff, v1  }
0x325: {  	v6 =	vld [tilespmem:s19+$0x8000]  }
0x326: {  	s25 =	sor.u32 $0xC10, s4;
	[tilespmem:v5+s23+$0x0] =	vst.idx.add.f32.msk $0xffff, v1  }
0x327: {  	v5 =	vld [tilespmem:s25+$0x8000];
	_ =	sdelay $0x5  }
0x328: {  	s26 =	sor.u32 $0xC20, s8;
	[tilespmem:v6+s23+$0x0] =	vst.idx.add.f32.msk $0xffff, v1  }
0x329: {  	v6 =	vld [tilespmem:s26+$0x8000]  }
0x32a: {  	s28 =	sor.u32 $0xC20, s4;
	[tilespmem:v5+s23+$0x0] =	vst.idx.add.f32.msk $0xffff, v1  }
0x32b: {  	v5 =	vld [tilespmem:s28+$0x8000];
	_ =	sdelay $0x1  }
0x32c: {  	[tilespmem:v4+s23+$0x0] =	vst.idx.add.f32.msk $0xffff, v1  }
0x32d: {  	v4 =	vld [tilespmem:s14+$0x8000];
	_ =	sdelay $0x2  }
0x32e: {  	s30 =	sor.u32 $0xC30, s8;
	[tilespmem:v6+s23+$0x0] =	vst.idx.add.f32.msk $0xffff, v1  }
0x32f: {  	v6 =	vld [tilespmem:s30+$0x8000]  }
0x330: {  	s31 =	sor.u32 $0xC30, s4;
	[tilespmem:v5+s23+$0x0] =	vst.idx.add.f32.msk $0xffff, v1  }
0x331: {  	v5 =	vld [tilespmem:s31+$0x8000];
	_ =	sdelay $0x1  }
0x332: {  	[tilespmem:v4+s23+$0x0] =	vst.idx.add.f32.msk $0xffff, v1  }
0x333: {  	v4 =	vld [tilespmem:s20+$0x8000];
	_ =	sdelay $0x2  }
0x334: {  	s3 =	sor.u32 $0xC40, s8;
	[tilespmem:v6+s23+$0x0] =	vst.idx.add.f32.msk $0xffff, v1  }
0x335: {  	v6 =	vld [tilespmem:s3+$0x8000]  }
0x336: {  	s11 =	sor.u32 $0xC40, s4;
	[tilespmem:v5+s23+$0x0] =	vst.idx.add.f32.msk $0xffff, v1  }
0x337: {  	v5 =	vld [tilespmem:s11+$0x8000];
	_ =	sdelay $0x1  }
0x338: {  	[tilespmem:v4+s23+$0x0] =	vst.idx.add.f32.msk $0xffff, v1  }
0x339: {  	v4 =	vld [tilespmem:s13+$0x8000]  }
0x33a: {  	s14 =	sor.u32 $0xC50, s15;
	[tilespmem:v3+s23+$0x0] =	vst.idx.add.f32.msk $0xffff, v1  }
0x33b: {  	v3 =	vld [tilespmem:s14+$0x8000]  }
0x33c: {  	s16 =	sor.u32 $0xC50, s8;
	[tilespmem:v6+s23+$0x0] =	vst.idx.add.f32.msk $0xffff, v1  }
0x33d: {  	v6 =	vld [tilespmem:s16+$0x8000]  }
0x33e: {  	s17 =	sor.u32 $0xC50, s4;
	[tilespmem:v5+s23+$0x0] =	vst.idx.add.f32.msk $0xffff, v1  }
0x33f: {  	v5 =	vld [tilespmem:s17+$0x8000];
	_ =	sdelay $0x1  }
0x340: {  	[tilespmem:v4+s23+$0x0] =	vst.idx.add.f32.msk $0xffff, v1  }
0x341: {  	v4 =	vld [tilespmem:s12+$0x8000]  }
0x342: {  	[tilespmem:v3+s23+$0x0] =	vst.idx.add.f32.msk $0xffff, v1;
	s19 =	sor.u32 $0xC60, s15  }
0x343: {  	v3 =	vld [tilespmem:s19+$0x8000]  }
0x344: {  	s20 =	sor.u32 $0xC60, s8;
	[tilespmem:v6+s23+$0x0] =	vst.idx.add.f32.msk $0xffff, v1  }
0x345: {  	v6 =	vld [tilespmem:s20+$0x8000]  }
0x346: {  	s25 =	sor.u32 $0xC60, s4;
	[tilespmem:v5+s23+$0x0] =	vst.idx.add.f32.msk $0xffff, v1  }
0x347: {  	v5 =	vld [tilespmem:s25+$0x8000];
	_ =	sdelay $0x1  }
0x348: {  	[tilespmem:v4+s23+$0x0] =	vst.idx.add.f32.msk $0xffff, v1  }
0x349: {  	v4 =	vld [tilespmem:s9+$0x8000]  }
0x34a: {  	[tilespmem:v3+s23+$0x0] =	vst.idx.add.f32.msk $0xffff, v1;
	s26 =	sor.u32 $0xC70, s15  }
0x34b: {  	v3 =	vld [tilespmem:s26+$0x8000]  }
0x34c: {  	s28 =	sor.u32 $0xC70, s8;
	[tilespmem:v6+s23+$0x0] =	vst.idx.add.f32.msk $0xffff, v1  }
0x34d: {  	v6 =	vld [tilespmem:s28+$0x8000]  }
0x34e: {  	s30 =	sor.u32 $0xC70, s4;
	s3 =	sadd.s32 $0x3, s18;
	[tilespmem:v5+s23+$0x0] =	vst.idx.add.f32.msk $0xffff, v1  }
0x34f: {  	p1 =	sge.u32 s3, s7;
	v5 =	vld [tilespmem:s30+$0x8000]  }
0x350: {  	s1 =	sshrl.u32 @!p1 s3, $0x2  }
0x351: {  	s1 =	sadd.s32 @!p1 s5, s1  }
0x352: {  	s3 =	sshll.u32 @!p1 s3, $0xF;
	s4 =	sshrl.u32 @!p1 s1, $0x1;
	s1 =	sshll.u32 @!p1 s1, $0x11  }
0x353: {  	s3 =	sand.u32 @!p1 $0x18000, s3;
	s4 =	sadd.s32 @!p1 s6, s4;
	s1 =	sand.u32 @!p1 $0x20000, s1  }
0x354: {  	[tilespmem:v4+s23+$0x0] =	vst.idx.add.f32.msk $0xffff, v1;
	s4 =	sshll.u32 @!p1 s4, $0x12;
	s1 =	sor.u32 @!p1 s1, s3  }
0x355: {  	[tilespmem:v3+s23+$0x0] =	vst.idx.add.f32.msk $0xffff, v1;
	s1 =	sor.u32 @!p1 s1, s4  }
0x356: {  	s31 =	sand.u32 $0x1, s21;
	s1 =	sshrl.u32 @!p1 s1, $0x3;
	[tilespmem:v6+s23+$0x0] =	vst.idx.add.f32.msk $0xffff, v1  }
0x357: {  	s3 =	simm.s32 @!p1 $0x0;
	s4 =	simm.s32 @!p1 $0x8000;
	s1 =	sadd.s32 @!p1 s2, s1;
	[tilespmem:v5+s23+$0x0] =	vst.idx.add.f32.msk $0xffff, v1  }
0x358: {  	[tilespmem:s4], [sflag:$0x2] =	stream.linear.gather @!p1 [hbm4b:s1+s3], $0x8000, $0x38;
	[tilespmem:$0x18080] =	vst v63  }
0x359: {  	p1 =	seq.s32 s31, $0x0  }
.Ltmp7:
0x35a: {  	_ = 	snop;
	(pc) =	sbr.rel @p1 .LBB2_12-.Ltmp7, $1  }
0x35b: {  	_ =	sdelay $0x3  }
0x35c: {  	s1 =	sshrl.u32 s21, $0x1  }
0x35d: {  	s1 =	sadd.s32 s5, s1  }
0x35e: {  	s3 =	sshll.u32 s1, $0xC  }
0x35f: {  	s4 =	rddreg [dreg:$0x1];
	s1 =	sshll.u32 s1, $0x7;
	s3 =	sand.u32 $0xFFFF8000, s3  }
0x360: {  	s1 =	sand.u32 $0x380, s1;
	s3 =	sadd.s32 s3, s4  }
0x361: {  	s30 =	simm.s32 $0x80;
	s31 =	simm.s32 $0x400;
	s1 =	sadd.s32 s1, s3  }
0x362: {  	[spmem:s1] =	stream.strided.scatter [tilespmem:s23], [sflag:$0x3], $0x1000, s31, s30, $0x38;
	[tilespmem:$0x18080] =	vst v63  }
0x363: {  	_ =	swait.ge [sflag:s29], $0x1000  }
0x364: {  	[sflag:s29] =	ssyncset.done $0x0  }
0x365: {  	s4 =	simm.s32 $0x10040;
	[sflag:s29] =	ssyncadd.s32 $0xFFFFF000  }
0x366: {  	[tilespmem:s4+$0xFFFFFFC0] =	vst v0  }
0x367: {  	[tilespmem:s4+$0x30] =	vst v0  }
0x368: {  	[tilespmem:s4+$0x20] =	vst v0  }
0x369: {  	[tilespmem:s4+$0x10] =	vst v0  }
0x36a: {  	[tilespmem:s4+$0x0] =	vst v0  }
0x36b: {  	[tilespmem:s4+$0xFFFFFFF0] =	vst v0  }
0x36c: {  	s8 =	simm.s32 $0x0;
	[tilespmem:s4+$0xFFFFFFE0] =	vst v0  }
.LBB2_10:
0x36d: {  	s8 =	sadd.s32 $0x80, s8;
	[tilespmem:s4+$0xFFFFFFD0] =	vst v0;
	s4 =	sadd.s32 $0x80, s4  }
0x36e: {  	[tilespmem:s4+$0xFFFFFFC0] =	vst v0;
	p1 =	slt.u32 s8, $0xF80  }
0x36f: {  	[tilespmem:s4+$0x30] =	vst v0  }
.Ltmp8:
0x370: {  	[tilespmem:s4+$0x20] =	vst v0;
	(pc) =	sbr.rel @p1 .LBB2_10-.Ltmp8, $4  }
0x371: {  	[tilespmem:s4+$0x10] =	vst v0  }
0x372: {  	[tilespmem:s4+$0x0] =	vst v0  }
0x373: {  	[tilespmem:s4+$0xFFFFFFF0] =	vst v0  }
0x374: {  	[tilespmem:s4+$0xFFFFFFE0] =	vst v0  }
.Ltmp9:
0x375: {  	(pc) =	sbr.rel .LBB2_12-.Ltmp9, $2  }
0x376: {  	_ =	sdelay $0x2  }
0x377: {  	[tilespmem:s4+$0xFFFFFFD0] =	vst v0  }
.LBB2_13:
0x378: {  	[bflag:$0x0] =	sbarrier.arrive $0xFFFF;
	s1 =	simm.s32 $0x80  }
0x379: {  	s3 =	simm.s32 $0x400;
	s11 =	simm.s32 $0x11000;
	s0 =	rddreg [dreg:$0x5]  }
0x37a: {  	[tilespmem:s11], [sflag:$0x3] =	stream.strided.gather [spmem:s0], $0x1000, s3, s1, $0x38;
	[tilespmem:$0x18080] =	vst v63  }
0x37b: {  	_ =	swait.ge [sflag:s29], $0x1000  }
0x37c: {  	[sflag:s29] =	ssyncset.done $0x0  }
0x37d: {  	s12 =	simm.s32 $0x12000;
	s30 =	rddreg [dreg:$0x6];
	[sflag:s29] =	ssyncadd.s32 $0xFFFFF000  }
0x37e: {  	[tilespmem:s12], [sflag:$0x3] =	stream.strided.gather [spmem:s30], $0x1000, s3, s1, $0x38;
	[tilespmem:$0x18080] =	vst v63  }
0x37f: {  	_ =	swait.ge [sflag:s29], $0x1000  }
0x380: {  	[sflag:s29] =	ssyncset.done $0x0  }
0x381: {  	s31 =	simm.s32 $0x0;
	[sflag:s29] =	ssyncadd.s32 $0xFFFFF000  }
0x382: {  	v3 =	vld [tilespmem:s31+$0x11800]  }
0x383: {  	v5 =	vimm.f32 $0.0e+00;
	s13 =	simm.s32 $0x13000;
	s0 =	simm.s32 $0x40;
	v4 =	vld [tilespmem:s31+$0x12800]  }
.LBB2_14:
0x384: {  	p1 =	sne.s32 s0, $0x1FC0  }
.Ltmp10:
0x385: {  	_ = 	snop;
	(pc) =	sbr.rel @p1 .LBB2_14-.Ltmp10, $4  }
0x386: {  	_ = 	snop  }
0x387: {  	s1 =	sshra.s32 s0, $0x2;
	v5 =	vadd.f32 v3, v5  }
0x388: {  	v3 =	vld [tilespmem:s1+$0x11800]  }
0x389: {  	s0 =	sadd.s32 $0x40, s0;
	v5 =	vadd.f32 v4, v5;
	v4 =	vld [tilespmem:s1+$0x12800]  }
0x38a: {  	s0 =	simm.s32 $0x0  }
0x38b: {  	v6 =	vld [tilespmem:s0+$0x12800]  }
0x38c: {  	v7 =	vld [tilespmem:s0+$0x11000]  }
0x38d: {  	v8 =	vld [tilespmem:s0+$0x11800]  }
0x38e: {  	v9 =	vld [tilespmem:s0+$0x12000]  }
0x38f: {  	s17 =	simm.s32 $0x10;
	v3 =	vadd.f32 v3, v5  }
0x390: {  	v5 =	vld [tilespmem:s17+$0x12800]  }
0x391: {  	v3 =	vadd.f32 v4, v3;
	v4 =	vld [tilespmem:s17+$0x11000]  }
0x392: {  	v6 =	vadd.f32 v6, v8;
	v8 =	vld [tilespmem:s17+$0x11800]  }
0x393: {  	v7 =	vadd.f32 v9, v7;
	v9 =	vld [tilespmem:s17+$0x12000];
	_ =	sdelay $0x1  }
0x394: {  	(xrf2) =	vadd.scan.msk.f32 $0xffff, v3;
	v3 =	vadd.f32 v6, v7  }
0x395: {  	s18 =	simm.s32 $0x20;
	(xrf2) =	vadd.scan.msk.f32 $0xffff, v6  }
0x396: {  	v6 =	vld [tilespmem:s18+$0x12800];
	(xrf2) =	vadd.scan.msk.f32 $0xffff, v3  }
0x397: {  	v3 =	vadd.f32 v5, v8;
	v4 =	vadd.f32 v9, v4;
	v5 =	vld [tilespmem:s18+$0x11800];
	_ =	sdelay $0x1  }
0x398: {  	v4 =	vadd.f32 v3, v4  }
0x399: {  	v7 =	vld [tilespmem:s18+$0x12000];
	(xrf2) =	vadd.scan.msk.f32 $0xffff, v3  }
0x39a: {  	s19 =	simm.s32 $0x30;
	(xrf2) =	vadd.scan.msk.f32 $0xffff, v4;
	v4 =	vld [tilespmem:s18+$0x11000]  }
0x39b: {  	v11 =	vld [tilespmem:s19+$0x11800];
	v5 =	vadd.f32 v6, v5  }
0x39c: {  	v12 =	vld [tilespmem:s19+$0x12000]  }
0x39d: {  	v8 =	vld [tilespmem:s19+$0x12800];
	v3, _, _ =	vpop (xrf2);
	(xrf2) =	vadd.scan.msk.f32 $0xffff, v5  }
0x39e: {  	v9 =	vld [tilespmem:s19+$0x11000];
	v6, _, _ =	vpop (xrf2)  }
0x39f: {  	s20 =	simm.s32 $0x40;
	(v2sf) =	vpush v6, $0xF;
	v10, _, _ =	vpop (xrf2);
	v4 =	vadd.f32 v7, v4  }
0x3a0: {  	v13 =	vld [tilespmem:s20+$0x11000];
	(v2sf) =	vpush v10, $0xF  }
0x3a1: {  	v14 =	vld [tilespmem:s20+$0x11800];
	v4 =	vadd.f32 v5, v4  }
0x3a2: {  	v7 =	vld [tilespmem:s20+$0x12800]  }
0x3a3: {  	v8 =	vadd.f32 v8, v11;
	v5, _, _ =	vpop (xrf2);
	(xrf2) =	vadd.scan.msk.f32 $0xffff, v4;
	v4 =	vadd.f32 v12, v9;
	v9 =	vld [tilespmem:s20+$0x12000]  }
0x3a4: {  	(v2sf) =	vpush v5, $0xF  }
0x3a5: {  	v11, _, _ =	vpop (xrf2);
	(xrf2) =	vadd.scan.msk.f32 $0xffff, v8;
	v8 =	vadd.f32 v8, v4  }
0x3a6: {  	s21 =	simm.f32 $0.0e+00;
	(v2sf) =	vpush v11, $0xF  }
0x3a7: {  	v7 =	vadd.f32 v7, v14;
	v12, _, _ =	vpop (xrf2);
	(xrf2) =	vadd.scan.msk.f32 $0xffff, v8;
	v8 =	vadd.f32 s21, v10  }
0x3a8: {  	s1 =	simm.s32 $0x50;
	v4 =	vbroadcast v3, $0xF;
	(v2sf) =	vpush v12, $0xF;
	v9 =	vadd.f32 v9, v13  }
0x3a9: {  	v6 =	vadd.f32 s21, v6;
	v14 =	vld [tilespmem:s1+$0x11800]  }
0x3aa: {  	v10 =	vld [tilespmem:s1+$0x12800];
	(xrf2) =	vadd.scan.msk.f32 $0xffff, v7;
	v8 =	vadd.f32 v8, v4;
	v9 =	vadd.f32 v7, v9  }
0x3ab: {  	v13 =	vld [tilespmem:s1+$0x11000]  }
0x3ac: {  	v7 =	vsub.f32 v8, v6;
	v8 =	vld [tilespmem:s1+$0x12000];
	(xrf2) =	vadd.scan.msk.f32 $0xffff, v9;
	_ =	sdelay $0x1  }
0x3ad: {  	s3 =	spop (v2sf)  }
0x3ae: {  	s25 =	spop (v2sf)  }
0x3af: {  	v10 =	vadd.f32 v10, v14;
	v15, _, _ =	vpop (xrf2);
	s0 =	sadd.f32 s25, s21  }
0x3b0: {  	v7 =	vmax.f32 v7, $1.000000000e+00;
	s3 =	sadd.f32 s3, s21;
	(v2sf) =	vpush v15, $0xF;
	v9, _, _ =	vpop (xrf2);
	v8 =	vadd.f32 v8, v13  }
0x3b1: {  	(erf) = vrcp.f32 v7;
	(v2sf) =	vpush v9, $0xF;
	v7 =	vadd.f32 s0, v11  }
0x3b2: {  	s26 =	simm.s32 $0x60;
	v5 =	vadd.f32 s3, v5;
	s4 =	spop (v2sf);
	v11, _, _ =	vpop (xrf2);
	v20 =	vadd.f32 v10, v8  }
0x3b3: {  	v16 =	vld [tilespmem:s26+$0x12800];
	(xrf2) =	vadd.scan.msk.f32 $0xffff, v10;
	s28 =	sadd.f32 s4, s3;
	(v2sf) =	vpush v11, $0xF;
	v10, _, _ =	vpop (xrf2);
	v7 =	vadd.f32 v7, v4  }
0x3b4: {  	v14 =	vld [tilespmem:s26+$0x11800];
	s30 =	spop (v2sf);
	(v2sf) =	vpush v10, $0xF  }
0x3b5: {  	v21 =	vsub.f32 v7, v5;
	v7 =	vadd.f32 s28, v12;
	v12, _, _ =	vpop (xrf2)  }
0x3b6: {  	v17 =	vld [tilespmem:s26+$0x11000];
	s31 =	spop (v2sf);
	(v2sf) =	vpush v12, $0xF  }
0x3b7: {  	v19 =	vld [tilespmem:s26+$0x12000];
	_ =	sdelay $0x1  }
0x3b8: {  	v18 =	vadd.f32 v16, v14;
	s0 =	sadd.f32 s30, s0  }
0x3b9: {  	s8 =	simm.s32 $0x70;
	(xrf2) =	vadd.scan.msk.f32 $0xffff, v20;
	v14 =	vmax.f32 v21, $1.000000000e+00  }
0x3ba: {  	v13 =	vld [tilespmem:s8+$0x12800];
	(xrf2) =	vadd.scan.msk.f32 $0xffff, v18;
	v22 =	vadd.f32 s0, v15  }
0x3bb: {  	v19 =	vadd.f32 v19, v17;
	v16 =	vld [tilespmem:s8+$0x11800];
	(erf) = vrcp.f32 v14  }
0x3bc: {  	s9 =	simm.s32 $0x200;
	v8 =	vsub.f32 v4, v6;
	v6 =	vimm.f32 $0.0e+00;
	v15 =	vld [tilespmem:s8+$0x11000];
	s4 =	sadd.f32 s31, s28;
	v17 =	vadd.f32 v22, v4;
	v14 =	vpop (erf)  }
.LBB2_16:
0x3bd: {  	p1 =	sne.s32 s9, $0x1FC0  }
0x3be: {  	v20 =	vld [tilespmem:s8+$0x12000];
	v19 =	vadd.f32 v18, v19;
	v17 =	vsub.f32 v17, v7;
	s1 =	spop (v2sf);
	v14 =	vmul.f32 v14, v8;
	s3 =	smov.u32 s9;
	s9 =	sadd.s32 $0x40, s9  }
0x3bf: {  	v8 =	vsub.f32 v4, v5;
	v5 =	vmov v7;
	s0 =	sadd.f32 s1, s0  }
.Ltmp11:
0x3c0: {  	v7 =	vadd.f32 s4, v9;
	(xrf2) =	vadd.scan.msk.f32 $0xffff, v19;
	v18, _, _ =	vpop (xrf2);
	v17 =	vmax.f32 v17, $1.000000000e+00;
	v14 =	vsub.f32 $1.000000000e+00, v14;
	(pc) =	sbr.rel @p1 .LBB2_16-.Ltmp11, $4  }
0x3c1: {  	v9 =	vmovc v10;
	s8 =	sshra.s32 s3, $0x2;
	(v2sf) =	vpush v18, $0xF;
	v21 =	vadd.f32 s0, v11;
	v10 =	vmovc v18;
	v11 =	vmov v12  }
0x3c2: {  	v18 =	vadd.f32 v13, v16;
	v13 =	vld [tilespmem:s8+$0x12800];
	s1 =	spop (v2sf);
	(erf) = vrcp.f32 v17;
	v6 =	vadd.f32 v14, v6  }
0x3c3: {  	v19 =	vadd.f32 v20, v15;
	v15 =	vld [tilespmem:s8+$0x11000];
	v12, _, _ =	vpop (xrf2);
	v17 =	vadd.f32 v21, v4;
	s4 =	sadd.f32 s1, s4  }
0x3c4: {  	v16 =	vld [tilespmem:s8+$0x11800];
	(xrf2) =	vadd.scan.msk.f32 $0xffff, v18;
	(v2sf) =	vpush v12, $0xF;
	v14 =	vpop (erf)  }
0x3c5: {  	v18 =	vadd.f32 v18, v19;
	_ =	sdelay $0x1  }
0x3c6: {  	(xrf2) =	vadd.scan.msk.f32 $0xffff, v18;
	_ =	sdelay $0x5  }
0x3c7: {  	v39, _, _ =	vpop (xrf2)  }
0x3c8: {  	(v2sf) =	vpush v39, $0xF;
	v40, _, _ =	vpop (xrf2)  }
0x3c9: {  	(v2sf) =	vpush v40, $0xF  }
0x3ca: {  	v20 =	vld [tilespmem:s8+$0x12000];
	v21, _, _ =	vpop (xrf2)  }
0x3cb: {  	(v2sf) =	vpush v21, $0xF;
	v22, _, _ =	vpop (xrf2)  }
0x3cc: {  	(v2sf) =	vpush v22, $0xF;
	_ =	sdelay $0x2  }
0x3cd: {  	v13 =	vadd.f32 v13, v16;
	v15 =	vadd.f32 v20, v15  }
0x3ce: {  	s1 =	spop (v2sf)  }
0x3cf: {  	s0 =	sadd.f32 s1, s0;
	s20 =	spop (v2sf);
	v15 =	vadd.f32 v13, v15  }
0x3d0: {  	s3 =	spop (v2sf);
	(xrf2) =	vadd.scan.msk.f32 $0xffff, v13  }
0x3d1: {  	v11 =	vadd.f32 s0, v11;
	s0 =	sadd.f32 s3, s0;
	(xrf2) =	vadd.scan.msk.f32 $0xffff, v15  }
0x3d2: {  	v9 =	vadd.f32 s4, v9;
	v41 =	vsub.f32 v17, v7;
	s1 =	sadd.f32 s20, s4  }
0x3d3: {  	v11 =	vadd.f32 v11, v4;
	v12 =	vadd.f32 s0, v12;
	s21 =	spop (v2sf)  }
0x3d4: {  	v10 =	vadd.f32 s1, v10;
	s25 =	spop (v2sf)  }
0x3d5: {  	v11 =	vsub.f32 v11, v9;
	v13 =	vmax.f32 v41, $1.000000000e+00;
	v12 =	vadd.f32 v12, v4;
	s0 =	sadd.f32 s25, s0;
	s26 =	spop (v2sf)  }
0x3d6: {  	v8 =	vmul.f32 v14, v8;
	(erf) = vrcp.f32 v13;
	s4 =	sadd.f32 s21, s1;
	s28 =	spop (v2sf)  }
0x3d7: {  	v5 =	vsub.f32 v4, v5;
	v11 =	vmax.f32 v11, $1.000000000e+00;
	v12 =	vsub.f32 v12, v10;
	s30 =	sadd.f32 s28, s0  }
0x3d8: {  	v7 =	vsub.f32 v4, v7;
	(erf) = vrcp.f32 v11;
	v42 =	vadd.f32 s0, v40;
	s31 =	spop (v2sf)  }
0x3d9: {  	v8 =	vsub.f32 $1.000000000e+00, v8;
	v12 =	vmax.f32 v12, $1.000000000e+00;
	s3 =	sadd.f32 s26, s4;
	v43 =	vadd.f32 s30, v22;
	s9 =	spop (v2sf)  }
0x3da: {  	(erf) = vrcp.f32 v12;
	v45 =	vadd.f32 s4, v39;
	v44, _, _ =	vpop (xrf2);
	v13 =	vadd.f32 v42, v4;
	s0 =	sadd.f32 s9, s30  }
0x3db: {  	v46, _, _ =	vpop (xrf2);
	v47 =	vadd.f32 s3, v21;
	v15 =	vadd.f32 v43, v4  }
0x3dc: {  	v51 =	vpop (erf);
	v48 =	vsub.f32 v13, v45;
	s14 =	sadd.f32 s31, s3;
	v49 =	vadd.f32 s0, v46  }
0x3dd: {  	v6 =	vadd.f32 v8, v6;
	v5 =	vmul.f32 v51, v5;
	v50 =	vsub.f32 v15, v47  }
0x3de: {  	v12 =	vmax.f32 v48, $1.000000000e+00;
	v52 =	vadd.f32 s14, v44;
	v13 =	vadd.f32 v49, v4  }
0x3df: {  	v55 =	vsub.f32 v4, v9;
	v5 =	vsub.f32 $1.000000000e+00, v5;
	v54 =	vpop (erf);
	(erf) = vrcp.f32 v12  }
0x3e0: {  	v7 =	vmul.f32 v54, v7;
	v53 =	vmax.f32 v50, $1.000000000e+00;
	v13 =	vsub.f32 v13, v52  }
0x3e1: {  	v57 =	vsub.f32 v4, v10;
	v5 =	vadd.f32 v5, v6;
	v6 =	vpop (erf);
	(erf) = vrcp.f32 v53  }
0x3e2: {  	v7 =	vsub.f32 $1.000000000e+00, v7;
	v6 =	vmul.f32 v6, v55;
	v56 =	vmax.f32 v13, $1.000000000e+00  }
0x3e3: {  	v58 =	vpop (erf);
	(erf) = vrcp.f32 v56  }
0x3e4: {  	v5 =	vadd.f32 v7, v5;
	v6 =	vsub.f32 $1.000000000e+00, v6;
	v7 =	vmul.f32 v58, v57;
	_ =	sdelay $0x1  }
0x3e5: {  	v5 =	vadd.f32 v6, v5;
	v6 =	vsub.f32 $1.000000000e+00, v7  }
0x3e6: {  	v59 =	vsub.f32 v4, v45  }
0x3e7: {  	v60 =	vpop (erf)  }
0x3e8: {  	v61 =	vsub.f32 v4, v47;
	v7 =	vmul.f32 v60, v59  }
0x3e9: {  	v5 =	vadd.f32 v6, v5;
	v6 =	vpop (erf)  }
0x3ea: {  	v62 =	vsub.f32 v4, v52;
	v7 =	vsub.f32 $1.000000000e+00, v7;
	v6 =	vmul.f32 v6, v61  }
0x3eb: {  	v63 =	vpop (erf)  }
0x3ec: {  	v5 =	vadd.f32 v7, v5;
	v6 =	vsub.f32 $1.000000000e+00, v6;
	v7 =	vmul.f32 v63, v62;
	_ =	sdelay $0x1  }
0x3ed: {  	v5 =	vadd.f32 v6, v5;
	v6 =	vsub.f32 $1.000000000e+00, v7;
	_ =	sdelay $0x1  }
0x3ee: {  	v5 =	vadd.f32 v6, v5;
	_ =	sdelay $0x1  }
0x3ef: {  	(xrf2) =	vadd.scan.msk.f32 $0xffff, v5;
	_ =	sdelay $0x7  }
0x3f0: {  	(v2sf) =	vpush v44, $0xF  }
0x3f1: {  	(v2sf) =	vpush v46, $0xF  }
0x3f2: {  	(v2sf) =	vpush v3, $0xF;
	v3, _, _ =	vpop (xrf2)  }
0x3f3: {  	(v2sf) =	vpush v3, $0xF;
	_ =	sdelay $0xb  }
0x3f4: {  	s15 =	spop (v2sf)  }
0x3f5: {  	s16 =	spop (v2sf)  }
0x3f6: {  	s0 =	sadd.f32 s16, s0;
	s17 =	spop (v2sf)  }
0x3f7: {  	p1 =	sgt.f32 s17, $0.0e+00;
	s18 =	spop (v2sf)  }
0x3f8: {  	s8 =	simm.f32 $1.000000000e+00;
	s3 =	sadd.f32 $-5.000000000e-01, s18  }
0x3f9: {  	s8 =	simm.s32 @!p1 $0x0  }
0x3fa: {  	s1 =	sadd.f32 s15, s14;
	v3 =	vmov s0;
	s3 =	smul.f32 s8, s3  }
0x3fb: {  	v3 =	vnsel vm0, $0x0, v3  }
0x3fc: {  	v3 =	vsel vm1, s1, v3;
	s19 =	smul.f32 $4.882812500e-04, s3  }
0x3fd: {  	vm3 =	veq.s32 v2, $0x0;
	v3 =	vsel vm2, v4, v3  }
0x3fe: {  	v3 =	vsel vm3, s19, v3;
	vm3 =	veq.s32 v2, $0x1  }
0x3ff: {  	v3 =	vsel vm3, s8, v3  }
0x400: {  	s20 =	simm.s32 $0x0;
	s21 =	rddreg [dreg:$0x7];
	[tilespmem:$0x13000] =	vst v3  }
0x401: {  	[hbm4b:s21+s20] =	stream.linear.scatter [tilespmem:s13], [sflag:$0x3], $0x80, $0x38;
	[tilespmem:$0x18080] =	vst v63  }
0x402: {  	_ =	swait.ge [sflag:s29], $0x80  }
0x403: {  	s26 =	simm.s32 $0x80;
	[sflag:s29] =	ssyncset.done $0x0  }
0x404: {  	s28 =	simm.s32 $0x400;
	s25 =	rddreg [dreg:$0x8];
	[sflag:s29] =	ssyncadd.s32 $0xFFFFFF80  }
0x405: {  	[tilespmem:s11], [sflag:$0x3] =	stream.strided.gather [spmem:s25], $0x1000, s28, s26, $0x38;
	[tilespmem:$0x18080] =	vst v63  }
0x406: {  	_ =	swait.ge [sflag:s29], $0x1000  }
0x407: {  	[sflag:s29] =	ssyncset.done $0x0  }
0x408: {  	s30 =	rddreg [dreg:$0x9];
	[sflag:s29] =	ssyncadd.s32 $0xFFFFF000  }
0x409: {  	[tilespmem:s12], [sflag:$0x3] =	stream.strided.gather [spmem:s30], $0x1000, s28, s26, $0x38;
	[tilespmem:$0x18080] =	vst v63  }
0x40a: {  	_ =	swait.ge [sflag:s29], $0x1000  }
0x40b: {  	[sflag:s29] =	ssyncset.done $0x0  }
0x40c: {  	s31 =	simm.s32 $0x0;
	[sflag:s29] =	ssyncadd.s32 $0xFFFFF000  }
0x40d: {  	v3 =	vld [tilespmem:s31+$0x11800]  }
0x40e: {  	v5 =	vimm.f32 $0.0e+00;
	s0 =	simm.s32 $0x40;
	v4 =	vld [tilespmem:s31+$0x12800]  }
.LBB2_18:
0x40f: {  	p1 =	sne.s32 s0, $0x1FC0  }
.Ltmp12:
0x410: {  	_ = 	snop;
	(pc) =	sbr.rel @p1 .LBB2_18-.Ltmp12, $4  }
0x411: {  	_ = 	snop  }
0x412: {  	s1 =	sshra.s32 s0, $0x2;
	v5 =	vadd.f32 v3, v5  }
0x413: {  	v3 =	vld [tilespmem:s1+$0x11800]  }
0x414: {  	s0 =	sadd.s32 $0x40, s0;
	v5 =	vadd.f32 v4, v5;
	v4 =	vld [tilespmem:s1+$0x12800]  }
0x415: {  	s0 =	simm.s32 $0x0  }
0x416: {  	v6 =	vld [tilespmem:s0+$0x12800]  }
0x417: {  	v7 =	vld [tilespmem:s0+$0x11000]  }
0x418: {  	v8 =	vld [tilespmem:s0+$0x11800]  }
0x419: {  	v9 =	vld [tilespmem:s0+$0x12000]  }
0x41a: {  	s17 =	simm.s32 $0x10;
	v3 =	vadd.f32 v3, v5  }
0x41b: {  	v5 =	vld [tilespmem:s17+$0x12800]  }
0x41c: {  	v3 =	vadd.f32 v4, v3;
	v4 =	vld [tilespmem:s17+$0x11000]  }
0x41d: {  	v6 =	vadd.f32 v6, v8;
	v8 =	vld [tilespmem:s17+$0x11800]  }
0x41e: {  	v7 =	vadd.f32 v9, v7;
	v9 =	vld [tilespmem:s17+$0x12000];
	_ =	sdelay $0x1  }
0x41f: {  	(xrf2) =	vadd.scan.msk.f32 $0xffff, v3;
	v3 =	vadd.f32 v6, v7  }
0x420: {  	s18 =	simm.s32 $0x20;
	(xrf2) =	vadd.scan.msk.f32 $0xffff, v6  }
0x421: {  	v6 =	vld [tilespmem:s18+$0x12800];
	(xrf2) =	vadd.scan.msk.f32 $0xffff, v3  }
0x422: {  	v3 =	vadd.f32 v5, v8;
	v4 =	vadd.f32 v9, v4;
	v5 =	vld [tilespmem:s18+$0x11800];
	_ =	sdelay $0x1  }
0x423: {  	v4 =	vadd.f32 v3, v4  }
0x424: {  	v7 =	vld [tilespmem:s18+$0x12000];
	(xrf2) =	vadd.scan.msk.f32 $0xffff, v3  }
0x425: {  	s19 =	simm.s32 $0x30;
	(xrf2) =	vadd.scan.msk.f32 $0xffff, v4;
	v4 =	vld [tilespmem:s18+$0x11000]  }
0x426: {  	v11 =	vld [tilespmem:s19+$0x11800];
	v5 =	vadd.f32 v6, v5  }
0x427: {  	v12 =	vld [tilespmem:s19+$0x12000]  }
0x428: {  	v8 =	vld [tilespmem:s19+$0x12800];
	v3, _, _ =	vpop (xrf2);
	(xrf2) =	vadd.scan.msk.f32 $0xffff, v5  }
0x429: {  	v9 =	vld [tilespmem:s19+$0x11000];
	v6, _, _ =	vpop (xrf2)  }
0x42a: {  	s20 =	simm.s32 $0x40;
	(v2sf) =	vpush v6, $0xF;
	v10, _, _ =	vpop (xrf2);
	v4 =	vadd.f32 v7, v4  }
0x42b: {  	v13 =	vld [tilespmem:s20+$0x11000];
	(v2sf) =	vpush v10, $0xF  }
0x42c: {  	v14 =	vld [tilespmem:s20+$0x11800];
	v4 =	vadd.f32 v5, v4  }
0x42d: {  	v7 =	vld [tilespmem:s20+$0x12800]  }
0x42e: {  	v8 =	vadd.f32 v8, v11;
	v5, _, _ =	vpop (xrf2);
	(xrf2) =	vadd.scan.msk.f32 $0xffff, v4;
	v4 =	vadd.f32 v12, v9;
	v9 =	vld [tilespmem:s20+$0x12000]  }
0x42f: {  	(v2sf) =	vpush v5, $0xF  }
0x430: {  	v11, _, _ =	vpop (xrf2);
	(xrf2) =	vadd.scan.msk.f32 $0xffff, v8;
	v8 =	vadd.f32 v8, v4  }
0x431: {  	s21 =	simm.f32 $0.0e+00;
	(v2sf) =	vpush v11, $0xF  }
0x432: {  	v7 =	vadd.f32 v7, v14;
	v12, _, _ =	vpop (xrf2);
	(xrf2) =	vadd.scan.msk.f32 $0xffff, v8;
	v8 =	vadd.f32 s21, v10  }
0x433: {  	s1 =	simm.s32 $0x50;
	v4 =	vbroadcast v3, $0xF;
	(v2sf) =	vpush v12, $0xF;
	v9 =	vadd.f32 v9, v13  }
0x434: {  	v6 =	vadd.f32 s21, v6;
	v14 =	vld [tilespmem:s1+$0x11800]  }
0x435: {  	v10 =	vld [tilespmem:s1+$0x12800];
	(xrf2) =	vadd.scan.msk.f32 $0xffff, v7;
	v8 =	vadd.f32 v8, v4;
	v9 =	vadd.f32 v7, v9  }
0x436: {  	v13 =	vld [tilespmem:s1+$0x11000]  }
0x437: {  	v7 =	vsub.f32 v8, v6;
	v8 =	vld [tilespmem:s1+$0x12000];
	(xrf2) =	vadd.scan.msk.f32 $0xffff, v9;
	_ =	sdelay $0x1  }
0x438: {  	s3 =	spop (v2sf)  }
0x439: {  	s25 =	spop (v2sf)  }
0x43a: {  	v10 =	vadd.f32 v10, v14;
	v15, _, _ =	vpop (xrf2);
	s0 =	sadd.f32 s25, s21  }
0x43b: {  	v7 =	vmax.f32 v7, $1.000000000e+00;
	s3 =	sadd.f32 s3, s21;
	(v2sf) =	vpush v15, $0xF;
	v9, _, _ =	vpop (xrf2);
	v8 =	vadd.f32 v8, v13  }
0x43c: {  	(erf) = vrcp.f32 v7;
	(v2sf) =	vpush v9, $0xF;
	v7 =	vadd.f32 s0, v11  }
0x43d: {  	s26 =	simm.s32 $0x60;
	v5 =	vadd.f32 s3, v5;
	s4 =	spop (v2sf);
	v11, _, _ =	vpop (xrf2);
	v20 =	vadd.f32 v10, v8  }
0x43e: {  	v16 =	vld [tilespmem:s26+$0x12800];
	(xrf2) =	vadd.scan.msk.f32 $0xffff, v10;
	s28 =	sadd.f32 s4, s3;
	(v2sf) =	vpush v11, $0xF;
	v10, _, _ =	vpop (xrf2);
	v7 =	vadd.f32 v7, v4  }
0x43f: {  	v14 =	vld [tilespmem:s26+$0x11800];
	s30 =	spop (v2sf);
	(v2sf) =	vpush v10, $0xF  }
0x440: {  	v21 =	vsub.f32 v7, v5;
	v7 =	vadd.f32 s28, v12;
	v12, _, _ =	vpop (xrf2)  }
0x441: {  	v17 =	vld [tilespmem:s26+$0x11000];
	s31 =	spop (v2sf);
	(v2sf) =	vpush v12, $0xF  }
0x442: {  	v19 =	vld [tilespmem:s26+$0x12000];
	_ =	sdelay $0x1  }
0x443: {  	v18 =	vadd.f32 v16, v14;
	s0 =	sadd.f32 s30, s0  }
0x444: {  	s8 =	simm.s32 $0x70;
	(xrf2) =	vadd.scan.msk.f32 $0xffff, v20;
	v14 =	vmax.f32 v21, $1.000000000e+00  }
0x445: {  	v13 =	vld [tilespmem:s8+$0x12800];
	(xrf2) =	vadd.scan.msk.f32 $0xffff, v18;
	v22 =	vadd.f32 s0, v15  }
0x446: {  	v19 =	vadd.f32 v19, v17;
	v16 =	vld [tilespmem:s8+$0x11800];
	(erf) = vrcp.f32 v14  }
0x447: {  	s9 =	simm.s32 $0x200;
	v8 =	vsub.f32 v4, v6;
	v6 =	vimm.f32 $0.0e+00;
	v15 =	vld [tilespmem:s8+$0x11000];
	s4 =	sadd.f32 s31, s28;
	v17 =	vadd.f32 v22, v4;
	v14 =	vpop (erf)  }
.LBB2_20:
0x448: {  	p1 =	sne.s32 s9, $0x1FC0  }
0x449: {  	v20 =	vld [tilespmem:s8+$0x12000];
	v19 =	vadd.f32 v18, v19;
	v17 =	vsub.f32 v17, v7;
	s1 =	spop (v2sf);
	v14 =	vmul.f32 v14, v8;
	s3 =	smov.u32 s9;
	s9 =	sadd.s32 $0x40, s9  }
0x44a: {  	v8 =	vsub.f32 v4, v5;
	v5 =	vmov v7;
	s0 =	sadd.f32 s1, s0  }
.Ltmp13:
0x44b: {  	v7 =	vadd.f32 s4, v9;
	(xrf2) =	vadd.scan.msk.f32 $0xffff, v19;
	v18, _, _ =	vpop (xrf2);
	v17 =	vmax.f32 v17, $1.000000000e+00;
	v14 =	vsub.f32 $1.000000000e+00, v14;
	(pc) =	sbr.rel @p1 .LBB2_20-.Ltmp13, $4  }
0x44c: {  	v9 =	vmovc v10;
	s8 =	sshra.s32 s3, $0x2;
	(v2sf) =	vpush v18, $0xF;
	v21 =	vadd.f32 s0, v11;
	v10 =	vmovc v18;
	v11 =	vmov v12  }
0x44d: {  	v18 =	vadd.f32 v13, v16;
	v13 =	vld [tilespmem:s8+$0x12800];
	s1 =	spop (v2sf);
	(erf) = vrcp.f32 v17;
	v6 =	vadd.f32 v14, v6  }
0x44e: {  	v19 =	vadd.f32 v20, v15;
	v15 =	vld [tilespmem:s8+$0x11000];
	v12, _, _ =	vpop (xrf2);
	v17 =	vadd.f32 v21, v4;
	s4 =	sadd.f32 s1, s4  }
0x44f: {  	v16 =	vld [tilespmem:s8+$0x11800];
	(xrf2) =	vadd.scan.msk.f32 $0xffff, v18;
	(v2sf) =	vpush v12, $0xF;
	v14 =	vpop (erf)  }
0x450: {  	v18 =	vadd.f32 v18, v19;
	_ =	sdelay $0x1  }
0x451: {  	(xrf2) =	vadd.scan.msk.f32 $0xffff, v18;
	_ =	sdelay $0x5  }
0x452: {  	v31, _, _ =	vpop (xrf2)  }
0x453: {  	(v2sf) =	vpush v31, $0xF;
	v32, _, _ =	vpop (xrf2)  }
0x454: {  	(v2sf) =	vpush v32, $0xF  }
0x455: {  	v20 =	vld [tilespmem:s8+$0x12000];
	v21, _, _ =	vpop (xrf2)  }
0x456: {  	(v2sf) =	vpush v21, $0xF;
	v22, _, _ =	vpop (xrf2)  }
0x457: {  	(v2sf) =	vpush v22, $0xF;
	_ =	sdelay $0x2  }
0x458: {  	v13 =	vadd.f32 v13, v16;
	v15 =	vadd.f32 v20, v15;
	_ =	sdelay $0x1  }
0x459: {  	v15 =	vadd.f32 v13, v15  }
0x45a: {  	s1 =	spop (v2sf);
	(xrf2) =	vadd.scan.msk.f32 $0xffff, v13  }
0x45b: {  	s0 =	sadd.f32 s1, s0;
	s30 =	spop (v2sf);
	(xrf2) =	vadd.scan.msk.f32 $0xffff, v15  }
0x45c: {  	s3 =	spop (v2sf)  }
0x45d: {  	v11 =	vadd.f32 s0, v11;
	s0 =	sadd.f32 s3, s0;
	s31 =	spop (v2sf)  }
0x45e: {  	v9 =	vadd.f32 s4, v9;
	v33 =	vsub.f32 v17, v7;
	s1 =	sadd.f32 s30, s4;
	s9 =	spop (v2sf)  }
0x45f: {  	v11 =	vadd.f32 v11, v4;
	v12 =	vadd.f32 s0, v12;
	s0 =	sadd.f32 s9, s0;
	s14 =	spop (v2sf)  }
0x460: {  	v10 =	vadd.f32 s1, v10;
	s4 =	sadd.f32 s31, s1;
	s15 =	spop (v2sf)  }
0x461: {  	v11 =	vsub.f32 v11, v9;
	v13 =	vmax.f32 v33, $1.000000000e+00;
	v12 =	vadd.f32 v12, v4;
	s16 =	sadd.f32 s15, s0  }
0x462: {  	(erf) = vrcp.f32 v13;
	v34 =	vadd.f32 s0, v32;
	s17 =	spop (v2sf)  }
0x463: {  	v11 =	vmax.f32 v11, $1.000000000e+00;
	v12 =	vsub.f32 v12, v10;
	s3 =	sadd.f32 s14, s4;
	v35 =	vadd.f32 s16, v22;
	s18 =	spop (v2sf)  }
0x464: {  	(erf) = vrcp.f32 v11;
	v37 =	vadd.f32 s4, v31;
	v36, _, _ =	vpop (xrf2);
	v13 =	vadd.f32 v34, v4;
	s0 =	sadd.f32 s18, s16  }
0x465: {  	v12 =	vmax.f32 v12, $1.000000000e+00;
	v38, _, _ =	vpop (xrf2);
	v39 =	vadd.f32 s3, v21;
	v15 =	vadd.f32 v35, v4  }
0x466: {  	(erf) = vrcp.f32 v12;
	v40 =	vsub.f32 v13, v37;
	s19 =	sadd.f32 s17, s3;
	v41 =	vadd.f32 s0, v38  }
0x467: {  	v8 =	vmul.f32 v14, v8;
	v5 =	vsub.f32 v4, v5;
	v42 =	vsub.f32 v15, v39  }
0x468: {  	v12 =	vmax.f32 v40, $1.000000000e+00;
	v44 =	vadd.f32 s19, v36;
	v13 =	vadd.f32 v41, v4  }
0x469: {  	v45 =	vsub.f32 v4, v7;
	v8 =	vsub.f32 $1.000000000e+00, v8;
	v43 =	vpop (erf);
	(erf) = vrcp.f32 v12  }
0x46a: {  	v5 =	vmul.f32 v43, v5;
	v46 =	vmax.f32 v42, $1.000000000e+00;
	v13 =	vsub.f32 v13, v44  }
0x46b: {  	v48 =	vsub.f32 v4, v9;
	v6 =	vadd.f32 v8, v6;
	v47 =	vpop (erf);
	(erf) = vrcp.f32 v46  }
0x46c: {  	v5 =	vsub.f32 $1.000000000e+00, v5;
	v7 =	vmul.f32 v47, v45;
	v49 =	vmax.f32 v13, $1.000000000e+00  }
0x46d: {  	v51 =	vsub.f32 v4, v10;
	v50 =	vpop (erf);
	(erf) = vrcp.f32 v49  }
0x46e: {  	v5 =	vadd.f32 v5, v6;
	v7 =	vsub.f32 $1.000000000e+00, v7;
	v6 =	vmul.f32 v50, v48  }
0x46f: {  	v52 =	vpop (erf)  }
0x470: {  	v5 =	vadd.f32 v7, v5;
	v6 =	vsub.f32 $1.000000000e+00, v6;
	v53 =	vmul.f32 v52, v51  }
0x471: {  	v54 =	vsub.f32 v4, v37  }
0x472: {  	v5 =	vadd.f32 v6, v5;
	v56 =	vsub.f32 $1.000000000e+00, v53;
	v55 =	vpop (erf)  }
0x473: {  	v58 =	vsub.f32 v4, v39;
	v57 =	vmul.f32 v55, v54  }
0x474: {  	v5 =	vadd.f32 v56, v5;
	v59 =	vpop (erf)  }
0x475: {  	v60 =	vsub.f32 v4, v44;
	v7 =	vsub.f32 $1.000000000e+00, v57;
	v6 =	vmul.f32 v59, v58  }
0x476: {  	v61 =	vpop (erf)  }
0x477: {  	v5 =	vadd.f32 v7, v5;
	v6 =	vsub.f32 $1.000000000e+00, v6;
	v62 =	vmul.f32 v61, v60;
	_ =	sdelay $0x1  }
0x478: {  	v5 =	vadd.f32 v6, v5;
	v63 =	vsub.f32 $1.000000000e+00, v62;
	_ =	sdelay $0x1  }
0x479: {  	v5 =	vadd.f32 v63, v5;
	_ =	sdelay $0x1  }
0x47a: {  	(xrf2) =	vadd.scan.msk.f32 $0xffff, v5;
	_ =	sdelay $0x7  }
0x47b: {  	(v2sf) =	vpush v36, $0xF  }
0x47c: {  	(v2sf) =	vpush v38, $0xF  }
0x47d: {  	(v2sf) =	vpush v3, $0xF;
	v3, _, _ =	vpop (xrf2)  }
0x47e: {  	(v2sf) =	vpush v3, $0xF;
	_ =	sdelay $0xb  }
0x47f: {  	s20 =	spop (v2sf)  }
0x480: {  	s21 =	spop (v2sf)  }
0x481: {  	s0 =	sadd.f32 s21, s0;
	s25 =	spop (v2sf)  }
0x482: {  	p1 =	sgt.f32 s25, $0.0e+00;
	s26 =	spop (v2sf)  }
0x483: {  	s8 =	simm.f32 $1.000000000e+00;
	s3 =	sadd.f32 $-5.000000000e-01, s26  }
0x484: {  	s8 =	simm.s32 @!p1 $0x0  }
0x485: {  	s1 =	sadd.f32 s20, s19;
	v3 =	vmov s0;
	s3 =	smul.f32 s8, s3  }
0x486: {  	v3 =	vnsel vm0, $0x0, v3  }
0x487: {  	v3 =	vsel vm1, s1, v3;
	s28 =	smul.f32 $4.882812500e-04, s3  }
0x488: {  	vm3 =	veq.s32 v2, $0x0;
	v3 =	vsel vm2, v4, v3  }
0x489: {  	v3 =	vsel vm3, s28, v3;
	vm3 =	veq.s32 v2, $0x1  }
0x48a: {  	v3 =	vsel vm3, s8, v3  }
.Ltmp14:
0x48b: {  	s30 =	simm.s32 $0x0;
	s31 =	rddreg [dreg:$0xa];
	[tilespmem:$0x13000] =	vst v3;
	(pc) =	sbr.rel @p0 .LBB2_27-.Ltmp14, $4  }
0x48c: {  	[hbm4b:s31+s30] =	stream.linear.scatter [tilespmem:s13], [sflag:$0x3], $0x80, $0x38;
	[tilespmem:$0x18080] =	vst v63  }
0x48d: {  	_ =	swait.ge [sflag:s29], $0x80  }
0x48e: {  	[sflag:s29] =	ssyncset.done $0x0  }
0x48f: {  	s1 =	rddreg [dreg:$0xf];
	[sflag:s29] =	ssyncadd.s32 $0xFFFFFF80  }
0x490: {  	s0 =	rddreg [dreg:$0xb];
	s1 =	simm.s32 $0x80;
	s3 =	simm.s32 $0x400  }
0x491: {  	[tilespmem:s11], [sflag:$0x3] =	stream.strided.gather [spmem:s0], $0x1000, s3, s1, $0x38;
	[tilespmem:$0x18080] =	vst v63  }
0x492: {  	_ =	swait.ge [sflag:s29], $0x1000  }
0x493: {  	[sflag:s29] =	ssyncset.done $0x0  }
0x494: {  	s30 =	rddreg [dreg:$0xc];
	[sflag:s29] =	ssyncadd.s32 $0xFFFFF000  }
0x495: {  	[tilespmem:s12], [sflag:$0x3] =	stream.strided.gather [spmem:s30], $0x1000, s3, s1, $0x38;
	[tilespmem:$0x18080] =	vst v63  }
0x496: {  	_ =	swait.ge [sflag:s29], $0x1000  }
0x497: {  	[sflag:s29] =	ssyncset.done $0x0  }
0x498: {  	s31 =	simm.s32 $0x0;
	[sflag:s29] =	ssyncadd.s32 $0xFFFFF000  }
0x499: {  	v3 =	vld [tilespmem:s31+$0x11800]  }
0x49a: {  	v5 =	vimm.f32 $0.0e+00;
	s0 =	simm.s32 $0x40;
	v4 =	vld [tilespmem:s31+$0x12800]  }
.LBB2_23:
0x49b: {  	p1 =	sne.s32 s0, $0x1FC0  }
.Ltmp15:
0x49c: {  	_ = 	snop;
	(pc) =	sbr.rel @p1 .LBB2_23-.Ltmp15, $4  }
0x49d: {  	_ = 	snop  }
0x49e: {  	s1 =	sshra.s32 s0, $0x2;
	v5 =	vadd.f32 v3, v5  }
0x49f: {  	v3 =	vld [tilespmem:s1+$0x11800]  }
0x4a0: {  	s0 =	sadd.s32 $0x40, s0;
	v5 =	vadd.f32 v4, v5;
	v4 =	vld [tilespmem:s1+$0x12800]  }
0x4a1: {  	s0 =	simm.s32 $0x0  }
0x4a2: {  	v6 =	vld [tilespmem:s0+$0x12800]  }
0x4a3: {  	v7 =	vld [tilespmem:s0+$0x11000]  }
0x4a4: {  	v8 =	vld [tilespmem:s0+$0x11800]  }
0x4a5: {  	v9 =	vld [tilespmem:s0+$0x12000]  }
0x4a6: {  	s17 =	simm.s32 $0x10;
	v3 =	vadd.f32 v3, v5  }
0x4a7: {  	v5 =	vld [tilespmem:s17+$0x12800]  }
0x4a8: {  	v3 =	vadd.f32 v4, v3;
	v4 =	vld [tilespmem:s17+$0x11000]  }
0x4a9: {  	v6 =	vadd.f32 v6, v8;
	v8 =	vld [tilespmem:s17+$0x11800]  }
0x4aa: {  	v7 =	vadd.f32 v9, v7;
	v9 =	vld [tilespmem:s17+$0x12000];
	_ =	sdelay $0x1  }
0x4ab: {  	(xrf2) =	vadd.scan.msk.f32 $0xffff, v3;
	v3 =	vadd.f32 v6, v7  }
0x4ac: {  	s18 =	simm.s32 $0x20;
	(xrf2) =	vadd.scan.msk.f32 $0xffff, v6  }
0x4ad: {  	v6 =	vld [tilespmem:s18+$0x12800];
	(xrf2) =	vadd.scan.msk.f32 $0xffff, v3  }
0x4ae: {  	v3 =	vadd.f32 v5, v8;
	v4 =	vadd.f32 v9, v4;
	v5 =	vld [tilespmem:s18+$0x11800];
	_ =	sdelay $0x1  }
0x4af: {  	v4 =	vadd.f32 v3, v4  }
0x4b0: {  	v7 =	vld [tilespmem:s18+$0x12000];
	(xrf2) =	vadd.scan.msk.f32 $0xffff, v3  }
0x4b1: {  	s19 =	simm.s32 $0x30;
	(xrf2) =	vadd.scan.msk.f32 $0xffff, v4;
	v4 =	vld [tilespmem:s18+$0x11000]  }
0x4b2: {  	v11 =	vld [tilespmem:s19+$0x11800];
	v5 =	vadd.f32 v6, v5  }
0x4b3: {  	v12 =	vld [tilespmem:s19+$0x12000]  }
0x4b4: {  	v8 =	vld [tilespmem:s19+$0x12800];
	v3, _, _ =	vpop (xrf2);
	(xrf2) =	vadd.scan.msk.f32 $0xffff, v5  }
0x4b5: {  	v9 =	vld [tilespmem:s19+$0x11000];
	v6, _, _ =	vpop (xrf2)  }
0x4b6: {  	s20 =	simm.s32 $0x40;
	(v2sf) =	vpush v6, $0xF;
	v10, _, _ =	vpop (xrf2);
	v4 =	vadd.f32 v7, v4  }
0x4b7: {  	v13 =	vld [tilespmem:s20+$0x11000];
	(v2sf) =	vpush v10, $0xF  }
0x4b8: {  	v14 =	vld [tilespmem:s20+$0x11800];
	v4 =	vadd.f32 v5, v4  }
0x4b9: {  	v7 =	vld [tilespmem:s20+$0x12800]  }
0x4ba: {  	v8 =	vadd.f32 v8, v11;
	v5, _, _ =	vpop (xrf2);
	(xrf2) =	vadd.scan.msk.f32 $0xffff, v4;
	v4 =	vadd.f32 v12, v9;
	v9 =	vld [tilespmem:s20+$0x12000]  }
0x4bb: {  	(v2sf) =	vpush v5, $0xF  }
0x4bc: {  	v11, _, _ =	vpop (xrf2);
	(xrf2) =	vadd.scan.msk.f32 $0xffff, v8;
	v8 =	vadd.f32 v8, v4  }
0x4bd: {  	s21 =	simm.f32 $0.0e+00;
	(v2sf) =	vpush v11, $0xF  }
0x4be: {  	v7 =	vadd.f32 v7, v14;
	v12, _, _ =	vpop (xrf2);
	(xrf2) =	vadd.scan.msk.f32 $0xffff, v8;
	v8 =	vadd.f32 s21, v10  }
0x4bf: {  	s1 =	simm.s32 $0x50;
	v4 =	vbroadcast v3, $0xF;
	(v2sf) =	vpush v12, $0xF;
	v9 =	vadd.f32 v9, v13  }
0x4c0: {  	v6 =	vadd.f32 s21, v6;
	v14 =	vld [tilespmem:s1+$0x11800]  }
0x4c1: {  	v10 =	vld [tilespmem:s1+$0x12800];
	(xrf2) =	vadd.scan.msk.f32 $0xffff, v7;
	v8 =	vadd.f32 v8, v4;
	v9 =	vadd.f32 v7, v9  }
0x4c2: {  	v13 =	vld [tilespmem:s1+$0x11000]  }
0x4c3: {  	v7 =	vsub.f32 v8, v6;
	v8 =	vld [tilespmem:s1+$0x12000];
	(xrf2) =	vadd.scan.msk.f32 $0xffff, v9;
	_ =	sdelay $0x1  }
0x4c4: {  	s3 =	spop (v2sf)  }
0x4c5: {  	s25 =	spop (v2sf)  }
0x4c6: {  	v10 =	vadd.f32 v10, v14;
	v15, _, _ =	vpop (xrf2);
	s0 =	sadd.f32 s25, s21  }
0x4c7: {  	v7 =	vmax.f32 v7, $1.000000000e+00;
	s3 =	sadd.f32 s3, s21;
	(v2sf) =	vpush v15, $0xF;
	v9, _, _ =	vpop (xrf2);
	v8 =	vadd.f32 v8, v13  }
0x4c8: {  	(erf) = vrcp.f32 v7;
	(v2sf) =	vpush v9, $0xF;
	v7 =	vadd.f32 s0, v11  }
0x4c9: {  	s26 =	simm.s32 $0x60;
	v5 =	vadd.f32 s3, v5;
	s4 =	spop (v2sf);
	v11, _, _ =	vpop (xrf2);
	v20 =	vadd.f32 v10, v8  }
0x4ca: {  	v16 =	vld [tilespmem:s26+$0x12800];
	(xrf2) =	vadd.scan.msk.f32 $0xffff, v10;
	s28 =	sadd.f32 s4, s3;
	(v2sf) =	vpush v11, $0xF;
	v10, _, _ =	vpop (xrf2);
	v7 =	vadd.f32 v7, v4  }
0x4cb: {  	v14 =	vld [tilespmem:s26+$0x11800];
	s30 =	spop (v2sf);
	(v2sf) =	vpush v10, $0xF  }
0x4cc: {  	v21 =	vsub.f32 v7, v5;
	v7 =	vadd.f32 s28, v12;
	v12, _, _ =	vpop (xrf2)  }
0x4cd: {  	v17 =	vld [tilespmem:s26+$0x11000];
	s31 =	spop (v2sf);
	(v2sf) =	vpush v12, $0xF  }
0x4ce: {  	v19 =	vld [tilespmem:s26+$0x12000];
	_ =	sdelay $0x1  }
0x4cf: {  	v18 =	vadd.f32 v16, v14;
	s0 =	sadd.f32 s30, s0  }
0x4d0: {  	s8 =	simm.s32 $0x70;
	(xrf2) =	vadd.scan.msk.f32 $0xffff, v20;
	v14 =	vmax.f32 v21, $1.000000000e+00  }
0x4d1: {  	v13 =	vld [tilespmem:s8+$0x12800];
	(xrf2) =	vadd.scan.msk.f32 $0xffff, v18;
	v22 =	vadd.f32 s0, v15  }
0x4d2: {  	v19 =	vadd.f32 v19, v17;
	v16 =	vld [tilespmem:s8+$0x11800];
	(erf) = vrcp.f32 v14  }
0x4d3: {  	s9 =	simm.s32 $0x200;
	v8 =	vsub.f32 v4, v6;
	v6 =	vimm.f32 $0.0e+00;
	v15 =	vld [tilespmem:s8+$0x11000];
	s4 =	sadd.f32 s31, s28;
	v17 =	vadd.f32 v22, v4;
	v14 =	vpop (erf)  }
.LBB2_25:
0x4d4: {  	p1 =	sne.s32 s9, $0x1FC0  }
0x4d5: {  	v20 =	vld [tilespmem:s8+$0x12000];
	v19 =	vadd.f32 v18, v19;
	v17 =	vsub.f32 v17, v7;
	s1 =	spop (v2sf);
	v14 =	vmul.f32 v14, v8;
	s3 =	smov.u32 s9;
	s9 =	sadd.s32 $0x40, s9  }
0x4d6: {  	v8 =	vsub.f32 v4, v5;
	v5 =	vmov v7;
	s0 =	sadd.f32 s1, s0  }
.Ltmp16:
0x4d7: {  	v7 =	vadd.f32 s4, v9;
	(xrf2) =	vadd.scan.msk.f32 $0xffff, v19;
	v18, _, _ =	vpop (xrf2);
	v17 =	vmax.f32 v17, $1.000000000e+00;
	v14 =	vsub.f32 $1.000000000e+00, v14;
	(pc) =	sbr.rel @p1 .LBB2_25-.Ltmp16, $4  }
0x4d8: {  	v9 =	vmovc v10;
	s8 =	sshra.s32 s3, $0x2;
	(v2sf) =	vpush v18, $0xF;
	v21 =	vadd.f32 s0, v11;
	v10 =	vmovc v18;
	v11 =	vmov v12  }
0x4d9: {  	v18 =	vadd.f32 v13, v16;
	v13 =	vld [tilespmem:s8+$0x12800];
	s1 =	spop (v2sf);
	(erf) = vrcp.f32 v17;
	v6 =	vadd.f32 v14, v6  }
0x4da: {  	v19 =	vadd.f32 v20, v15;
	v15 =	vld [tilespmem:s8+$0x11000];
	v12, _, _ =	vpop (xrf2);
	v17 =	vadd.f32 v21, v4;
	s4 =	sadd.f32 s1, s4  }
0x4db: {  	v16 =	vld [tilespmem:s8+$0x11800];
	(xrf2) =	vadd.scan.msk.f32 $0xffff, v18;
	(v2sf) =	vpush v12, $0xF;
	v14 =	vpop (erf)  }
0x4dc: {  	v18 =	vadd.f32 v18, v19;
	_ =	sdelay $0x1  }
0x4dd: {  	(xrf2) =	vadd.scan.msk.f32 $0xffff, v18;
	_ =	sdelay $0x5  }
0x4de: {  	v31, _, _ =	vpop (xrf2)  }
0x4df: {  	(v2sf) =	vpush v31, $0xF;
	v32, _, _ =	vpop (xrf2)  }
0x4e0: {  	(v2sf) =	vpush v32, $0xF  }
0x4e1: {  	v20 =	vld [tilespmem:s8+$0x12000];
	v21, _, _ =	vpop (xrf2)  }
0x4e2: {  	(v2sf) =	vpush v21, $0xF;
	v22, _, _ =	vpop (xrf2)  }
0x4e3: {  	(v2sf) =	vpush v22, $0xF;
	_ =	sdelay $0x2  }
0x4e4: {  	v13 =	vadd.f32 v13, v16;
	v15 =	vadd.f32 v20, v15;
	_ =	sdelay $0x1  }
0x4e5: {  	v15 =	vadd.f32 v13, v15  }
0x4e6: {  	s1 =	spop (v2sf);
	(xrf2) =	vadd.scan.msk.f32 $0xffff, v13  }
0x4e7: {  	s0 =	sadd.f32 s1, s0;
	s9 =	spop (v2sf);
	(xrf2) =	vadd.scan.msk.f32 $0xffff, v15  }
0x4e8: {  	s3 =	spop (v2sf)  }
0x4e9: {  	v11 =	vadd.f32 s0, v11;
	s0 =	sadd.f32 s3, s0;
	s11 =	spop (v2sf)  }
0x4ea: {  	v9 =	vadd.f32 s4, v9;
	v33 =	vsub.f32 v17, v7;
	s1 =	sadd.f32 s9, s4;
	s12 =	spop (v2sf)  }
0x4eb: {  	v11 =	vadd.f32 v11, v4;
	v12 =	vadd.f32 s0, v12;
	s0 =	sadd.f32 s12, s0;
	s14 =	spop (v2sf)  }
0x4ec: {  	v10 =	vadd.f32 s1, v10;
	s4 =	sadd.f32 s11, s1;
	s15 =	spop (v2sf)  }
0x4ed: {  	v11 =	vsub.f32 v11, v9;
	v13 =	vmax.f32 v33, $1.000000000e+00;
	v12 =	vadd.f32 v12, v4;
	s16 =	sadd.f32 s15, s0  }
0x4ee: {  	(erf) = vrcp.f32 v13;
	v34 =	vadd.f32 s0, v32;
	s17 =	spop (v2sf)  }
0x4ef: {  	v11 =	vmax.f32 v11, $1.000000000e+00;
	v12 =	vsub.f32 v12, v10;
	s3 =	sadd.f32 s14, s4;
	v35 =	vadd.f32 s16, v22;
	s18 =	spop (v2sf)  }
0x4f0: {  	(erf) = vrcp.f32 v11;
	v37 =	vadd.f32 s4, v31;
	v36, _, _ =	vpop (xrf2);
	v13 =	vadd.f32 v34, v4;
	s0 =	sadd.f32 s18, s16  }
0x4f1: {  	v12 =	vmax.f32 v12, $1.000000000e+00;
	v38, _, _ =	vpop (xrf2);
	v39 =	vadd.f32 s3, v21;
	v15 =	vadd.f32 v35, v4  }
0x4f2: {  	(erf) = vrcp.f32 v12;
	v40 =	vsub.f32 v13, v37;
	s19 =	sadd.f32 s17, s3;
	v41 =	vadd.f32 s0, v38  }
0x4f3: {  	v8 =	vmul.f32 v14, v8;
	v5 =	vsub.f32 v4, v5;
	v42 =	vsub.f32 v15, v39  }
0x4f4: {  	v12 =	vmax.f32 v40, $1.000000000e+00;
	v44 =	vadd.f32 s19, v36;
	v13 =	vadd.f32 v41, v4  }
0x4f5: {  	v45 =	vsub.f32 v4, v7;
	v8 =	vsub.f32 $1.000000000e+00, v8;
	v43 =	vpop (erf);
	(erf) = vrcp.f32 v12  }
0x4f6: {  	v5 =	vmul.f32 v43, v5;
	v46 =	vmax.f32 v42, $1.000000000e+00;
	v13 =	vsub.f32 v13, v44  }
0x4f7: {  	v48 =	vsub.f32 v4, v9;
	v6 =	vadd.f32 v8, v6;
	v47 =	vpop (erf);
	(erf) = vrcp.f32 v46  }
0x4f8: {  	v5 =	vsub.f32 $1.000000000e+00, v5;
	v7 =	vmul.f32 v47, v45;
	v49 =	vmax.f32 v13, $1.000000000e+00  }
0x4f9: {  	v51 =	vsub.f32 v4, v10;
	v50 =	vpop (erf);
	(erf) = vrcp.f32 v49  }
0x4fa: {  	v5 =	vadd.f32 v5, v6;
	v7 =	vsub.f32 $1.000000000e+00, v7;
	v6 =	vmul.f32 v50, v48  }
0x4fb: {  	v52 =	vpop (erf)  }
0x4fc: {  	v5 =	vadd.f32 v7, v5;
	v6 =	vsub.f32 $1.000000000e+00, v6;
	v53 =	vmul.f32 v52, v51  }
0x4fd: {  	v54 =	vsub.f32 v4, v37  }
0x4fe: {  	v5 =	vadd.f32 v6, v5;
	v56 =	vsub.f32 $1.000000000e+00, v53;
	v55 =	vpop (erf)  }
0x4ff: {  	v58 =	vsub.f32 v4, v39;
	v57 =	vmul.f32 v55, v54  }
0x500: {  	v5 =	vadd.f32 v56, v5;
	v59 =	vpop (erf)  }
0x501: {  	v60 =	vsub.f32 v4, v44;
	v7 =	vsub.f32 $1.000000000e+00, v57;
	v6 =	vmul.f32 v59, v58  }
0x502: {  	v61 =	vpop (erf)  }
0x503: {  	v5 =	vadd.f32 v7, v5;
	v6 =	vsub.f32 $1.000000000e+00, v6;
	v62 =	vmul.f32 v61, v60;
	_ =	sdelay $0x1  }
0x504: {  	v5 =	vadd.f32 v6, v5;
	v63 =	vsub.f32 $1.000000000e+00, v62;
	_ =	sdelay $0x1  }
0x505: {  	v5 =	vadd.f32 v63, v5;
	_ =	sdelay $0x1  }
0x506: {  	(xrf2) =	vadd.scan.msk.f32 $0xffff, v5;
	_ =	sdelay $0x7  }
0x507: {  	(v2sf) =	vpush v36, $0xF  }
0x508: {  	(v2sf) =	vpush v38, $0xF  }
0x509: {  	(v2sf) =	vpush v3, $0xF;
	v3, _, _ =	vpop (xrf2)  }
0x50a: {  	(v2sf) =	vpush v3, $0xF;
	_ =	sdelay $0xb  }
0x50b: {  	s20 =	spop (v2sf)  }
0x50c: {  	s21 =	spop (v2sf)  }
0x50d: {  	s0 =	sadd.f32 s21, s0;
	s25 =	spop (v2sf)  }
0x50e: {  	p1 =	sgt.f32 s25, $0.0e+00;
	s26 =	spop (v2sf)  }
0x50f: {  	s8 =	simm.f32 $1.000000000e+00;
	s3 =	sadd.f32 $-5.000000000e-01, s26  }
0x510: {  	s8 =	simm.s32 @!p1 $0x0  }
0x511: {  	s1 =	sadd.f32 s20, s19;
	v3 =	vmov s0;
	s3 =	smul.f32 s8, s3  }
0x512: {  	v3 =	vnsel vm0, $0x0, v3  }
0x513: {  	v3 =	vsel vm1, s1, v3;
	s28 =	smul.f32 $4.882812500e-04, s3  }
0x514: {  	vm3 =	veq.s32 v2, $0x0;
	v3 =	vsel vm2, v4, v3  }
0x515: {  	v3 =	vsel vm3, s28, v3;
	vm3 =	veq.s32 v2, $0x1  }
0x516: {  	v3 =	vsel vm3, s8, v3  }
.Ltmp17:
0x517: {  	s30 =	simm.s32 $0x0;
	s31 =	rddreg [dreg:$0xd];
	[tilespmem:$0x13000] =	vst v3;
	(pc) =	sbr.rel .LBB2_27-.Ltmp17, $4  }
0x518: {  	[hbm4b:s31+s30] =	stream.linear.scatter [tilespmem:s13], [sflag:$0x3], $0x80, $0x38;
	[tilespmem:$0x18080] =	vst v63  }
0x519: {  	_ =	swait.ge [sflag:s29], $0x80  }
0x51a: {  	[sflag:s29] =	ssyncset.done $0x0  }
0x51b: {  	s1 =	rddreg [dreg:$0xf];
	[sflag:s29] =	ssyncadd.s32 $0xFFFFFF80  }
.LBB2_28:
0x51c: {  	_ =	sfence.sel $0x180000  }
0x51d: {  	[bflag:$0x0] =	sbarrier.arrive $0xFFFF  }
0x51e: {  	_ =	strace $0x90000047  }
0x51f: {  	s0 =	stileid.u32;
	[bflag:$0x2] =	sbarrier.arrive $0xFFFF  }
0x520: {  	p0 =	sne.s32 s0, $0x0;
	s0 =	rddreg [dreg:$0x2]  }
0x521: {  	s0 =	sadd.s32 @!p0 $0x100000, s0  }
0x522: {  	[sflag:s0] =	ssyncadd.tile.s32 @!p0 $0x1;
	_ =	shalt  }
.Lfunc_end2:
_tile_overlayer_lowered:
.L_overlay_start_2:
0x523: {  	(tag) =	ssettag $0x2  }
0x524: {  	s0 =	rddreg [dreg:$0x0];
	s2 =	stileid.u32  }
0x525: {  	s1 =	rddreg [dreg:$0x1];
	p0 =	sne.s32 s2, $0x0  }
0x526: {  	s3 =	rddreg [dreg:$0x2];
	[bflag:$0x3] =	sbarrier.arrive $0xFFFF;
	s2 =	simm.s32 @!p0 $0x1C03  }
0x527: {  	[timem:s3], [sflag:s2] =	dma.local @!p0 [hbm:s0], s1  }
0x528: {  	s0 =	simm.s32 @!p0 $0x3  }
0x529: {  	_ =	swait.ge @!p0 [sflag:s0], s1  }
0x52a: {  	s1 =	ssub.s32 @!p0 $0x0, s1;
	[sflag:s0] =	ssyncset.done @!p0 $0x0  }
0x52b: {  	[sflag:s0] =	ssyncadd.s32 @!p0 s1  }
0x52c: {  	[bflag:$0x3] =	sbarrier.arrive $0xFFFF  }
0x52d: {  	_ =	shalt  }

</sc_bundles>
